<compile_context>
chip_gen: v7x
topology: tpu7x:2x2x1
jax: 0.10.2.dev20260603
libtpu: 0.0.44.dev20260713+nightly
codegen_flags: <defaults>
</compile_context>

<pallas_src>
import functools

import jax
import jax.numpy as jnp
from jax import lax
from jax.experimental import pallas as pl
from jax.experimental.pallas import tpu as pltpu
from jax.experimental.pallas import tpu_sc as plsc

_LANES = 16
_SUBL = 8
_TMIN = 128
_ROUND = 32


@functools.lru_cache(maxsize=None)
def _build(B: int, V: int, D: int):
  info = plsc.get_sparse_core_info()
  nw = info.num_cores * info.num_subcores
  d_tiles = D // _SUBL
  wpd = nw // d_tiles
  b_per_w = B // wpd
  n_rounds = b_per_w // _ROUND
  assert n_rounds * _ROUND == b_per_w and b_per_w % _TMIN == 0
  mesh = plsc.VectorSubcoreMesh(core_axis_name="c", subcore_axis_name="s")

  @functools.partial(
      pl.kernel,
      mesh=mesh,
      out_type=jax.ShapeDtypeStruct((D, B), jnp.float32),
      scratch_types=[
          pltpu.VMEM((b_per_w,), jnp.int32),
          pltpu.VMEM((2, _ROUND, _SUBL, _TMIN), jnp.float32),
          pltpu.VMEM((_SUBL, b_per_w), jnp.float32),
          pltpu.SemaphoreType.DMA,
      ],
      compiler_params=pltpu.CompilerParams(needs_layout_passes=False),
  )
  def gather_kernel(idx_hbm, table_t_hbm, out_t_hbm, idx_v, stage_v,
                    band_v, sem):
    wid = lax.axis_index("s") * info.num_cores + lax.axis_index("c")
    ti = wid // wpd
    d0 = pl.multiple_of(ti * _SUBL, _SUBL)
    gbase = (wid % wpd) * b_per_w
    pltpu.sync_copy(idx_hbm.at[pl.ds(gbase, b_per_w)], idx_v)

    def fire(r, buf):
      for m in range(_ROUND // _LANES):
        vi = idx_v[pl.ds(r * _ROUND + m * _LANES, _LANES)]
        vcol = vi >> 7
        for j in range(_LANES):
          col = pl.multiple_of(vcol[j] * _TMIN, _TMIN)
          pltpu.async_copy(
              table_t_hbm.at[pl.ds(d0, _SUBL), pl.ds(col, _TMIN)],
              stage_v.at[buf, m * _LANES + j],
              sem,
          )

    def drain(buf):
      for i in range(_ROUND):
        pltpu.make_async_copy(
            table_t_hbm.at[pl.ds(0, _SUBL), pl.ds(0, _TMIN)],
            stage_v.at[buf, i],
            sem,
        ).wait()

    def extract(r, buf):
      buf_ix = jnp.full((_LANES,), 0, jnp.int32) + buf
      for m in range(_ROUND // _LANES):
        vi = idx_v[pl.ds(r * _ROUND + m * _LANES, _LANES)]
        lane = vi & (_TMIN - 1)
        row = lax.iota(jnp.int32, _LANES) + m * _LANES
        for s in range(_SUBL):
          vals = plsc.load_gather(
              stage_v, [buf_ix, row, jnp.full((_LANES,), s, jnp.int32), lane]
          )
          band_v[s, pl.ds(r * _ROUND + m * _LANES, _LANES)] = vals

    def step(r):
      fire(r, r % 2)

      @pl.when(r > 0)
      def _():
        drain((r - 1) % 2)
        extract(r - 1, (r - 1) % 2)

    pl.loop(0, n_rounds)(step)
    drain((n_rounds - 1) % 2)
    extract(n_rounds - 1, (n_rounds - 1) % 2)

    pltpu.sync_copy(
        band_v,
        out_t_hbm.at[pl.ds(d0, _SUBL), pl.ds(gbase, b_per_w)],
    )

  return gather_kernel


def kernel(movie_id, movie_table):
  (B,) = movie_id.shape
  V, D = movie_table.shape
  idx = movie_id.astype(jnp.int32)
  out_t = _build(B, V, D)(idx, movie_table.T)
  return out_t.T

# --- scband reference (transcript-rebuilt; emitter-appended) ---
"""Pipeline reference for scband-movie-model-18571438588364 (READ-ONLY COPY).

The authoritative reference and input builder live on the scoring server;
editing this copy changes nothing except your own understanding.
"""

import jax, jax.numpy as jnp
import numpy as np

N_MOVIES = 1000000
EMBED_DIM = 32
BATCH = 16384

def setup_inputs(seed: int = 0) -> dict:
    key = jax.random.key(seed)
    k1, k2 = jax.random.split(key)
    movie_id = jax.random.randint(k1, (BATCH,), 0, N_MOVIES + 1, dtype=jnp.int64 if jax.config.jax_enable_x64 else jnp.int32)
    # Embedding table: (n_movies + 1, embed_out_dim), matches keras.layers.Embedding(n_movies+1, embed_out_dim)
    movie_table = jax.random.normal(k2, (N_MOVIES + 1, EMBED_DIM), dtype=jnp.float32) * 0.05
    return {"movie_id": movie_id, "movie_table": movie_table}

def reference(movie_id, movie_table):
    # MovieModel.call with incl_genres=False:
    #   out = Flatten(Embedding(movie_id)) ; Concatenate of single result is identity.
    # movie_id shape [B] -> embedding [B, D] -> flatten [B, D]
    emb = jnp.take(movie_table, movie_id, axis=0)
    out = emb.reshape(emb.shape[0], -1)
    return out

if __name__ == "__main__":
    import jax
    _d = setup_inputs()
    print(jax.jit(kernel)(*tuple(_d.values())))

</pallas_src>

<mosaic_0001>
#map = affine_map<(d0, d1) -> (0)>
#map1 = affine_map<(d0, d1) -> (0, 0)>
module attributes {stable_mosaic.version = 14 : i64} {
  func.func @gather_kernel(%arg0: i32, %arg1: i32, %arg2: memref<16384xi32, #tpu.memory_space<hbm>>, %arg3: memref<32x1000001xf32, #tpu.memory_space<hbm>>, %arg4: memref<32x16384xf32, #tpu.memory_space<hbm>>, %arg5: memref<2048xi32, #tpu.memory_space<vmem>>, %arg6: memref<2x32x8x128xf32, #tpu.memory_space<vmem>>, %arg7: memref<8x2048xf32, #tpu.memory_space<vmem>>, %arg8: memref<!tpu.dma_semaphore, #tpu.memory_space<semaphore_mem>>) attributes {dimension_semantics = [#tpu.dimension_semantics<core_parallel>, #tpu.dimension_semantics<subcore_parallel>], iteration_bounds = array<i64: 2, 16>, scalar_prefetch = 0 : i64, scratch_operands = 4 : i64, tpu.core_type = #tpu.core_type<sc_vector_subcore>, window_params = [{transform_indices = #map}, {transform_indices = #map1}, {transform_indices = #map1}]} {
    %mul3A = arith.constant 2 : i32
    %mul3A_0 = arith.muli %arg1, %mul3A : i32
    %add3A = arith.addi %mul3A_0, %arg0 : i32
    %jit3A = arith.constant 8 : i32
    %div3A = arith.divsi %add3A, %jit3A : i32
    %sign3A = arith.constant 0 : i32
    %sign3A_1 = arith.cmpi sgt, %add3A, %sign3A : i32
    %sign3A_2 = arith.extui %sign3A_1 : i1 to i32
    %sign3A_3 = arith.constant 0 : i32
    %sign3A_4 = arith.cmpi slt, %add3A, %sign3A_3 : i32
    %sign3A_5 = arith.extui %sign3A_4 : i1 to i32
    %sign3A_6 = arith.subi %sign3A_2, %sign3A_5 : i32
    %sign3A_7 = arith.constant 0 : i32
    %sign3A_8 = arith.cmpi sgt, %jit3A, %sign3A_7 : i32
    %sign3A_9 = arith.extui %sign3A_8 : i1 to i32
    %sign3A_10 = arith.constant 0 : i32
    %sign3A_11 = arith.cmpi slt, %jit3A, %sign3A_10 : i32
    %sign3A_12 = arith.extui %sign3A_11 : i1 to i32
    %sign3A_13 = arith.subi %sign3A_9, %sign3A_12 : i32
    %ne3A = arith.cmpi ne, %sign3A_6, %sign3A_13 : i32
    %rem3A = arith.remsi %add3A, %jit3A : i32
    %ne3A_14 = arith.constant 0 : i32
    %ne3A_15 = arith.cmpi ne, %rem3A, %ne3A_14 : i32
    %and3A = arith.andi %ne3A, %ne3A_15 : i1
    %sub3A = arith.constant 1 : i32
    %sub3A_16 = arith.subi %div3A, %sub3A : i32
    %select_n3A = arith.select %and3A, %sub3A_16, %div3A : i32
    %mul3A_17 = arith.constant 8 : i32
    %mul3A_18 = arith.muli %select_n3A, %mul3A_17 : i32
    %multiple_of3A = tpu.assume_multiple %mul3A_18, 8 : i32
    %jit3A_19 = arith.constant 8 : i32
    %eq3A = arith.constant 0 : i32
    %eq3A_20 = arith.cmpi eq, %jit3A_19, %eq3A : i32
    %jit3A_21 = arith.constant 1 : i32
    %select_n3A_22 = arith.select %eq3A_20, %jit3A_21, %jit3A_19 : i32
    %rem3A_23 = arith.remsi %add3A, %select_n3A_22 : i32
    %ne3A_24 = arith.constant 0 : i32
    %ne3A_25 = arith.cmpi ne, %rem3A_23, %ne3A_24 : i32
    %lt3A = arith.constant 0 : i32
    %lt3A_26 = arith.cmpi slt, %rem3A_23, %lt3A : i32
    %lt3A_27 = arith.constant 0 : i32
    %lt3A_28 = arith.cmpi slt, %select_n3A_22, %lt3A_27 : i32
    %ne3A_29 = arith.xori %lt3A_26, %lt3A_28 : i1
    %and3A_30 = arith.andi %ne3A_29, %ne3A_25 : i1
    %add3A_31 = arith.addi %rem3A_23, %select_n3A_22 : i32
    %select_n3A_32 = arith.select %and3A_30, %add3A_31, %rem3A_23 : i32
    %mul3A_33 = arith.constant 2048 : i32
    %mul3A_34 = arith.muli %select_n3A_32, %mul3A_33 : i32
    "tpu.region"() ({
      %run_scoped3A = tpu.sem_alloc : memref<!tpu.dma_semaphore, #tpu.memory_space<semaphore_mem>>
      %dma_start3A = tpu.memref_slice %arg2[%mul3A_34] : memref<16384xi32, #tpu.memory_space<hbm>> -> memref<2048xi32, #tpu.memory_space<hbm>>
      %dma_start3A_680 = tpu.memref_slice %arg2[%mul3A_34] : memref<16384xi32, #tpu.memory_space<hbm>> -> memref<2048xi32, #tpu.memory_space<hbm>>
      tpu.enqueue_dma source(%dma_start3A_680 : memref<2048xi32, #tpu.memory_space<hbm>>) target(%arg5 : memref<2048xi32, #tpu.memory_space<vmem>>) target_semaphore(%run_scoped3A : memref<!tpu.dma_semaphore, #tpu.memory_space<semaphore_mem>>)
      %dma_wait3A_681 = tpu.memref_slice %arg2[%mul3A_34] : memref<16384xi32, #tpu.memory_space<hbm>> -> memref<2048xi32, #tpu.memory_space<hbm>>
      %dma_wait3A_682 = tpu.memref_slice %arg2[%mul3A_34] : memref<16384xi32, #tpu.memory_space<hbm>> -> memref<2048xi32, #tpu.memory_space<hbm>>
      tpu.wait_dma2 semaphore(%run_scoped3A : memref<!tpu.dma_semaphore, #tpu.memory_space<semaphore_mem>>) src(%dma_wait3A_682 : memref<2048xi32, #tpu.memory_space<hbm>>) dst(%arg5 : memref<2048xi32, #tpu.memory_space<vmem>>)
      tpu.yield
    }) : () -> ()
    %scan3A = arith.constant 0 : i32
    %scan3A_35 = arith.constant 64 : i32
    %scan3A_36 = arith.addi %scan3A, %scan3A_35 : i32
    %scan3A_37 = arith.constant 1 : i32
    scf.for %scan3A_680 = %scan3A to %scan3A_36 step %scan3A_37  : i32 {
      %mul3A_681 = arith.constant 1 : i32
      %mul3A_682 = arith.muli %scan3A_680, %mul3A_681 : i32
      %add3A_683 = arith.constant 0 : i32
      %add3A_684 = arith.addi %add3A_683, %mul3A_682 : i32
      %jit3A_685 = arith.constant 2 : i32
      %eq3A_686 = arith.constant 0 : i32
      %eq3A_687 = arith.cmpi eq, %jit3A_685, %eq3A_686 : i32
      %jit3A_688 = arith.constant 1 : i32
      %select_n3A_689 = arith.select %eq3A_687, %jit3A_688, %jit3A_685 : i32
      %rem3A_690 = arith.remsi %add3A_684, %select_n3A_689 : i32
      %ne3A_691 = arith.constant 0 : i32
      %ne3A_692 = arith.cmpi ne, %rem3A_690, %ne3A_691 : i32
      %lt3A_693 = arith.constant 0 : i32
      %lt3A_694 = arith.cmpi slt, %rem3A_690, %lt3A_693 : i32
      %lt3A_695 = arith.constant 0 : i32
      %lt3A_696 = arith.cmpi slt, %select_n3A_689, %lt3A_695 : i32
      %ne3A_697 = arith.xori %lt3A_694, %lt3A_696 : i1
      %and3A_698 = arith.andi %ne3A_697, %ne3A_692 : i1
      %add3A_699 = arith.addi %rem3A_690, %select_n3A_689 : i32
      %select_n3A_700 = arith.select %and3A_698, %add3A_699, %rem3A_690 : i32
      %mul3A_701 = arith.constant 32 : i32
      %mul3A_702 = arith.muli %add3A_684, %mul3A_701 : i32
      %add3A_703 = arith.constant 0 : i32
      %add3A_704 = arith.addi %mul3A_702, %add3A_703 : i32
      %get3A_705 = arith.index_cast %add3A_704 : i32 to index
      %get3A_706 = tpu.vector_load %arg5[%get3A_705] {strides = array<i32>} : memref<2048xi32, #tpu.memory_space<vmem>>, vector<16xi32>,
      %shift_right_arithmetic3A = arith.constant 7 : i32
      %shift_right_arithmetic3A_707 = vector.broadcast %shift_right_arithmetic3A : i32 to vector<16xi32>
      %shift_right_arithmetic3A_708 = arith.shrsi %get3A_706, %shift_right_arithmetic3A_707 : vector<16xi32>
      %slice3A = vector.extract_strided_slice %shift_right_arithmetic3A_708 {offsets = [0], sizes = [1], strides = [1]} : vector<16xi32> to vector<1xi32>
      %squeeze3A = vector.extract %slice3A[0] : i32 from vector<1xi32>
      %mul3A_709 = arith.constant 128 : i32
      %mul3A_710 = arith.muli %squeeze3A, %mul3A_709 : i32
      %multiple_of3A_711 = tpu.assume_multiple %mul3A_710, 128 : i32
      %dma_start3A = arith.constant 0 : i32
      %dma_start3A_712 = arith.constant 0 : i32
      %dma_start3A_713 = arith.constant 0 : i32
      %dma_start3A_714 = tpu.memref_slice %arg6[%select_n3A_700, %dma_start3A, %dma_start3A_712, %dma_start3A_713] : memref<2x32x8x128xf32, #tpu.memory_space<vmem>> -> memref<1x1x8x128xf32, #tpu.memory_space<vmem>>
      %dma_start3A_715 = tpu.memref_squeeze %dma_start3A_714 : memref<1x1x8x128xf32, #tpu.memory_space<vmem>> -> memref<8x128xf32, #tpu.memory_space<vmem>>
      %dma_start3A_716 = tpu.memref_slice %arg3[%multiple_of3A, %multiple_of3A_711] : memref<32x1000001xf32, #tpu.memory_space<hbm>> -> memref<8x128xf32, #tpu.memory_space<hbm>>
      %dma_start3A_717 = arith.constant 0 : i32
      %dma_start3A_718 = arith.constant 0 : i32
      %dma_start3A_719 = tpu.memref_slice %arg6[%select_n3A_700, %dma_start3A, %dma_start3A_717, %dma_start3A_718] : memref<2x32x8x128xf32, #tpu.memory_space<vmem>> -> memref<1x1x8x128xf32, #tpu.memory_space<vmem>>
      %dma_start3A_720 = tpu.memref_squeeze %dma_start3A_719 : memref<1x1x8x128xf32, #tpu.memory_space<vmem>> -> memref<8x128xf32, #tpu.memory_space<vmem>>
      %dma_start3A_721 = tpu.memref_slice %arg3[%multiple_of3A, %multiple_of3A_711] : memref<32x1000001xf32, #tpu.memory_space<hbm>> -> memref<8x128xf32, #tpu.memory_space<hbm>>
      tpu.enqueue_dma source(%dma_start3A_721 : memref<8x128xf32, #tpu.memory_space<hbm>>) target(%dma_start3A_720 : memref<8x128xf32, #tpu.memory_space<vmem>>) target_semaphore(%arg8 : memref<!tpu.dma_semaphore, #tpu.memory_space<semaphore_mem>>)
      %slice3A_722 = vector.extract_strided_slice %shift_right_arithmetic3A_708 {offsets = [1], sizes = [1], strides = [1]} : vector<16xi32> to vector<1xi32>
      %squeeze3A_723 = vector.extract %slice3A_722[0] : i32 from vector<1xi32>
      %mul3A_724 = arith.constant 128 : i32
      %mul3A_725 = arith.muli %squeeze3A_723, %mul3A_724 : i32
      %multiple_of3A_726 = tpu.assume_multiple %mul3A_725, 128 : i32
      %dma_start3A_727 = arith.constant 1 : i32
      %dma_start3A_728 = arith.constant 0 : i32
      %dma_start3A_729 = arith.constant 0 : i32
      %dma_start3A_730 = tpu.memref_slice %arg6[%select_n3A_700, %dma_start3A_727, %dma_start3A_728, %dma_start3A_729] : memref<2x32x8x128xf32, #tpu.memory_space<vmem>> -> memref<1x1x8x128xf32, #tpu.memory_space<vmem>>
      %dma_start3A_731 = tpu.memref_squeeze %dma_start3A_730 : memref<1x1x8x128xf32, #tpu.memory_space<vmem>> -> memref<8x128xf32, #tpu.memory_space<vmem>>
      %dma_start3A_732 = tpu.memref_slice %arg3[%multiple_of3A, %multiple_of3A_726] : memref<32x1000001xf32, #tpu.memory_space<hbm>> -> memref<8x128xf32, #tpu.memory_space<hbm>>
      %dma_start3A_733 = arith.constant 0 : i32
      %dma_start3A_734 = arith.constant 0 : i32
      %dma_start3A_735 = tpu.memref_slice %arg6[%select_n3A_700, %dma_start3A_727, %dma_start3A_733, %dma_start3A_734] : memref<2x32x8x128xf32, #tpu.memory_space<vmem>> -> memref<1x1x8x128xf32, #tpu.memory_space<vmem>>
      %dma_start3A_736 = tpu.memref_squeeze %dma_start3A_735 : memref<1x1x8x128xf32, #tpu.memory_space<vmem>> -> memref<8x128xf32, #tpu.memory_space<vmem>>
      %dma_start3A_737 = tpu.memref_slice %arg3[%multiple_of3A, %multiple_of3A_726] : memref<32x1000001xf32, #tpu.memory_space<hbm>> -> memref<8x128xf32, #tpu.memory_space<hbm>>
      tpu.enqueue_dma source(%dma_start3A_737 : memref<8x128xf32, #tpu.memory_space<hbm>>) target(%dma_start3A_736 : memref<8x128xf32, #tpu.memory_space<vmem>>) target_semaphore(%arg8 : memref<!tpu.dma_semaphore, #tpu.memory_space<semaphore_mem>>)
      %slice3A_738 = vector.extract_strided_slice %shift_right_arithmetic3A_708 {offsets = [2], sizes = [1], strides = [1]} : vector<16xi32> to vector<1xi32>
      %squeeze3A_739 = vector.extract %slice3A_738[0] : i32 from vector<1xi32>
      %mul3A_740 = arith.constant 128 : i32
      %mul3A_741 = arith.muli %squeeze3A_739, %mul3A_740 : i32
      %multiple_of3A_742 = tpu.assume_multiple %mul3A_741, 128 : i32
      %dma_start3A_743 = arith.constant 2 : i32
      %dma_start3A_744 = arith.constant 0 : i32
      %dma_start3A_745 = arith.constant 0 : i32
      %dma_start3A_746 = tpu.memref_slice %arg6[%select_n3A_700, %dma_start3A_743, %dma_start3A_744, %dma_start3A_745] : memref<2x32x8x128xf32, #tpu.memory_space<vmem>> -> memref<1x1x8x128xf32, #tpu.memory_space<vmem>>
      %dma_start3A_747 = tpu.memref_squeeze %dma_start3A_746 : memref<1x1x8x128xf32, #tpu.memory_space<vmem>> -> memref<8x128xf32, #tpu.memory_space<vmem>>
      %dma_start3A_748 = tpu.memref_slice %arg3[%multiple_of3A, %multiple_of3A_742] : memref<32x1000001xf32, #tpu.memory_space<hbm>> -> memref<8x128xf32, #tpu.memory_space<hbm>>
      %dma_start3A_749 = arith.constant 0 : i32
      %dma_start3A_750 = arith.constant 0 : i32
      %dma_start3A_751 = tpu.memref_slice %arg6[%select_n3A_700, %dma_start3A_743, %dma_start3A_749, %dma_start3A_750] : memref<2x32x8x128xf32, #tpu.memory_space<vmem>> -> memref<1x1x8x128xf32, #tpu.memory_space<vmem>>
      %dma_start3A_752 = tpu.memref_squeeze %dma_start3A_751 : memref<1x1x8x128xf32, #tpu.memory_space<vmem>> -> memref<8x128xf32, #tpu.memory_space<vmem>>
      %dma_start3A_753 = tpu.memref_slice %arg3[%multiple_of3A, %multiple_of3A_742] : memref<32x1000001xf32, #tpu.memory_space<hbm>> -> memref<8x128xf32, #tpu.memory_space<hbm>>
      tpu.enqueue_dma source(%dma_start3A_753 : memref<8x128xf32, #tpu.memory_space<hbm>>) target(%dma_start3A_752 : memref<8x128xf32, #tpu.memory_space<vmem>>) target_semaphore(%arg8 : memref<!tpu.dma_semaphore, #tpu.memory_space<semaphore_mem>>)
      %slice3A_754 = vector.extract_strided_slice %shift_right_arithmetic3A_708 {offsets = [3], sizes = [1], strides = [1]} : vector<16xi32> to vector<1xi32>
      %squeeze3A_755 = vector.extract %slice3A_754[0] : i32 from vector<1xi32>
      %mul3A_756 = arith.constant 128 : i32
      %mul3A_757 = arith.muli %squeeze3A_755, %mul3A_756 : i32
      %multiple_of3A_758 = tpu.assume_multiple %mul3A_757, 128 : i32
      %dma_start3A_759 = arith.constant 3 : i32
      %dma_start3A_760 = arith.constant 0 : i32
      %dma_start3A_761 = arith.constant 0 : i32
      %dma_start3A_762 = tpu.memref_slice %arg6[%select_n3A_700, %dma_start3A_759, %dma_start3A_760, %dma_start3A_761] : memref<2x32x8x128xf32, #tpu.memory_space<vmem>> -> memref<1x1x8x128xf32, #tpu.memory_space<vmem>>
      %dma_start3A_763 = tpu.memref_squeeze %dma_start3A_762 : memref<1x1x8x128xf32, #tpu.memory_space<vmem>> -> memref<8x128xf32, #tpu.memory_space<vmem>>
      %dma_start3A_764 = tpu.memref_slice %arg3[%multiple_of3A, %multiple_of3A_758] : memref<32x1000001xf32, #tpu.memory_space<hbm>> -> memref<8x128xf32, #tpu.memory_space<hbm>>
      %dma_start3A_765 = arith.constant 0 : i32
      %dma_start3A_766 = arith.constant 0 : i32
      %dma_start3A_767 = tpu.memref_slice %arg6[%select_n3A_700, %dma_start3A_759, %dma_start3A_765, %dma_start3A_766] : memref<2x32x8x128xf32, #tpu.memory_space<vmem>> -> memref<1x1x8x128xf32, #tpu.memory_space<vmem>>
      %dma_start3A_768 = tpu.memref_squeeze %dma_start3A_767 : memref<1x1x8x128xf32, #tpu.memory_space<vmem>> -> memref<8x128xf32, #tpu.memory_space<vmem>>
      %dma_start3A_769 = tpu.memref_slice %arg3[%multiple_of3A, %multiple_of3A_758] : memref<32x1000001xf32, #tpu.memory_space<hbm>> -> memref<8x128xf32, #tpu.memory_space<hbm>>
      tpu.enqueue_dma source(%dma_start3A_769 : memref<8x128xf32, #tpu.memory_space<hbm>>) target(%dma_start3A_768 : memref<8x128xf32, #tpu.memory_space<vmem>>) target_semaphore(%arg8 : memref<!tpu.dma_semaphore, #tpu.memory_space<semaphore_mem>>)
      %slice3A_770 = vector.extract_strided_slice %shift_right_arithmetic3A_708 {offsets = [4], sizes = [1], strides = [1]} : vector<16xi32> to vector<1xi32>
      %squeeze3A_771 = vector.extract %slice3A_770[0] : i32 from vector<1xi32>
      %mul3A_772 = arith.constant 128 : i32
      %mul3A_773 = arith.muli %squeeze3A_771, %mul3A_772 : i32
      %multiple_of3A_774 = tpu.assume_multiple %mul3A_773, 128 : i32
      %dma_start3A_775 = arith.constant 4 : i32
      %dma_start3A_776 = arith.constant 0 : i32
      %dma_start3A_777 = arith.constant 0 : i32
      %dma_start3A_778 = tpu.memref_slice %arg6[%select_n3A_700, %dma_start3A_775, %dma_start3A_776, %dma_start3A_777] : memref<2x32x8x128xf32, #tpu.memory_space<vmem>> -> memref<1x1x8x128xf32, #tpu.memory_space<vmem>>
      %dma_start3A_779 = tpu.memref_squeeze %dma_start3A_778 : memref<1x1x8x128xf32, #tpu.memory_space<vmem>> -> memref<8x128xf32, #tpu.memory_space<vmem>>
      %dma_start3A_780 = tpu.memref_slice %arg3[%multiple_of3A, %multiple_of3A_774] : memref<32x1000001xf32, #tpu.memory_space<hbm>> -> memref<8x128xf32, #tpu.memory_space<hbm>>
      %dma_start3A_781 = arith.constant 0 : i32
      %dma_start3A_782 = arith.constant 0 : i32
      %dma_start3A_783 = tpu.memref_slice %arg6[%select_n3A_700, %dma_start3A_775, %dma_start3A_781, %dma_start3A_782] : memref<2x32x8x128xf32, #tpu.memory_space<vmem>> -> memref<1x1x8x128xf32, #tpu.memory_space<vmem>>
      %dma_start3A_784 = tpu.memref_squeeze %dma_start3A_783 : memref<1x1x8x128xf32, #tpu.memory_space<vmem>> -> memref<8x128xf32, #tpu.memory_space<vmem>>
      %dma_start3A_785 = tpu.memref_slice %arg3[%multiple_of3A, %multiple_of3A_774] : memref<32x1000001xf32, #tpu.memory_space<hbm>> -> memref<8x128xf32, #tpu.memory_space<hbm>>
      tpu.enqueue_dma source(%dma_start3A_785 : memref<8x128xf32, #tpu.memory_space<hbm>>) target(%dma_start3A_784 : memref<8x128xf32, #tpu.memory_space<vmem>>) target_semaphore(%arg8 : memref<!tpu.dma_semaphore, #tpu.memory_space<semaphore_mem>>)
      %slice3A_786 = vector.extract_strided_slice %shift_right_arithmetic3A_708 {offsets = [5], sizes = [1], strides = [1]} : vector<16xi32> to vector<1xi32>
      %squeeze3A_787 = vector.extract %slice3A_786[0] : i32 from vector<1xi32>
      %mul3A_788 = arith.constant 128 : i32
      %mul3A_789 = arith.muli %squeeze3A_787, %mul3A_788 : i32
      %multiple_of3A_790 = tpu.assume_multiple %mul3A_789, 128 : i32
      %dma_start3A_791 = arith.constant 5 : i32
      %dma_start3A_792 = arith.constant 0 : i32
      %dma_start3A_793 = arith.constant 0 : i32
      %dma_start3A_794 = tpu.memref_slice %arg6[%select_n3A_700, %dma_start3A_791, %dma_start3A_792, %dma_start3A_793] : memref<2x32x8x128xf32, #tpu.memory_space<vmem>> -> memref<1x1x8x128xf32, #tpu.memory_space<vmem>>
      %dma_start3A_795 = tpu.memref_squeeze %dma_start3A_794 : memref<1x1x8x128xf32, #tpu.memory_space<vmem>> -> memref<8x128xf32, #tpu.memory_space<vmem>>
      %dma_start3A_796 = tpu.memref_slice %arg3[%multiple_of3A, %multiple_of3A_790] : memref<32x1000001xf32, #tpu.memory_space<hbm>> -> memref<8x128xf32, #tpu.memory_space<hbm>>
      %dma_start3A_797 = arith.constant 0 : i32
      %dma_start3A_798 = arith.constant 0 : i32
      %dma_start3A_799 = tpu.memref_slice %arg6[%select_n3A_700, %dma_start3A_791, %dma_start3A_797, %dma_start3A_798] : memref<2x32x8x128xf32, #tpu.memory_space<vmem>> -> memref<1x1x8x128xf32, #tpu.memory_space<vmem>>
      %dma_start3A_800 = tpu.memref_squeeze %dma_start3A_799 : memref<1x1x8x128xf32, #tpu.memory_space<vmem>> -> memref<8x128xf32, #tpu.memory_space<vmem>>
      %dma_start3A_801 = tpu.memref_slice %arg3[%multiple_of3A, %multiple_of3A_790] : memref<32x1000001xf32, #tpu.memory_space<hbm>> -> memref<8x128xf32, #tpu.memory_space<hbm>>
      tpu.enqueue_dma source(%dma_start3A_801 : memref<8x128xf32, #tpu.memory_space<hbm>>) target(%dma_start3A_800 : memref<8x128xf32, #tpu.memory_space<vmem>>) target_semaphore(%arg8 : memref<!tpu.dma_semaphore, #tpu.memory_space<semaphore_mem>>)
      %slice3A_802 = vector.extract_strided_slice %shift_right_arithmetic3A_708 {offsets = [6], sizes = [1], strides = [1]} : vector<16xi32> to vector<1xi32>
      %squeeze3A_803 = vector.extract %slice3A_802[0] : i32 from vector<1xi32>
      %mul3A_804 = arith.constant 128 : i32
      %mul3A_805 = arith.muli %squeeze3A_803, %mul3A_804 : i32
      %multiple_of3A_806 = tpu.assume_multiple %mul3A_805, 128 : i32
      %dma_start3A_807 = arith.constant 6 : i32
      %dma_start3A_808 = arith.constant 0 : i32
      %dma_start3A_809 = arith.constant 0 : i32
      %dma_start3A_810 = tpu.memref_slice %arg6[%select_n3A_700, %dma_start3A_807, %dma_start3A_808, %dma_start3A_809] : memref<2x32x8x128xf32, #tpu.memory_space<vmem>> -> memref<1x1x8x128xf32, #tpu.memory_space<vmem>>
      %dma_start3A_811 = tpu.memref_squeeze %dma_start3A_810 : memref<1x1x8x128xf32, #tpu.memory_space<vmem>> -> memref<8x128xf32, #tpu.memory_space<vmem>>
      %dma_start3A_812 = tpu.memref_slice %arg3[%multiple_of3A, %multiple_of3A_806] : memref<32x1000001xf32, #tpu.memory_space<hbm>> -> memref<8x128xf32, #tpu.memory_space<hbm>>
      %dma_start3A_813 = arith.constant 0 : i32
      %dma_start3A_814 = arith.constant 0 : i32
      %dma_start3A_815 = tpu.memref_slice %arg6[%select_n3A_700, %dma_start3A_807, %dma_start3A_813, %dma_start3A_814] : memref<2x32x8x128xf32, #tpu.memory_space<vmem>> -> memref<1x1x8x128xf32, #tpu.memory_space<vmem>>
      %dma_start3A_816 = tpu.memref_squeeze %dma_start3A_815 : memref<1x1x8x128xf32, #tpu.memory_space<vmem>> -> memref<8x128xf32, #tpu.memory_space<vmem>>
      %dma_start3A_817 = tpu.memref_slice %arg3[%multiple_of3A, %multiple_of3A_806] : memref<32x1000001xf32, #tpu.memory_space<hbm>> -> memref<8x128xf32, #tpu.memory_space<hbm>>
      tpu.enqueue_dma source(%dma_start3A_817 : memref<8x128xf32, #tpu.memory_space<hbm>>) target(%dma_start3A_816 : memref<8x128xf32, #tpu.memory_space<vmem>>) target_semaphore(%arg8 : memref<!tpu.dma_semaphore, #tpu.memory_space<semaphore_mem>>)
      %slice3A_818 = vector.extract_strided_slice %shift_right_arithmetic3A_708 {offsets = [7], sizes = [1], strides = [1]} : vector<16xi32> to vector<1xi32>
      %squeeze3A_819 = vector.extract %slice3A_818[0] : i32 from vector<1xi32>
      %mul3A_820 = arith.constant 128 : i32
      %mul3A_821 = arith.muli %squeeze3A_819, %mul3A_820 : i32
      %multiple_of3A_822 = tpu.assume_multiple %mul3A_821, 128 : i32
      %dma_start3A_823 = arith.constant 7 : i32
      %dma_start3A_824 = arith.constant 0 : i32
      %dma_start3A_825 = arith.constant 0 : i32
      %dma_start3A_826 = tpu.memref_slice %arg6[%select_n3A_700, %dma_start3A_823, %dma_start3A_824, %dma_start3A_825] : memref<2x32x8x128xf32, #tpu.memory_space<vmem>> -> memref<1x1x8x128xf32, #tpu.memory_space<vmem>>
      %dma_start3A_827 = tpu.memref_squeeze %dma_start3A_826 : memref<1x1x8x128xf32, #tpu.memory_space<vmem>> -> memref<8x128xf32, #tpu.memory_space<vmem>>
      %dma_start3A_828 = tpu.memref_slice %arg3[%multiple_of3A, %multiple_of3A_822] : memref<32x1000001xf32, #tpu.memory_space<hbm>> -> memref<8x128xf32, #tpu.memory_space<hbm>>
      %dma_start3A_829 = arith.constant 0 : i32
      %dma_start3A_830 = arith.constant 0 : i32
      %dma_start3A_831 = tpu.memref_slice %arg6[%select_n3A_700, %dma_start3A_823, %dma_start3A_829, %dma_start3A_830] : memref<2x32x8x128xf32, #tpu.memory_space<vmem>> -> memref<1x1x8x128xf32, #tpu.memory_space<vmem>>
      %dma_start3A_832 = tpu.memref_squeeze %dma_start3A_831 : memref<1x1x8x128xf32, #tpu.memory_space<vmem>> -> memref<8x128xf32, #tpu.memory_space<vmem>>
      %dma_start3A_833 = tpu.memref_slice %arg3[%multiple_of3A, %multiple_of3A_822] : memref<32x1000001xf32, #tpu.memory_space<hbm>> -> memref<8x128xf32, #tpu.memory_space<hbm>>
      tpu.enqueue_dma source(%dma_start3A_833 : memref<8x128xf32, #tpu.memory_space<hbm>>) target(%dma_start3A_832 : memref<8x128xf32, #tpu.memory_space<vmem>>) target_semaphore(%arg8 : memref<!tpu.dma_semaphore, #tpu.memory_space<semaphore_mem>>)
      %slice3A_834 = vector.extract_strided_slice %shift_right_arithmetic3A_708 {offsets = [8], sizes = [1], strides = [1]} : vector<16xi32> to vector<1xi32>
      %squeeze3A_835 = vector.extract %slice3A_834[0] : i32 from vector<1xi32>
      %mul3A_836 = arith.constant 128 : i32
      %mul3A_837 = arith.muli %squeeze3A_835, %mul3A_836 : i32
      %multiple_of3A_838 = tpu.assume_multiple %mul3A_837, 128 : i32
      %dma_start3A_839 = arith.constant 8 : i32
      %dma_start3A_840 = arith.constant 0 : i32
      %dma_start3A_841 = arith.constant 0 : i32
      %dma_start3A_842 = tpu.memref_slice %arg6[%select_n3A_700, %dma_start3A_839, %dma_start3A_840, %dma_start3A_841] : memref<2x32x8x128xf32, #tpu.memory_space<vmem>> -> memref<1x1x8x128xf32, #tpu.memory_space<vmem>>
      %dma_start3A_843 = tpu.memref_squeeze %dma_start3A_842 : memref<1x1x8x128xf32, #tpu.memory_space<vmem>> -> memref<8x128xf32, #tpu.memory_space<vmem>>
      %dma_start3A_844 = tpu.memref_slice %arg3[%multiple_of3A, %multiple_of3A_838] : memref<32x1000001xf32, #tpu.memory_space<hbm>> -> memref<8x128xf32, #tpu.memory_space<hbm>>
      %dma_start3A_845 = arith.constant 0 : i32
      %dma_start3A_846 = arith.constant 0 : i32
      %dma_start3A_847 = tpu.memref_slice %arg6[%select_n3A_700, %dma_start3A_839, %dma_start3A_845, %dma_start3A_846] : memref<2x32x8x128xf32, #tpu.memory_space<vmem>> -> memref<1x1x8x128xf32, #tpu.memory_space<vmem>>
      %dma_start3A_848 = tpu.memref_squeeze %dma_start3A_847 : memref<1x1x8x128xf32, #tpu.memory_space<vmem>> -> memref<8x128xf32, #tpu.memory_space<vmem>>
      %dma_start3A_849 = tpu.memref_slice %arg3[%multiple_of3A, %multiple_of3A_838] : memref<32x1000001xf32, #tpu.memory_space<hbm>> -> memref<8x128xf32, #tpu.memory_space<hbm>>
      tpu.enqueue_dma source(%dma_start3A_849 : memref<8x128xf32, #tpu.memory_space<hbm>>) target(%dma_start3A_848 : memref<8x128xf32, #tpu.memory_space<vmem>>) target_semaphore(%arg8 : memref<!tpu.dma_semaphore, #tpu.memory_space<semaphore_mem>>)
      %slice3A_850 = vector.extract_strided_slice %shift_right_arithmetic3A_708 {offsets = [9], sizes = [1], strides = [1]} : vector<16xi32> to vector<1xi32>
      %squeeze3A_851 = vector.extract %slice3A_850[0] : i32 from vector<1xi32>
      %mul3A_852 = arith.constant 128 : i32
      %mul3A_853 = arith.muli %squeeze3A_851, %mul3A_852 : i32
      %multiple_of3A_854 = tpu.assume_multiple %mul3A_853, 128 : i32
      %dma_start3A_855 = arith.constant 9 : i32
      %dma_start3A_856 = arith.constant 0 : i32
      %dma_start3A_857 = arith.constant 0 : i32
      %dma_start3A_858 = tpu.memref_slice %arg6[%select_n3A_700, %dma_start3A_855, %dma_start3A_856, %dma_start3A_857] : memref<2x32x8x128xf32, #tpu.memory_space<vmem>> -> memref<1x1x8x128xf32, #tpu.memory_space<vmem>>
      %dma_start3A_859 = tpu.memref_squeeze %dma_start3A_858 : memref<1x1x8x128xf32, #tpu.memory_space<vmem>> -> memref<8x128xf32, #tpu.memory_space<vmem>>
      %dma_start3A_860 = tpu.memref_slice %arg3[%multiple_of3A, %multiple_of3A_854] : memref<32x1000001xf32, #tpu.memory_space<hbm>> -> memref<8x128xf32, #tpu.memory_space<hbm>>
      %dma_start3A_861 = arith.constant 0 : i32
      %dma_start3A_862 = arith.constant 0 : i32
      %dma_start3A_863 = tpu.memref_slice %arg6[%select_n3A_700, %dma_start3A_855, %dma_start3A_861, %dma_start3A_862] : memref<2x32x8x128xf32, #tpu.memory_space<vmem>> -> memref<1x1x8x128xf32, #tpu.memory_space<vmem>>
      %dma_start3A_864 = tpu.memref_squeeze %dma_start3A_863 : memref<1x1x8x128xf32, #tpu.memory_space<vmem>> -> memref<8x128xf32, #tpu.memory_space<vmem>>
      %dma_start3A_865 = tpu.memref_slice %arg3[%multiple_of3A, %multiple_of3A_854] : memref<32x1000001xf32, #tpu.memory_space<hbm>> -> memref<8x128xf32, #tpu.memory_space<hbm>>
      tpu.enqueue_dma source(%dma_start3A_865 : memref<8x128xf32, #tpu.memory_space<hbm>>) target(%dma_start3A_864 : memref<8x128xf32, #tpu.memory_space<vmem>>) target_semaphore(%arg8 : memref<!tpu.dma_semaphore, #tpu.memory_space<semaphore_mem>>)
      %slice3A_866 = vector.extract_strided_slice %shift_right_arithmetic3A_708 {offsets = [10], sizes = [1], strides = [1]} : vector<16xi32> to vector<1xi32>
      %squeeze3A_867 = vector.extract %slice3A_866[0] : i32 from vector<1xi32>
      %mul3A_868 = arith.constant 128 : i32
      %mul3A_869 = arith.muli %squeeze3A_867, %mul3A_868 : i32
      %multiple_of3A_870 = tpu.assume_multiple %mul3A_869, 128 : i32
      %dma_start3A_871 = arith.constant 10 : i32
      %dma_start3A_872 = arith.constant 0 : i32
      %dma_start3A_873 = arith.constant 0 : i32
      %dma_start3A_874 = tpu.memref_slice %arg6[%select_n3A_700, %dma_start3A_871, %dma_start3A_872, %dma_start3A_873] : memref<2x32x8x128xf32, #tpu.memory_space<vmem>> -> memref<1x1x8x128xf32, #tpu.memory_space<vmem>>
      %dma_start3A_875 = tpu.memref_squeeze %dma_start3A_874 : memref<1x1x8x128xf32, #tpu.memory_space<vmem>> -> memref<8x128xf32, #tpu.memory_space<vmem>>
      %dma_start3A_876 = tpu.memref_slice %arg3[%multiple_of3A, %multiple_of3A_870] : memref<32x1000001xf32, #tpu.memory_space<hbm>> -> memref<8x128xf32, #tpu.memory_space<hbm>>
      %dma_start3A_877 = arith.constant 0 : i32
      %dma_start3A_878 = arith.constant 0 : i32
      %dma_start3A_879 = tpu.memref_slice %arg6[%select_n3A_700, %dma_start3A_871, %dma_start3A_877, %dma_start3A_878] : memref<2x32x8x128xf32, #tpu.memory_space<vmem>> -> memref<1x1x8x128xf32, #tpu.memory_space<vmem>>
      %dma_start3A_880 = tpu.memref_squeeze %dma_start3A_879 : memref<1x1x8x128xf32, #tpu.memory_space<vmem>> -> memref<8x128xf32, #tpu.memory_space<vmem>>
      %dma_start3A_881 = tpu.memref_slice %arg3[%multiple_of3A, %multiple_of3A_870] : memref<32x1000001xf32, #tpu.memory_space<hbm>> -> memref<8x128xf32, #tpu.memory_space<hbm>>
      tpu.enqueue_dma source(%dma_start3A_881 : memref<8x128xf32, #tpu.memory_space<hbm>>) target(%dma_start3A_880 : memref<8x128xf32, #tpu.memory_space<vmem>>) target_semaphore(%arg8 : memref<!tpu.dma_semaphore, #tpu.memory_space<semaphore_mem>>)
      %slice3A_882 = vector.extract_strided_slice %shift_right_arithmetic3A_708 {offsets = [11], sizes = [1], strides = [1]} : vector<16xi32> to vector<1xi32>
      %squeeze3A_883 = vector.extract %slice3A_882[0] : i32 from vector<1xi32>
      %mul3A_884 = arith.constant 128 : i32
      %mul3A_885 = arith.muli %squeeze3A_883, %mul3A_884 : i32
      %multiple_of3A_886 = tpu.assume_multiple %mul3A_885, 128 : i32
      %dma_start3A_887 = arith.constant 11 : i32
      %dma_start3A_888 = arith.constant 0 : i32
      %dma_start3A_889 = arith.constant 0 : i32
      %dma_start3A_890 = tpu.memref_slice %arg6[%select_n3A_700, %dma_start3A_887, %dma_start3A_888, %dma_start3A_889] : memref<2x32x8x128xf32, #tpu.memory_space<vmem>> -> memref<1x1x8x128xf32, #tpu.memory_space<vmem>>
      %dma_start3A_891 = tpu.memref_squeeze %dma_start3A_890 : memref<1x1x8x128xf32, #tpu.memory_space<vmem>> -> memref<8x128xf32, #tpu.memory_space<vmem>>
      %dma_start3A_892 = tpu.memref_slice %arg3[%multiple_of3A, %multiple_of3A_886] : memref<32x1000001xf32, #tpu.memory_space<hbm>> -> memref<8x128xf32, #tpu.memory_space<hbm>>
      %dma_start3A_893 = arith.constant 0 : i32
      %dma_start3A_894 = arith.constant 0 : i32
      %dma_start3A_895 = tpu.memref_slice %arg6[%select_n3A_700, %dma_start3A_887, %dma_start3A_893, %dma_start3A_894] : memref<2x32x8x128xf32, #tpu.memory_space<vmem>> -> memref<1x1x8x128xf32, #tpu.memory_space<vmem>>
      %dma_start3A_896 = tpu.memref_squeeze %dma_start3A_895 : memref<1x1x8x128xf32, #tpu.memory_space<vmem>> -> memref<8x128xf32, #tpu.memory_space<vmem>>
      %dma_start3A_897 = tpu.memref_slice %arg3[%multiple_of3A, %multiple_of3A_886] : memref<32x1000001xf32, #tpu.memory_space<hbm>> -> memref<8x128xf32, #tpu.memory_space<hbm>>
      tpu.enqueue_dma source(%dma_start3A_897 : memref<8x128xf32, #tpu.memory_space<hbm>>) target(%dma_start3A_896 : memref<8x128xf32, #tpu.memory_space<vmem>>) target_semaphore(%arg8 : memref<!tpu.dma_semaphore, #tpu.memory_space<semaphore_mem>>)
      %slice3A_898 = vector.extract_strided_slice %shift_right_arithmetic3A_708 {offsets = [12], sizes = [1], strides = [1]} : vector<16xi32> to vector<1xi32>
      %squeeze3A_899 = vector.extract %slice3A_898[0] : i32 from vector<1xi32>
      %mul3A_900 = arith.constant 128 : i32
      %mul3A_901 = arith.muli %squeeze3A_899, %mul3A_900 : i32
      %multiple_of3A_902 = tpu.assume_multiple %mul3A_901, 128 : i32
      %dma_start3A_903 = arith.constant 12 : i32
      %dma_start3A_904 = arith.constant 0 : i32
      %dma_start3A_905 = arith.constant 0 : i32
      %dma_start3A_906 = tpu.memref_slice %arg6[%select_n3A_700, %dma_start3A_903, %dma_start3A_904, %dma_start3A_905] : memref<2x32x8x128xf32, #tpu.memory_space<vmem>> -> memref<1x1x8x128xf32, #tpu.memory_space<vmem>>
      %dma_start3A_907 = tpu.memref_squeeze %dma_start3A_906 : memref<1x1x8x128xf32, #tpu.memory_space<vmem>> -> memref<8x128xf32, #tpu.memory_space<vmem>>
      %dma_start3A_908 = tpu.memref_slice %arg3[%multiple_of3A, %multiple_of3A_902] : memref<32x1000001xf32, #tpu.memory_space<hbm>> -> memref<8x128xf32, #tpu.memory_space<hbm>>
      %dma_start3A_909 = arith.constant 0 : i32
      %dma_start3A_910 = arith.constant 0 : i32
      %dma_start3A_911 = tpu.memref_slice %arg6[%select_n3A_700, %dma_start3A_903, %dma_start3A_909, %dma_start3A_910] : memref<2x32x8x128xf32, #tpu.memory_space<vmem>> -> memref<1x1x8x128xf32, #tpu.memory_space<vmem>>
      %dma_start3A_912 = tpu.memref_squeeze %dma_start3A_911 : memref<1x1x8x128xf32, #tpu.memory_space<vmem>> -> memref<8x128xf32, #tpu.memory_space<vmem>>
      %dma_start3A_913 = tpu.memref_slice %arg3[%multiple_of3A, %multiple_of3A_902] : memref<32x1000001xf32, #tpu.memory_space<hbm>> -> memref<8x128xf32, #tpu.memory_space<hbm>>
      tpu.enqueue_dma source(%dma_start3A_913 : memref<8x128xf32, #tpu.memory_space<hbm>>) target(%dma_start3A_912 : memref<8x128xf32, #tpu.memory_space<vmem>>) target_semaphore(%arg8 : memref<!tpu.dma_semaphore, #tpu.memory_space<semaphore_mem>>)
      %slice3A_914 = vector.extract_strided_slice %shift_right_arithmetic3A_708 {offsets = [13], sizes = [1], strides = [1]} : vector<16xi32> to vector<1xi32>
      %squeeze3A_915 = vector.extract %slice3A_914[0] : i32 from vector<1xi32>
      %mul3A_916 = arith.constant 128 : i32
      %mul3A_917 = arith.muli %squeeze3A_915, %mul3A_916 : i32
      %multiple_of3A_918 = tpu.assume_multiple %mul3A_917, 128 : i32
      %dma_start3A_919 = arith.constant 13 : i32
      %dma_start3A_920 = arith.constant 0 : i32
      %dma_start3A_921 = arith.constant 0 : i32
      %dma_start3A_922 = tpu.memref_slice %arg6[%select_n3A_700, %dma_start3A_919, %dma_start3A_920, %dma_start3A_921] : memref<2x32x8x128xf32, #tpu.memory_space<vmem>> -> memref<1x1x8x128xf32, #tpu.memory_space<vmem>>
      %dma_start3A_923 = tpu.memref_squeeze %dma_start3A_922 : memref<1x1x8x128xf32, #tpu.memory_space<vmem>> -> memref<8x128xf32, #tpu.memory_space<vmem>>
      %dma_start3A_924 = tpu.memref_slice %arg3[%multiple_of3A, %multiple_of3A_918] : memref<32x1000001xf32, #tpu.memory_space<hbm>> -> memref<8x128xf32, #tpu.memory_space<hbm>>
      %dma_start3A_925 = arith.constant 0 : i32
      %dma_start3A_926 = arith.constant 0 : i32
      %dma_start3A_927 = tpu.memref_slice %arg6[%select_n3A_700, %dma_start3A_919, %dma_start3A_925, %dma_start3A_926] : memref<2x32x8x128xf32, #tpu.memory_space<vmem>> -> memref<1x1x8x128xf32, #tpu.memory_space<vmem>>
      %dma_start3A_928 = tpu.memref_squeeze %dma_start3A_927 : memref<1x1x8x128xf32, #tpu.memory_space<vmem>> -> memref<8x128xf32, #tpu.memory_space<vmem>>
      %dma_start3A_929 = tpu.memref_slice %arg3[%multiple_of3A, %multiple_of3A_918] : memref<32x1000001xf32, #tpu.memory_space<hbm>> -> memref<8x128xf32, #tpu.memory_space<hbm>>
      tpu.enqueue_dma source(%dma_start3A_929 : memref<8x128xf32, #tpu.memory_space<hbm>>) target(%dma_start3A_928 : memref<8x128xf32, #tpu.memory_space<vmem>>) target_semaphore(%arg8 : memref<!tpu.dma_semaphore, #tpu.memory_space<semaphore_mem>>)
      %slice3A_930 = vector.extract_strided_slice %shift_right_arithmetic3A_708 {offsets = [14], sizes = [1], strides = [1]} : vector<16xi32> to vector<1xi32>
      %squeeze3A_931 = vector.extract %slice3A_930[0] : i32 from vector<1xi32>
      %mul3A_932 = arith.constant 128 : i32
      %mul3A_933 = arith.muli %squeeze3A_931, %mul3A_932 : i32
      %multiple_of3A_934 = tpu.assume_multiple %mul3A_933, 128 : i32
      %dma_start3A_935 = arith.constant 14 : i32
      %dma_start3A_936 = arith.constant 0 : i32
      %dma_start3A_937 = arith.constant 0 : i32
      %dma_start3A_938 = tpu.memref_slice %arg6[%select_n3A_700, %dma_start3A_935, %dma_start3A_936, %dma_start3A_937] : memref<2x32x8x128xf32, #tpu.memory_space<vmem>> -> memref<1x1x8x128xf32, #tpu.memory_space<vmem>>
      %dma_start3A_939 = tpu.memref_squeeze %dma_start3A_938 : memref<1x1x8x128xf32, #tpu.memory_space<vmem>> -> memref<8x128xf32, #tpu.memory_space<vmem>>
      %dma_start3A_940 = tpu.memref_slice %arg3[%multiple_of3A, %multiple_of3A_934] : memref<32x1000001xf32, #tpu.memory_space<hbm>> -> memref<8x128xf32, #tpu.memory_space<hbm>>
      %dma_start3A_941 = arith.constant 0 : i32
      %dma_start3A_942 = arith.constant 0 : i32
      %dma_start3A_943 = tpu.memref_slice %arg6[%select_n3A_700, %dma_start3A_935, %dma_start3A_941, %dma_start3A_942] : memref<2x32x8x128xf32, #tpu.memory_space<vmem>> -> memref<1x1x8x128xf32, #tpu.memory_space<vmem>>
      %dma_start3A_944 = tpu.memref_squeeze %dma_start3A_943 : memref<1x1x8x128xf32, #tpu.memory_space<vmem>> -> memref<8x128xf32, #tpu.memory_space<vmem>>
      %dma_start3A_945 = tpu.memref_slice %arg3[%multiple_of3A, %multiple_of3A_934] : memref<32x1000001xf32, #tpu.memory_space<hbm>> -> memref<8x128xf32, #tpu.memory_space<hbm>>
      tpu.enqueue_dma source(%dma_start3A_945 : memref<8x128xf32, #tpu.memory_space<hbm>>) target(%dma_start3A_944 : memref<8x128xf32, #tpu.memory_space<vmem>>) target_semaphore(%arg8 : memref<!tpu.dma_semaphore, #tpu.memory_space<semaphore_mem>>)
      %slice3A_946 = vector.extract_strided_slice %shift_right_arithmetic3A_708 {offsets = [15], sizes = [1], strides = [1]} : vector<16xi32> to vector<1xi32>
      %squeeze3A_947 = vector.extract %slice3A_946[0] : i32 from vector<1xi32>
      %mul3A_948 = arith.constant 128 : i32
      %mul3A_949 = arith.muli %squeeze3A_947, %mul3A_948 : i32
      %multiple_of3A_950 = tpu.assume_multiple %mul3A_949, 128 : i32
      %dma_start3A_951 = arith.constant 15 : i32
      %dma_start3A_952 = arith.constant 0 : i32
      %dma_start3A_953 = arith.constant 0 : i32
      %dma_start3A_954 = tpu.memref_slice %arg6[%select_n3A_700, %dma_start3A_951, %dma_start3A_952, %dma_start3A_953] : memref<2x32x8x128xf32, #tpu.memory_space<vmem>> -> memref<1x1x8x128xf32, #tpu.memory_space<vmem>>
      %dma_start3A_955 = tpu.memref_squeeze %dma_start3A_954 : memref<1x1x8x128xf32, #tpu.memory_space<vmem>> -> memref<8x128xf32, #tpu.memory_space<vmem>>
      %dma_start3A_956 = tpu.memref_slice %arg3[%multiple_of3A, %multiple_of3A_950] : memref<32x1000001xf32, #tpu.memory_space<hbm>> -> memref<8x128xf32, #tpu.memory_space<hbm>>
      %dma_start3A_957 = arith.constant 0 : i32
      %dma_start3A_958 = arith.constant 0 : i32
      %dma_start3A_959 = tpu.memref_slice %arg6[%select_n3A_700, %dma_start3A_951, %dma_start3A_957, %dma_start3A_958] : memref<2x32x8x128xf32, #tpu.memory_space<vmem>> -> memref<1x1x8x128xf32, #tpu.memory_space<vmem>>
      %dma_start3A_960 = tpu.memref_squeeze %dma_start3A_959 : memref<1x1x8x128xf32, #tpu.memory_space<vmem>> -> memref<8x128xf32, #tpu.memory_space<vmem>>
      %dma_start3A_961 = tpu.memref_slice %arg3[%multiple_of3A, %multiple_of3A_950] : memref<32x1000001xf32, #tpu.memory_space<hbm>> -> memref<8x128xf32, #tpu.memory_space<hbm>>
      tpu.enqueue_dma source(%dma_start3A_961 : memref<8x128xf32, #tpu.memory_space<hbm>>) target(%dma_start3A_960 : memref<8x128xf32, #tpu.memory_space<vmem>>) target_semaphore(%arg8 : memref<!tpu.dma_semaphore, #tpu.memory_space<semaphore_mem>>)
      %mul3A_962 = arith.constant 32 : i32
      %mul3A_963 = arith.muli %add3A_684, %mul3A_962 : i32
      %add3A_964 = arith.constant 16 : i32
      %add3A_965 = arith.addi %mul3A_963, %add3A_964 : i32
      %get3A_966 = arith.index_cast %add3A_965 : i32 to index
      %get3A_967 = tpu.vector_load %arg5[%get3A_966] {strides = array<i32>} : memref<2048xi32, #tpu.memory_space<vmem>>, vector<16xi32>,
      %shift_right_arithmetic3A_968 = arith.constant 7 : i32
      %shift_right_arithmetic3A_969 = vector.broadcast %shift_right_arithmetic3A_968 : i32 to vector<16xi32>
      %shift_right_arithmetic3A_970 = arith.shrsi %get3A_967, %shift_right_arithmetic3A_969 : vector<16xi32>
      %slice3A_971 = vector.extract_strided_slice %shift_right_arithmetic3A_970 {offsets = [0], sizes = [1], strides = [1]} : vector<16xi32> to vector<1xi32>
      %squeeze3A_972 = vector.extract %slice3A_971[0] : i32 from vector<1xi32>
      %mul3A_973 = arith.constant 128 : i32
      %mul3A_974 = arith.muli %squeeze3A_972, %mul3A_973 : i32
      %multiple_of3A_975 = tpu.assume_multiple %mul3A_974, 128 : i32
      %dma_start3A_976 = arith.constant 16 : i32
      %dma_start3A_977 = arith.constant 0 : i32
      %dma_start3A_978 = arith.constant 0 : i32
      %dma_start3A_979 = tpu.memref_slice %arg6[%select_n3A_700, %dma_start3A_976, %dma_start3A_977, %dma_start3A_978] : memref<2x32x8x128xf32, #tpu.memory_space<vmem>> -> memref<1x1x8x128xf32, #tpu.memory_space<vmem>>
      %dma_start3A_980 = tpu.memref_squeeze %dma_start3A_979 : memref<1x1x8x128xf32, #tpu.memory_space<vmem>> -> memref<8x128xf32, #tpu.memory_space<vmem>>
      %dma_start3A_981 = tpu.memref_slice %arg3[%multiple_of3A, %multiple_of3A_975] : memref<32x1000001xf32, #tpu.memory_space<hbm>> -> memref<8x128xf32, #tpu.memory_space<hbm>>
      %dma_start3A_982 = arith.constant 0 : i32
      %dma_start3A_983 = arith.constant 0 : i32
      %dma_start3A_984 = tpu.memref_slice %arg6[%select_n3A_700, %dma_start3A_976, %dma_start3A_982, %dma_start3A_983] : memref<2x32x8x128xf32, #tpu.memory_space<vmem>> -> memref<1x1x8x128xf32, #tpu.memory_space<vmem>>
      %dma_start3A_985 = tpu.memref_squeeze %dma_start3A_984 : memref<1x1x8x128xf32, #tpu.memory_space<vmem>> -> memref<8x128xf32, #tpu.memory_space<vmem>>
      %dma_start3A_986 = tpu.memref_slice %arg3[%multiple_of3A, %multiple_of3A_975] : memref<32x1000001xf32, #tpu.memory_space<hbm>> -> memref<8x128xf32, #tpu.memory_space<hbm>>
      tpu.enqueue_dma source(%dma_start3A_986 : memref<8x128xf32, #tpu.memory_space<hbm>>) target(%dma_start3A_985 : memref<8x128xf32, #tpu.memory_space<vmem>>) target_semaphore(%arg8 : memref<!tpu.dma_semaphore, #tpu.memory_space<semaphore_mem>>)
      %slice3A_987 = vector.extract_strided_slice %shift_right_arithmetic3A_970 {offsets = [1], sizes = [1], strides = [1]} : vector<16xi32> to vector<1xi32>
      %squeeze3A_988 = vector.extract %slice3A_987[0] : i32 from vector<1xi32>
      %mul3A_989 = arith.constant 128 : i32
      %mul3A_990 = arith.muli %squeeze3A_988, %mul3A_989 : i32
      %multiple_of3A_991 = tpu.assume_multiple %mul3A_990, 128 : i32
      %dma_start3A_992 = arith.constant 17 : i32
      %dma_start3A_993 = arith.constant 0 : i32
      %dma_start3A_994 = arith.constant 0 : i32
      %dma_start3A_995 = tpu.memref_slice %arg6[%select_n3A_700, %dma_start3A_992, %dma_start3A_993, %dma_start3A_994] : memref<2x32x8x128xf32, #tpu.memory_space<vmem>> -> memref<1x1x8x128xf32, #tpu.memory_space<vmem>>
      %dma_start3A_996 = tpu.memref_squeeze %dma_start3A_995 : memref<1x1x8x128xf32, #tpu.memory_space<vmem>> -> memref<8x128xf32, #tpu.memory_space<vmem>>
      %dma_start3A_997 = tpu.memref_slice %arg3[%multiple_of3A, %multiple_of3A_991] : memref<32x1000001xf32, #tpu.memory_space<hbm>> -> memref<8x128xf32, #tpu.memory_space<hbm>>
      %dma_start3A_998 = arith.constant 0 : i32
      %dma_start3A_999 = arith.constant 0 : i32
      %dma_start3A_1000 = tpu.memref_slice %arg6[%select_n3A_700, %dma_start3A_992, %dma_start3A_998, %dma_start3A_999] : memref<2x32x8x128xf32, #tpu.memory_space<vmem>> -> memref<1x1x8x128xf32, #tpu.memory_space<vmem>>
      %dma_start3A_1001 = tpu.memref_squeeze %dma_start3A_1000 : memref<1x1x8x128xf32, #tpu.memory_space<vmem>> -> memref<8x128xf32, #tpu.memory_space<vmem>>
      %dma_start3A_1002 = tpu.memref_slice %arg3[%multiple_of3A, %multiple_of3A_991] : memref<32x1000001xf32, #tpu.memory_space<hbm>> -> memref<8x128xf32, #tpu.memory_space<hbm>>
      tpu.enqueue_dma source(%dma_start3A_1002 : memref<8x128xf32, #tpu.memory_space<hbm>>) target(%dma_start3A_1001 : memref<8x128xf32, #tpu.memory_space<vmem>>) target_semaphore(%arg8 : memref<!tpu.dma_semaphore, #tpu.memory_space<semaphore_mem>>)
      %slice3A_1003 = vector.extract_strided_slice %shift_right_arithmetic3A_970 {offsets = [2], sizes = [1], strides = [1]} : vector<16xi32> to vector<1xi32>
      %squeeze3A_1004 = vector.extract %slice3A_1003[0] : i32 from vector<1xi32>
      %mul3A_1005 = arith.constant 128 : i32
      %mul3A_1006 = arith.muli %squeeze3A_1004, %mul3A_1005 : i32
      %multiple_of3A_1007 = tpu.assume_multiple %mul3A_1006, 128 : i32
      %dma_start3A_1008 = arith.constant 18 : i32
      %dma_start3A_1009 = arith.constant 0 : i32
      %dma_start3A_1010 = arith.constant 0 : i32
      %dma_start3A_1011 = tpu.memref_slice %arg6[%select_n3A_700, %dma_start3A_1008, %dma_start3A_1009, %dma_start3A_1010] : memref<2x32x8x128xf32, #tpu.memory_space<vmem>> -> memref<1x1x8x128xf32, #tpu.memory_space<vmem>>
      %dma_start3A_1012 = tpu.memref_squeeze %dma_start3A_1011 : memref<1x1x8x128xf32, #tpu.memory_space<vmem>> -> memref<8x128xf32, #tpu.memory_space<vmem>>
      %dma_start3A_1013 = tpu.memref_slice %arg3[%multiple_of3A, %multiple_of3A_1007] : memref<32x1000001xf32, #tpu.memory_space<hbm>> -> memref<8x128xf32, #tpu.memory_space<hbm>>
      %dma_start3A_1014 = arith.constant 0 : i32
      %dma_start3A_1015 = arith.constant 0 : i32
      %dma_start3A_1016 = tpu.memref_slice %arg6[%select_n3A_700, %dma_start3A_1008, %dma_start3A_1014, %dma_start3A_1015] : memref<2x32x8x128xf32, #tpu.memory_space<vmem>> -> memref<1x1x8x128xf32, #tpu.memory_space<vmem>>
      %dma_start3A_1017 = tpu.memref_squeeze %dma_start3A_1016 : memref<1x1x8x128xf32, #tpu.memory_space<vmem>> -> memref<8x128xf32, #tpu.memory_space<vmem>>
      %dma_start3A_1018 = tpu.memref_slice %arg3[%multiple_of3A, %multiple_of3A_1007] : memref<32x1000001xf32, #tpu.memory_space<hbm>> -> memref<8x128xf32, #tpu.memory_space<hbm>>
      tpu.enqueue_dma source(%dma_start3A_1018 : memref<8x128xf32, #tpu.memory_space<hbm>>) target(%dma_start3A_1017 : memref<8x128xf32, #tpu.memory_space<vmem>>) target_semaphore(%arg8 : memref<!tpu.dma_semaphore, #tpu.memory_space<semaphore_mem>>)
      %slice3A_1019 = vector.extract_strided_slice %shift_right_arithmetic3A_970 {offsets = [3], sizes = [1], strides = [1]} : vector<16xi32> to vector<1xi32>
      %squeeze3A_1020 = vector.extract %slice3A_1019[0] : i32 from vector<1xi32>
      %mul3A_1021 = arith.constant 128 : i32
      %mul3A_1022 = arith.muli %squeeze3A_1020, %mul3A_1021 : i32
      %multiple_of3A_1023 = tpu.assume_multiple %mul3A_1022, 128 : i32
      %dma_start3A_1024 = arith.constant 19 : i32
      %dma_start3A_1025 = arith.constant 0 : i32
      %dma_start3A_1026 = arith.constant 0 : i32
      %dma_start3A_1027 = tpu.memref_slice %arg6[%select_n3A_700, %dma_start3A_1024, %dma_start3A_1025, %dma_start3A_1026] : memref<2x32x8x128xf32, #tpu.memory_space<vmem>> -> memref<1x1x8x128xf32, #tpu.memory_space<vmem>>
      %dma_start3A_1028 = tpu.memref_squeeze %dma_start3A_1027 : memref<1x1x8x128xf32, #tpu.memory_space<vmem>> -> memref<8x128xf32, #tpu.memory_space<vmem>>
      %dma_start3A_1029 = tpu.memref_slice %arg3[%multiple_of3A, %multiple_of3A_1023] : memref<32x1000001xf32, #tpu.memory_space<hbm>> -> memref<8x128xf32, #tpu.memory_space<hbm>>
      %dma_start3A_1030 = arith.constant 0 : i32
      %dma_start3A_1031 = arith.constant 0 : i32
      %dma_start3A_1032 = tpu.memref_slice %arg6[%select_n3A_700, %dma_start3A_1024, %dma_start3A_1030, %dma_start3A_1031] : memref<2x32x8x128xf32, #tpu.memory_space<vmem>> -> memref<1x1x8x128xf32, #tpu.memory_space<vmem>>
      %dma_start3A_1033 = tpu.memref_squeeze %dma_start3A_1032 : memref<1x1x8x128xf32, #tpu.memory_space<vmem>> -> memref<8x128xf32, #tpu.memory_space<vmem>>
      %dma_start3A_1034 = tpu.memref_slice %arg3[%multiple_of3A, %multiple_of3A_1023] : memref<32x1000001xf32, #tpu.memory_space<hbm>> -> memref<8x128xf32, #tpu.memory_space<hbm>>
      tpu.enqueue_dma source(%dma_start3A_1034 : memref<8x128xf32, #tpu.memory_space<hbm>>) target(%dma_start3A_1033 : memref<8x128xf32, #tpu.memory_space<vmem>>) target_semaphore(%arg8 : memref<!tpu.dma_semaphore, #tpu.memory_space<semaphore_mem>>)
      %slice3A_1035 = vector.extract_strided_slice %shift_right_arithmetic3A_970 {offsets = [4], sizes = [1], strides = [1]} : vector<16xi32> to vector<1xi32>
      %squeeze3A_1036 = vector.extract %slice3A_1035[0] : i32 from vector<1xi32>
      %mul3A_1037 = arith.constant 128 : i32
      %mul3A_1038 = arith.muli %squeeze3A_1036, %mul3A_1037 : i32
      %multiple_of3A_1039 = tpu.assume_multiple %mul3A_1038, 128 : i32
      %dma_start3A_1040 = arith.constant 20 : i32
      %dma_start3A_1041 = arith.constant 0 : i32
      %dma_start3A_1042 = arith.constant 0 : i32
      %dma_start3A_1043 = tpu.memref_slice %arg6[%select_n3A_700, %dma_start3A_1040, %dma_start3A_1041, %dma_start3A_1042] : memref<2x32x8x128xf32, #tpu.memory_space<vmem>> -> memref<1x1x8x128xf32, #tpu.memory_space<vmem>>
      %dma_start3A_1044 = tpu.memref_squeeze %dma_start3A_1043 : memref<1x1x8x128xf32, #tpu.memory_space<vmem>> -> memref<8x128xf32, #tpu.memory_space<vmem>>
      %dma_start3A_1045 = tpu.memref_slice %arg3[%multiple_of3A, %multiple_of3A_1039] : memref<32x1000001xf32, #tpu.memory_space<hbm>> -> memref<8x128xf32, #tpu.memory_space<hbm>>
      %dma_start3A_1046 = arith.constant 0 : i32
      %dma_start3A_1047 = arith.constant 0 : i32
      %dma_start3A_1048 = tpu.memref_slice %arg6[%select_n3A_700, %dma_start3A_1040, %dma_start3A_1046, %dma_start3A_1047] : memref<2x32x8x128xf32, #tpu.memory_space<vmem>> -> memref<1x1x8x128xf32, #tpu.memory_space<vmem>>
      %dma_start3A_1049 = tpu.memref_squeeze %dma_start3A_1048 : memref<1x1x8x128xf32, #tpu.memory_space<vmem>> -> memref<8x128xf32, #tpu.memory_space<vmem>>
      %dma_start3A_1050 = tpu.memref_slice %arg3[%multiple_of3A, %multiple_of3A_1039] : memref<32x1000001xf32, #tpu.memory_space<hbm>> -> memref<8x128xf32, #tpu.memory_space<hbm>>
      tpu.enqueue_dma source(%dma_start3A_1050 : memref<8x128xf32, #tpu.memory_space<hbm>>) target(%dma_start3A_1049 : memref<8x128xf32, #tpu.memory_space<vmem>>) target_semaphore(%arg8 : memref<!tpu.dma_semaphore, #tpu.memory_space<semaphore_mem>>)
      %slice3A_1051 = vector.extract_strided_slice %shift_right_arithmetic3A_970 {offsets = [5], sizes = [1], strides = [1]} : vector<16xi32> to vector<1xi32>
      %squeeze3A_1052 = vector.extract %slice3A_1051[0] : i32 from vector<1xi32>
      %mul3A_1053 = arith.constant 128 : i32
      %mul3A_1054 = arith.muli %squeeze3A_1052, %mul3A_1053 : i32
      %multiple_of3A_1055 = tpu.assume_multiple %mul3A_1054, 128 : i32
      %dma_start3A_1056 = arith.constant 21 : i32
      %dma_start3A_1057 = arith.constant 0 : i32
      %dma_start3A_1058 = arith.constant 0 : i32
      %dma_start3A_1059 = tpu.memref_slice %arg6[%select_n3A_700, %dma_start3A_1056, %dma_start3A_1057, %dma_start3A_1058] : memref<2x32x8x128xf32, #tpu.memory_space<vmem>> -> memref<1x1x8x128xf32, #tpu.memory_space<vmem>>
      %dma_start3A_1060 = tpu.memref_squeeze %dma_start3A_1059 : memref<1x1x8x128xf32, #tpu.memory_space<vmem>> -> memref<8x128xf32, #tpu.memory_space<vmem>>
      %dma_start3A_1061 = tpu.memref_slice %arg3[%multiple_of3A, %multiple_of3A_1055] : memref<32x1000001xf32, #tpu.memory_space<hbm>> -> memref<8x128xf32, #tpu.memory_space<hbm>>
      %dma_start3A_1062 = arith.constant 0 : i32
      %dma_start3A_1063 = arith.constant 0 : i32
      %dma_start3A_1064 = tpu.memref_slice %arg6[%select_n3A_700, %dma_start3A_1056, %dma_start3A_1062, %dma_start3A_1063] : memref<2x32x8x128xf32, #tpu.memory_space<vmem>> -> memref<1x1x8x128xf32, #tpu.memory_space<vmem>>
      %dma_start3A_1065 = tpu.memref_squeeze %dma_start3A_1064 : memref<1x1x8x128xf32, #tpu.memory_space<vmem>> -> memref<8x128xf32, #tpu.memory_space<vmem>>
      %dma_start3A_1066 = tpu.memref_slice %arg3[%multiple_of3A, %multiple_of3A_1055] : memref<32x1000001xf32, #tpu.memory_space<hbm>> -> memref<8x128xf32, #tpu.memory_space<hbm>>
      tpu.enqueue_dma source(%dma_start3A_1066 : memref<8x128xf32, #tpu.memory_space<hbm>>) target(%dma_start3A_1065 : memref<8x128xf32, #tpu.memory_space<vmem>>) target_semaphore(%arg8 : memref<!tpu.dma_semaphore, #tpu.memory_space<semaphore_mem>>)
      %slice3A_1067 = vector.extract_strided_slice %shift_right_arithmetic3A_970 {offsets = [6], sizes = [1], strides = [1]} : vector<16xi32> to vector<1xi32>
      %squeeze3A_1068 = vector.extract %slice3A_1067[0] : i32 from vector<1xi32>
      %mul3A_1069 = arith.constant 128 : i32
      %mul3A_1070 = arith.muli %squeeze3A_1068, %mul3A_1069 : i32
      %multiple_of3A_1071 = tpu.assume_multiple %mul3A_1070, 128 : i32
      %dma_start3A_1072 = arith.constant 22 : i32
      %dma_start3A_1073 = arith.constant 0 : i32
      %dma_start3A_1074 = arith.constant 0 : i32
      %dma_start3A_1075 = tpu.memref_slice %arg6[%select_n3A_700, %dma_start3A_1072, %dma_start3A_1073, %dma_start3A_1074] : memref<2x32x8x128xf32, #tpu.memory_space<vmem>> -> memref<1x1x8x128xf32, #tpu.memory_space<vmem>>
      %dma_start3A_1076 = tpu.memref_squeeze %dma_start3A_1075 : memref<1x1x8x128xf32, #tpu.memory_space<vmem>> -> memref<8x128xf32, #tpu.memory_space<vmem>>
      %dma_start3A_1077 = tpu.memref_slice %arg3[%multiple_of3A, %multiple_of3A_1071] : memref<32x1000001xf32, #tpu.memory_space<hbm>> -> memref<8x128xf32, #tpu.memory_space<hbm>>
      %dma_start3A_1078 = arith.constant 0 : i32
      %dma_start3A_1079 = arith.constant 0 : i32
      %dma_start3A_1080 = tpu.memref_slice %arg6[%select_n3A_700, %dma_start3A_1072, %dma_start3A_1078, %dma_start3A_1079] : memref<2x32x8x128xf32, #tpu.memory_space<vmem>> -> memref<1x1x8x128xf32, #tpu.memory_space<vmem>>
      %dma_start3A_1081 = tpu.memref_squeeze %dma_start3A_1080 : memref<1x1x8x128xf32, #tpu.memory_space<vmem>> -> memref<8x128xf32, #tpu.memory_space<vmem>>
      %dma_start3A_1082 = tpu.memref_slice %arg3[%multiple_of3A, %multiple_of3A_1071] : memref<32x1000001xf32, #tpu.memory_space<hbm>> -> memref<8x128xf32, #tpu.memory_space<hbm>>
      tpu.enqueue_dma source(%dma_start3A_1082 : memref<8x128xf32, #tpu.memory_space<hbm>>) target(%dma_start3A_1081 : memref<8x128xf32, #tpu.memory_space<vmem>>) target_semaphore(%arg8 : memref<!tpu.dma_semaphore, #tpu.memory_space<semaphore_mem>>)
      %slice3A_1083 = vector.extract_strided_slice %shift_right_arithmetic3A_970 {offsets = [7], sizes = [1], strides = [1]} : vector<16xi32> to vector<1xi32>
      %squeeze3A_1084 = vector.extract %slice3A_1083[0] : i32 from vector<1xi32>
      %mul3A_1085 = arith.constant 128 : i32
      %mul3A_1086 = arith.muli %squeeze3A_1084, %mul3A_1085 : i32
      %multiple_of3A_1087 = tpu.assume_multiple %mul3A_1086, 128 : i32
      %dma_start3A_1088 = arith.constant 23 : i32
      %dma_start3A_1089 = arith.constant 0 : i32
      %dma_start3A_1090 = arith.constant 0 : i32
      %dma_start3A_1091 = tpu.memref_slice %arg6[%select_n3A_700, %dma_start3A_1088, %dma_start3A_1089, %dma_start3A_1090] : memref<2x32x8x128xf32, #tpu.memory_space<vmem>> -> memref<1x1x8x128xf32, #tpu.memory_space<vmem>>
      %dma_start3A_1092 = tpu.memref_squeeze %dma_start3A_1091 : memref<1x1x8x128xf32, #tpu.memory_space<vmem>> -> memref<8x128xf32, #tpu.memory_space<vmem>>
      %dma_start3A_1093 = tpu.memref_slice %arg3[%multiple_of3A, %multiple_of3A_1087] : memref<32x1000001xf32, #tpu.memory_space<hbm>> -> memref<8x128xf32, #tpu.memory_space<hbm>>
      %dma_start3A_1094 = arith.constant 0 : i32
      %dma_start3A_1095 = arith.constant 0 : i32
      %dma_start3A_1096 = tpu.memref_slice %arg6[%select_n3A_700, %dma_start3A_1088, %dma_start3A_1094, %dma_start3A_1095] : memref<2x32x8x128xf32, #tpu.memory_space<vmem>> -> memref<1x1x8x128xf32, #tpu.memory_space<vmem>>
      %dma_start3A_1097 = tpu.memref_squeeze %dma_start3A_1096 : memref<1x1x8x128xf32, #tpu.memory_space<vmem>> -> memref<8x128xf32, #tpu.memory_space<vmem>>
      %dma_start3A_1098 = tpu.memref_slice %arg3[%multiple_of3A, %multiple_of3A_1087] : memref<32x1000001xf32, #tpu.memory_space<hbm>> -> memref<8x128xf32, #tpu.memory_space<hbm>>
      tpu.enqueue_dma source(%dma_start3A_1098 : memref<8x128xf32, #tpu.memory_space<hbm>>) target(%dma_start3A_1097 : memref<8x128xf32, #tpu.memory_space<vmem>>) target_semaphore(%arg8 : memref<!tpu.dma_semaphore, #tpu.memory_space<semaphore_mem>>)
      %slice3A_1099 = vector.extract_strided_slice %shift_right_arithmetic3A_970 {offsets = [8], sizes = [1], strides = [1]} : vector<16xi32> to vector<1xi32>
      %squeeze3A_1100 = vector.extract %slice3A_1099[0] : i32 from vector<1xi32>
      %mul3A_1101 = arith.constant 128 : i32
      %mul3A_1102 = arith.muli %squeeze3A_1100, %mul3A_1101 : i32
      %multiple_of3A_1103 = tpu.assume_multiple %mul3A_1102, 128 : i32
      %dma_start3A_1104 = arith.constant 24 : i32
      %dma_start3A_1105 = arith.constant 0 : i32
      %dma_start3A_1106 = arith.constant 0 : i32
      %dma_start3A_1107 = tpu.memref_slice %arg6[%select_n3A_700, %dma_start3A_1104, %dma_start3A_1105, %dma_start3A_1106] : memref<2x32x8x128xf32, #tpu.memory_space<vmem>> -> memref<1x1x8x128xf32, #tpu.memory_space<vmem>>
      %dma_start3A_1108 = tpu.memref_squeeze %dma_start3A_1107 : memref<1x1x8x128xf32, #tpu.memory_space<vmem>> -> memref<8x128xf32, #tpu.memory_space<vmem>>
      %dma_start3A_1109 = tpu.memref_slice %arg3[%multiple_of3A, %multiple_of3A_1103] : memref<32x1000001xf32, #tpu.memory_space<hbm>> -> memref<8x128xf32, #tpu.memory_space<hbm>>
      %dma_start3A_1110 = arith.constant 0 : i32
      %dma_start3A_1111 = arith.constant 0 : i32
      %dma_start3A_1112 = tpu.memref_slice %arg6[%select_n3A_700, %dma_start3A_1104, %dma_start3A_1110, %dma_start3A_1111] : memref<2x32x8x128xf32, #tpu.memory_space<vmem>> -> memref<1x1x8x128xf32, #tpu.memory_space<vmem>>
      %dma_start3A_1113 = tpu.memref_squeeze %dma_start3A_1112 : memref<1x1x8x128xf32, #tpu.memory_space<vmem>> -> memref<8x128xf32, #tpu.memory_space<vmem>>
      %dma_start3A_1114 = tpu.memref_slice %arg3[%multiple_of3A, %multiple_of3A_1103] : memref<32x1000001xf32, #tpu.memory_space<hbm>> -> memref<8x128xf32, #tpu.memory_space<hbm>>
      tpu.enqueue_dma source(%dma_start3A_1114 : memref<8x128xf32, #tpu.memory_space<hbm>>) target(%dma_start3A_1113 : memref<8x128xf32, #tpu.memory_space<vmem>>) target_semaphore(%arg8 : memref<!tpu.dma_semaphore, #tpu.memory_space<semaphore_mem>>)
      %slice3A_1115 = vector.extract_strided_slice %shift_right_arithmetic3A_970 {offsets = [9], sizes = [1], strides = [1]} : vector<16xi32> to vector<1xi32>
      %squeeze3A_1116 = vector.extract %slice3A_1115[0] : i32 from vector<1xi32>
      %mul3A_1117 = arith.constant 128 : i32
      %mul3A_1118 = arith.muli %squeeze3A_1116, %mul3A_1117 : i32
      %multiple_of3A_1119 = tpu.assume_multiple %mul3A_1118, 128 : i32
      %dma_start3A_1120 = arith.constant 25 : i32
      %dma_start3A_1121 = arith.constant 0 : i32
      %dma_start3A_1122 = arith.constant 0 : i32
      %dma_start3A_1123 = tpu.memref_slice %arg6[%select_n3A_700, %dma_start3A_1120, %dma_start3A_1121, %dma_start3A_1122] : memref<2x32x8x128xf32, #tpu.memory_space<vmem>> -> memref<1x1x8x128xf32, #tpu.memory_space<vmem>>
      %dma_start3A_1124 = tpu.memref_squeeze %dma_start3A_1123 : memref<1x1x8x128xf32, #tpu.memory_space<vmem>> -> memref<8x128xf32, #tpu.memory_space<vmem>>
      %dma_start3A_1125 = tpu.memref_slice %arg3[%multiple_of3A, %multiple_of3A_1119] : memref<32x1000001xf32, #tpu.memory_space<hbm>> -> memref<8x128xf32, #tpu.memory_space<hbm>>
      %dma_start3A_1126 = arith.constant 0 : i32
      %dma_start3A_1127 = arith.constant 0 : i32
      %dma_start3A_1128 = tpu.memref_slice %arg6[%select_n3A_700, %dma_start3A_1120, %dma_start3A_1126, %dma_start3A_1127] : memref<2x32x8x128xf32, #tpu.memory_space<vmem>> -> memref<1x1x8x128xf32, #tpu.memory_space<vmem>>
      %dma_start3A_1129 = tpu.memref_squeeze %dma_start3A_1128 : memref<1x1x8x128xf32, #tpu.memory_space<vmem>> -> memref<8x128xf32, #tpu.memory_space<vmem>>
      %dma_start3A_1130 = tpu.memref_slice %arg3[%multiple_of3A, %multiple_of3A_1119] : memref<32x1000001xf32, #tpu.memory_space<hbm>> -> memref<8x128xf32, #tpu.memory_space<hbm>>
      tpu.enqueue_dma source(%dma_start3A_1130 : memref<8x128xf32, #tpu.memory_space<hbm>>) target(%dma_start3A_1129 : memref<8x128xf32, #tpu.memory_space<vmem>>) target_semaphore(%arg8 : memref<!tpu.dma_semaphore, #tpu.memory_space<semaphore_mem>>)
      %slice3A_1131 = vector.extract_strided_slice %shift_right_arithmetic3A_970 {offsets = [10], sizes = [1], strides = [1]} : vector<16xi32> to vector<1xi32>
      %squeeze3A_1132 = vector.extract %slice3A_1131[0] : i32 from vector<1xi32>
      %mul3A_1133 = arith.constant 128 : i32
      %mul3A_1134 = arith.muli %squeeze3A_1132, %mul3A_1133 : i32
      %multiple_of3A_1135 = tpu.assume_multiple %mul3A_1134, 128 : i32
      %dma_start3A_1136 = arith.constant 26 : i32
      %dma_start3A_1137 = arith.constant 0 : i32
      %dma_start3A_1138 = arith.constant 0 : i32
      %dma_start3A_1139 = tpu.memref_slice %arg6[%select_n3A_700, %dma_start3A_1136, %dma_start3A_1137, %dma_start3A_1138] : memref<2x32x8x128xf32, #tpu.memory_space<vmem>> -> memref<1x1x8x128xf32, #tpu.memory_space<vmem>>
      %dma_start3A_1140 = tpu.memref_squeeze %dma_start3A_1139 : memref<1x1x8x128xf32, #tpu.memory_space<vmem>> -> memref<8x128xf32, #tpu.memory_space<vmem>>
      %dma_start3A_1141 = tpu.memref_slice %arg3[%multiple_of3A, %multiple_of3A_1135] : memref<32x1000001xf32, #tpu.memory_space<hbm>> -> memref<8x128xf32, #tpu.memory_space<hbm>>
      %dma_start3A_1142 = arith.constant 0 : i32
      %dma_start3A_1143 = arith.constant 0 : i32
      %dma_start3A_1144 = tpu.memref_slice %arg6[%select_n3A_700, %dma_start3A_1136, %dma_start3A_1142, %dma_start3A_1143] : memref<2x32x8x128xf32, #tpu.memory_space<vmem>> -> memref<1x1x8x128xf32, #tpu.memory_space<vmem>>
      %dma_start3A_1145 = tpu.memref_squeeze %dma_start3A_1144 : memref<1x1x8x128xf32, #tpu.memory_space<vmem>> -> memref<8x128xf32, #tpu.memory_space<vmem>>
      %dma_start3A_1146 = tpu.memref_slice %arg3[%multiple_of3A, %multiple_of3A_1135] : memref<32x1000001xf32, #tpu.memory_space<hbm>> -> memref<8x128xf32, #tpu.memory_space<hbm>>
      tpu.enqueue_dma source(%dma_start3A_1146 : memref<8x128xf32, #tpu.memory_space<hbm>>) target(%dma_start3A_1145 : memref<8x128xf32, #tpu.memory_space<vmem>>) target_semaphore(%arg8 : memref<!tpu.dma_semaphore, #tpu.memory_space<semaphore_mem>>)
      %slice3A_1147 = vector.extract_strided_slice %shift_right_arithmetic3A_970 {offsets = [11], sizes = [1], strides = [1]} : vector<16xi32> to vector<1xi32>
      %squeeze3A_1148 = vector.extract %slice3A_1147[0] : i32 from vector<1xi32>
      %mul3A_1149 = arith.constant 128 : i32
      %mul3A_1150 = arith.muli %squeeze3A_1148, %mul3A_1149 : i32
      %multiple_of3A_1151 = tpu.assume_multiple %mul3A_1150, 128 : i32
      %dma_start3A_1152 = arith.constant 27 : i32
      %dma_start3A_1153 = arith.constant 0 : i32
      %dma_start3A_1154 = arith.constant 0 : i32
      %dma_start3A_1155 = tpu.memref_slice %arg6[%select_n3A_700, %dma_start3A_1152, %dma_start3A_1153, %dma_start3A_1154] : memref<2x32x8x128xf32, #tpu.memory_space<vmem>> -> memref<1x1x8x128xf32, #tpu.memory_space<vmem>>
      %dma_start3A_1156 = tpu.memref_squeeze %dma_start3A_1155 : memref<1x1x8x128xf32, #tpu.memory_space<vmem>> -> memref<8x128xf32, #tpu.memory_space<vmem>>
      %dma_start3A_1157 = tpu.memref_slice %arg3[%multiple_of3A, %multiple_of3A_1151] : memref<32x1000001xf32, #tpu.memory_space<hbm>> -> memref<8x128xf32, #tpu.memory_space<hbm>>
      %dma_start3A_1158 = arith.constant 0 : i32
      %dma_start3A_1159 = arith.constant 0 : i32
      %dma_start3A_1160 = tpu.memref_slice %arg6[%select_n3A_700, %dma_start3A_1152, %dma_start3A_1158, %dma_start3A_1159] : memref<2x32x8x128xf32, #tpu.memory_space<vmem>> -> memref<1x1x8x128xf32, #tpu.memory_space<vmem>>
      %dma_start3A_1161 = tpu.memref_squeeze %dma_start3A_1160 : memref<1x1x8x128xf32, #tpu.memory_space<vmem>> -> memref<8x128xf32, #tpu.memory_space<vmem>>
      %dma_start3A_1162 = tpu.memref_slice %arg3[%multiple_of3A, %multiple_of3A_1151] : memref<32x1000001xf32, #tpu.memory_space<hbm>> -> memref<8x128xf32, #tpu.memory_space<hbm>>
      tpu.enqueue_dma source(%dma_start3A_1162 : memref<8x128xf32, #tpu.memory_space<hbm>>) target(%dma_start3A_1161 : memref<8x128xf32, #tpu.memory_space<vmem>>) target_semaphore(%arg8 : memref<!tpu.dma_semaphore, #tpu.memory_space<semaphore_mem>>)
      %slice3A_1163 = vector.extract_strided_slice %shift_right_arithmetic3A_970 {offsets = [12], sizes = [1], strides = [1]} : vector<16xi32> to vector<1xi32>
      %squeeze3A_1164 = vector.extract %slice3A_1163[0] : i32 from vector<1xi32>
      %mul3A_1165 = arith.constant 128 : i32
      %mul3A_1166 = arith.muli %squeeze3A_1164, %mul3A_1165 : i32
      %multiple_of3A_1167 = tpu.assume_multiple %mul3A_1166, 128 : i32
      %dma_start3A_1168 = arith.constant 28 : i32
      %dma_start3A_1169 = arith.constant 0 : i32
      %dma_start3A_1170 = arith.constant 0 : i32
      %dma_start3A_1171 = tpu.memref_slice %arg6[%select_n3A_700, %dma_start3A_1168, %dma_start3A_1169, %dma_start3A_1170] : memref<2x32x8x128xf32, #tpu.memory_space<vmem>> -> memref<1x1x8x128xf32, #tpu.memory_space<vmem>>
      %dma_start3A_1172 = tpu.memref_squeeze %dma_start3A_1171 : memref<1x1x8x128xf32, #tpu.memory_space<vmem>> -> memref<8x128xf32, #tpu.memory_space<vmem>>
      %dma_start3A_1173 = tpu.memref_slice %arg3[%multiple_of3A, %multiple_of3A_1167] : memref<32x1000001xf32, #tpu.memory_space<hbm>> -> memref<8x128xf32, #tpu.memory_space<hbm>>
      %dma_start3A_1174 = arith.constant 0 : i32
      %dma_start3A_1175 = arith.constant 0 : i32
      %dma_start3A_1176 = tpu.memref_slice %arg6[%select_n3A_700, %dma_start3A_1168, %dma_start3A_1174, %dma_start3A_1175] : memref<2x32x8x128xf32, #tpu.memory_space<vmem>> -> memref<1x1x8x128xf32, #tpu.memory_space<vmem>>
      %dma_start3A_1177 = tpu.memref_squeeze %dma_start3A_1176 : memref<1x1x8x128xf32, #tpu.memory_space<vmem>> -> memref<8x128xf32, #tpu.memory_space<vmem>>
      %dma_start3A_1178 = tpu.memref_slice %arg3[%multiple_of3A, %multiple_of3A_1167] : memref<32x1000001xf32, #tpu.memory_space<hbm>> -> memref<8x128xf32, #tpu.memory_space<hbm>>
      tpu.enqueue_dma source(%dma_start3A_1178 : memref<8x128xf32, #tpu.memory_space<hbm>>) target(%dma_start3A_1177 : memref<8x128xf32, #tpu.memory_space<vmem>>) target_semaphore(%arg8 : memref<!tpu.dma_semaphore, #tpu.memory_space<semaphore_mem>>)
      %slice3A_1179 = vector.extract_strided_slice %shift_right_arithmetic3A_970 {offsets = [13], sizes = [1], strides = [1]} : vector<16xi32> to vector<1xi32>
      %squeeze3A_1180 = vector.extract %slice3A_1179[0] : i32 from vector<1xi32>
      %mul3A_1181 = arith.constant 128 : i32
      %mul3A_1182 = arith.muli %squeeze3A_1180, %mul3A_1181 : i32
      %multiple_of3A_1183 = tpu.assume_multiple %mul3A_1182, 128 : i32
      %dma_start3A_1184 = arith.constant 29 : i32
      %dma_start3A_1185 = arith.constant 0 : i32
      %dma_start3A_1186 = arith.constant 0 : i32
      %dma_start3A_1187 = tpu.memref_slice %arg6[%select_n3A_700, %dma_start3A_1184, %dma_start3A_1185, %dma_start3A_1186] : memref<2x32x8x128xf32, #tpu.memory_space<vmem>> -> memref<1x1x8x128xf32, #tpu.memory_space<vmem>>
      %dma_start3A_1188 = tpu.memref_squeeze %dma_start3A_1187 : memref<1x1x8x128xf32, #tpu.memory_space<vmem>> -> memref<8x128xf32, #tpu.memory_space<vmem>>
      %dma_start3A_1189 = tpu.memref_slice %arg3[%multiple_of3A, %multiple_of3A_1183] : memref<32x1000001xf32, #tpu.memory_space<hbm>> -> memref<8x128xf32, #tpu.memory_space<hbm>>
      %dma_start3A_1190 = arith.constant 0 : i32
      %dma_start3A_1191 = arith.constant 0 : i32
      %dma_start3A_1192 = tpu.memref_slice %arg6[%select_n3A_700, %dma_start3A_1184, %dma_start3A_1190, %dma_start3A_1191] : memref<2x32x8x128xf32, #tpu.memory_space<vmem>> -> memref<1x1x8x128xf32, #tpu.memory_space<vmem>>
      %dma_start3A_1193 = tpu.memref_squeeze %dma_start3A_1192 : memref<1x1x8x128xf32, #tpu.memory_space<vmem>> -> memref<8x128xf32, #tpu.memory_space<vmem>>
      %dma_start3A_1194 = tpu.memref_slice %arg3[%multiple_of3A, %multiple_of3A_1183] : memref<32x1000001xf32, #tpu.memory_space<hbm>> -> memref<8x128xf32, #tpu.memory_space<hbm>>
      tpu.enqueue_dma source(%dma_start3A_1194 : memref<8x128xf32, #tpu.memory_space<hbm>>) target(%dma_start3A_1193 : memref<8x128xf32, #tpu.memory_space<vmem>>) target_semaphore(%arg8 : memref<!tpu.dma_semaphore, #tpu.memory_space<semaphore_mem>>)
      %slice3A_1195 = vector.extract_strided_slice %shift_right_arithmetic3A_970 {offsets = [14], sizes = [1], strides = [1]} : vector<16xi32> to vector<1xi32>
      %squeeze3A_1196 = vector.extract %slice3A_1195[0] : i32 from vector<1xi32>
      %mul3A_1197 = arith.constant 128 : i32
      %mul3A_1198 = arith.muli %squeeze3A_1196, %mul3A_1197 : i32
      %multiple_of3A_1199 = tpu.assume_multiple %mul3A_1198, 128 : i32
      %dma_start3A_1200 = arith.constant 30 : i32
      %dma_start3A_1201 = arith.constant 0 : i32
      %dma_start3A_1202 = arith.constant 0 : i32
      %dma_start3A_1203 = tpu.memref_slice %arg6[%select_n3A_700, %dma_start3A_1200, %dma_start3A_1201, %dma_start3A_1202] : memref<2x32x8x128xf32, #tpu.memory_space<vmem>> -> memref<1x1x8x128xf32, #tpu.memory_space<vmem>>
      %dma_start3A_1204 = tpu.memref_squeeze %dma_start3A_1203 : memref<1x1x8x128xf32, #tpu.memory_space<vmem>> -> memref<8x128xf32, #tpu.memory_space<vmem>>
      %dma_start3A_1205 = tpu.memref_slice %arg3[%multiple_of3A, %multiple_of3A_1199] : memref<32x1000001xf32, #tpu.memory_space<hbm>> -> memref<8x128xf32, #tpu.memory_space<hbm>>
      %dma_start3A_1206 = arith.constant 0 : i32
      %dma_start3A_1207 = arith.constant 0 : i32
      %dma_start3A_1208 = tpu.memref_slice %arg6[%select_n3A_700, %dma_start3A_1200, %dma_start3A_1206, %dma_start3A_1207] : memref<2x32x8x128xf32, #tpu.memory_space<vmem>> -> memref<1x1x8x128xf32, #tpu.memory_space<vmem>>
      %dma_start3A_1209 = tpu.memref_squeeze %dma_start3A_1208 : memref<1x1x8x128xf32, #tpu.memory_space<vmem>> -> memref<8x128xf32, #tpu.memory_space<vmem>>
      %dma_start3A_1210 = tpu.memref_slice %arg3[%multiple_of3A, %multiple_of3A_1199] : memref<32x1000001xf32, #tpu.memory_space<hbm>> -> memref<8x128xf32, #tpu.memory_space<hbm>>
      tpu.enqueue_dma source(%dma_start3A_1210 : memref<8x128xf32, #tpu.memory_space<hbm>>) target(%dma_start3A_1209 : memref<8x128xf32, #tpu.memory_space<vmem>>) target_semaphore(%arg8 : memref<!tpu.dma_semaphore, #tpu.memory_space<semaphore_mem>>)
      %slice3A_1211 = vector.extract_strided_slice %shift_right_arithmetic3A_970 {offsets = [15], sizes = [1], strides = [1]} : vector<16xi32> to vector<1xi32>
      %squeeze3A_1212 = vector.extract %slice3A_1211[0] : i32 from vector<1xi32>
      %mul3A_1213 = arith.constant 128 : i32
      %mul3A_1214 = arith.muli %squeeze3A_1212, %mul3A_1213 : i32
      %multiple_of3A_1215 = tpu.assume_multiple %mul3A_1214, 128 : i32
      %dma_start3A_1216 = arith.constant 31 : i32
      %dma_start3A_1217 = arith.constant 0 : i32
      %dma_start3A_1218 = arith.constant 0 : i32
      %dma_start3A_1219 = tpu.memref_slice %arg6[%select_n3A_700, %dma_start3A_1216, %dma_start3A_1217, %dma_start3A_1218] : memref<2x32x8x128xf32, #tpu.memory_space<vmem>> -> memref<1x1x8x128xf32, #tpu.memory_space<vmem>>
      %dma_start3A_1220 = tpu.memref_squeeze %dma_start3A_1219 : memref<1x1x8x128xf32, #tpu.memory_space<vmem>> -> memref<8x128xf32, #tpu.memory_space<vmem>>
      %dma_start3A_1221 = tpu.memref_slice %arg3[%multiple_of3A, %multiple_of3A_1215] : memref<32x1000001xf32, #tpu.memory_space<hbm>> -> memref<8x128xf32, #tpu.memory_space<hbm>>
      %dma_start3A_1222 = arith.constant 0 : i32
      %dma_start3A_1223 = arith.constant 0 : i32
      %dma_start3A_1224 = tpu.memref_slice %arg6[%select_n3A_700, %dma_start3A_1216, %dma_start3A_1222, %dma_start3A_1223] : memref<2x32x8x128xf32, #tpu.memory_space<vmem>> -> memref<1x1x8x128xf32, #tpu.memory_space<vmem>>
      %dma_start3A_1225 = tpu.memref_squeeze %dma_start3A_1224 : memref<1x1x8x128xf32, #tpu.memory_space<vmem>> -> memref<8x128xf32, #tpu.memory_space<vmem>>
      %dma_start3A_1226 = tpu.memref_slice %arg3[%multiple_of3A, %multiple_of3A_1215] : memref<32x1000001xf32, #tpu.memory_space<hbm>> -> memref<8x128xf32, #tpu.memory_space<hbm>>
      tpu.enqueue_dma source(%dma_start3A_1226 : memref<8x128xf32, #tpu.memory_space<hbm>>) target(%dma_start3A_1225 : memref<8x128xf32, #tpu.memory_space<vmem>>) target_semaphore(%arg8 : memref<!tpu.dma_semaphore, #tpu.memory_space<semaphore_mem>>)
      %gt3A = arith.constant 0 : i32
      %gt3A_1227 = arith.cmpi sgt, %add3A_684, %gt3A : i32
      %convert_element_type3A = arith.extui %gt3A_1227 : i1 to i32
      %cond3A = arith.constant 0 : i32
      %cond3A_1228 = arith.cmpi ne, %convert_element_type3A, %cond3A : i32
      scf.if %cond3A_1228 {
        %sub3A_1229 = arith.constant 1 : i32
        %sub3A_1230 = arith.subi %add3A_684, %sub3A_1229 : i32
        %jit3A_1231 = arith.constant 2 : i32
        %eq3A_1232 = arith.constant 0 : i32
        %eq3A_1233 = arith.cmpi eq, %jit3A_1231, %eq3A_1232 : i32
        %jit3A_1234 = arith.constant 1 : i32
        %select_n3A_1235 = arith.select %eq3A_1233, %jit3A_1234, %jit3A_1231 : i32
        %rem3A_1236 = arith.remsi %sub3A_1230, %select_n3A_1235 : i32
        %ne3A_1237 = arith.constant 0 : i32
        %ne3A_1238 = arith.cmpi ne, %rem3A_1236, %ne3A_1237 : i32
        %lt3A_1239 = arith.constant 0 : i32
        %lt3A_1240 = arith.cmpi slt, %rem3A_1236, %lt3A_1239 : i32
        %lt3A_1241 = arith.constant 0 : i32
        %lt3A_1242 = arith.cmpi slt, %select_n3A_1235, %lt3A_1241 : i32
        %ne3A_1243 = arith.xori %lt3A_1240, %lt3A_1242 : i1
        %and3A_1244 = arith.andi %ne3A_1243, %ne3A_1238 : i1
        %add3A_1245 = arith.addi %rem3A_1236, %select_n3A_1235 : i32
        %select_n3A_1246 = arith.select %and3A_1244, %add3A_1245, %rem3A_1236 : i32
        %dma_wait3A_1247 = arith.constant 0 : i32
        %dma_wait3A_1248 = arith.constant 0 : i32
        %dma_wait3A_1249 = arith.constant 0 : i32
        %dma_wait3A_1250 = tpu.memref_slice %arg6[%select_n3A_1246, %dma_wait3A_1247, %dma_wait3A_1248, %dma_wait3A_1249] : memref<2x32x8x128xf32, #tpu.memory_space<vmem>> -> memref<1x1x8x128xf32, #tpu.memory_space<vmem>>
        %dma_wait3A_1251 = tpu.memref_squeeze %dma_wait3A_1250 : memref<1x1x8x128xf32, #tpu.memory_space<vmem>> -> memref<8x128xf32, #tpu.memory_space<vmem>>
        %dma_wait3A_1252 = arith.constant 0 : i32
        %dma_wait3A_1253 = arith.constant 0 : i32
        %dma_wait3A_1254 = tpu.memref_slice %arg3[%dma_wait3A_1252, %dma_wait3A_1253] : memref<32x1000001xf32, #tpu.memory_space<hbm>> -> memref<8x128xf32, #tpu.memory_space<hbm>>
        %dma_wait3A_1255 = arith.constant 0 : i32
        %dma_wait3A_1256 = arith.constant 0 : i32
        %dma_wait3A_1257 = tpu.memref_slice %arg6[%select_n3A_1246, %dma_wait3A_1247, %dma_wait3A_1255, %dma_wait3A_1256] : memref<2x32x8x128xf32, #tpu.memory_space<vmem>> -> memref<1x1x8x128xf32, #tpu.memory_space<vmem>>
        %dma_wait3A_1258 = tpu.memref_squeeze %dma_wait3A_1257 : memref<1x1x8x128xf32, #tpu.memory_space<vmem>> -> memref<8x128xf32, #tpu.memory_space<vmem>>
        %dma_wait3A_1259 = arith.constant 0 : i32
        %dma_wait3A_1260 = arith.constant 0 : i32
        %dma_wait3A_1261 = tpu.memref_slice %arg3[%dma_wait3A_1259, %dma_wait3A_1260] : memref<32x1000001xf32, #tpu.memory_space<hbm>> -> memref<8x128xf32, #tpu.memory_space<hbm>>
        tpu.wait_dma2 semaphore(%arg8 : memref<!tpu.dma_semaphore, #tpu.memory_space<semaphore_mem>>) src(%dma_wait3A_1261 : memref<8x128xf32, #tpu.memory_space<hbm>>) dst(%dma_wait3A_1258 : memref<8x128xf32, #tpu.memory_space<vmem>>)
        %dma_wait3A_1262 = arith.constant 1 : i32
        %dma_wait3A_1263 = arith.constant 0 : i32
        %dma_wait3A_1264 = arith.constant 0 : i32
        %dma_wait3A_1265 = tpu.memref_slice %arg6[%select_n3A_1246, %dma_wait3A_1262, %dma_wait3A_1263, %dma_wait3A_1264] : memref<2x32x8x128xf32, #tpu.memory_space<vmem>> -> memref<1x1x8x128xf32, #tpu.memory_space<vmem>>
        %dma_wait3A_1266 = tpu.memref_squeeze %dma_wait3A_1265 : memref<1x1x8x128xf32, #tpu.memory_space<vmem>> -> memref<8x128xf32, #tpu.memory_space<vmem>>
        %dma_wait3A_1267 = arith.constant 0 : i32
        %dma_wait3A_1268 = arith.constant 0 : i32
        %dma_wait3A_1269 = tpu.memref_slice %arg3[%dma_wait3A_1267, %dma_wait3A_1268] : memref<32x1000001xf32, #tpu.memory_space<hbm>> -> memref<8x128xf32, #tpu.memory_space<hbm>>
        %dma_wait3A_1270 = arith.constant 0 : i32
        %dma_wait3A_1271 = arith.constant 0 : i32
        %dma_wait3A_1272 = tpu.memref_slice %arg6[%select_n3A_1246, %dma_wait3A_1262, %dma_wait3A_1270, %dma_wait3A_1271] : memref<2x32x8x128xf32, #tpu.memory_space<vmem>> -> memref<1x1x8x128xf32, #tpu.memory_space<vmem>>
        %dma_wait3A_1273 = tpu.memref_squeeze %dma_wait3A_1272 : memref<1x1x8x128xf32, #tpu.memory_space<vmem>> -> memref<8x128xf32, #tpu.memory_space<vmem>>
        %dma_wait3A_1274 = arith.constant 0 : i32
        %dma_wait3A_1275 = arith.constant 0 : i32
        %dma_wait3A_1276 = tpu.memref_slice %arg3[%dma_wait3A_1274, %dma_wait3A_1275] : memref<32x1000001xf32, #tpu.memory_space<hbm>> -> memref<8x128xf32, #tpu.memory_space<hbm>>
        tpu.wait_dma2 semaphore(%arg8 : memref<!tpu.dma_semaphore, #tpu.memory_space<semaphore_mem>>) src(%dma_wait3A_1276 : memref<8x128xf32, #tpu.memory_space<hbm>>) dst(%dma_wait3A_1273 : memref<8x128xf32, #tpu.memory_space<vmem>>)
        %dma_wait3A_1277 = arith.constant 2 : i32
        %dma_wait3A_1278 = arith.constant 0 : i32
        %dma_wait3A_1279 = arith.constant 0 : i32
        %dma_wait3A_1280 = tpu.memref_slice %arg6[%select_n3A_1246, %dma_wait3A_1277, %dma_wait3A_1278, %dma_wait3A_1279] : memref<2x32x8x128xf32, #tpu.memory_space<vmem>> -> memref<1x1x8x128xf32, #tpu.memory_space<vmem>>
        %dma_wait3A_1281 = tpu.memref_squeeze %dma_wait3A_1280 : memref<1x1x8x128xf32, #tpu.memory_space<vmem>> -> memref<8x128xf32, #tpu.memory_space<vmem>>
        %dma_wait3A_1282 = arith.constant 0 : i32
        %dma_wait3A_1283 = arith.constant 0 : i32
        %dma_wait3A_1284 = tpu.memref_slice %arg3[%dma_wait3A_1282, %dma_wait3A_1283] : memref<32x1000001xf32, #tpu.memory_space<hbm>> -> memref<8x128xf32, #tpu.memory_space<hbm>>
        %dma_wait3A_1285 = arith.constant 0 : i32
        %dma_wait3A_1286 = arith.constant 0 : i32
        %dma_wait3A_1287 = tpu.memref_slice %arg6[%select_n3A_1246, %dma_wait3A_1277, %dma_wait3A_1285, %dma_wait3A_1286] : memref<2x32x8x128xf32, #tpu.memory_space<vmem>> -> memref<1x1x8x128xf32, #tpu.memory_space<vmem>>
        %dma_wait3A_1288 = tpu.memref_squeeze %dma_wait3A_1287 : memref<1x1x8x128xf32, #tpu.memory_space<vmem>> -> memref<8x128xf32, #tpu.memory_space<vmem>>
        %dma_wait3A_1289 = arith.constant 0 : i32
        %dma_wait3A_1290 = arith.constant 0 : i32
        %dma_wait3A_1291 = tpu.memref_slice %arg3[%dma_wait3A_1289, %dma_wait3A_1290] : memref<32x1000001xf32, #tpu.memory_space<hbm>> -> memref<8x128xf32, #tpu.memory_space<hbm>>
        tpu.wait_dma2 semaphore(%arg8 : memref<!tpu.dma_semaphore, #tpu.memory_space<semaphore_mem>>) src(%dma_wait3A_1291 : memref<8x128xf32, #tpu.memory_space<hbm>>) dst(%dma_wait3A_1288 : memref<8x128xf32, #tpu.memory_space<vmem>>)
        %dma_wait3A_1292 = arith.constant 3 : i32
        %dma_wait3A_1293 = arith.constant 0 : i32
        %dma_wait3A_1294 = arith.constant 0 : i32
        %dma_wait3A_1295 = tpu.memref_slice %arg6[%select_n3A_1246, %dma_wait3A_1292, %dma_wait3A_1293, %dma_wait3A_1294] : memref<2x32x8x128xf32, #tpu.memory_space<vmem>> -> memref<1x1x8x128xf32, #tpu.memory_space<vmem>>
        %dma_wait3A_1296 = tpu.memref_squeeze %dma_wait3A_1295 : memref<1x1x8x128xf32, #tpu.memory_space<vmem>> -> memref<8x128xf32, #tpu.memory_space<vmem>>
        %dma_wait3A_1297 = arith.constant 0 : i32
        %dma_wait3A_1298 = arith.constant 0 : i32
        %dma_wait3A_1299 = tpu.memref_slice %arg3[%dma_wait3A_1297, %dma_wait3A_1298] : memref<32x1000001xf32, #tpu.memory_space<hbm>> -> memref<8x128xf32, #tpu.memory_space<hbm>>
        %dma_wait3A_1300 = arith.constant 0 : i32
        %dma_wait3A_1301 = arith.constant 0 : i32
        %dma_wait3A_1302 = tpu.memref_slice %arg6[%select_n3A_1246, %dma_wait3A_1292, %dma_wait3A_1300, %dma_wait3A_1301] : memref<2x32x8x128xf32, #tpu.memory_space<vmem>> -> memref<1x1x8x128xf32, #tpu.memory_space<vmem>>
        %dma_wait3A_1303 = tpu.memref_squeeze %dma_wait3A_1302 : memref<1x1x8x128xf32, #tpu.memory_space<vmem>> -> memref<8x128xf32, #tpu.memory_space<vmem>>
        %dma_wait3A_1304 = arith.constant 0 : i32
        %dma_wait3A_1305 = arith.constant 0 : i32
        %dma_wait3A_1306 = tpu.memref_slice %arg3[%dma_wait3A_1304, %dma_wait3A_1305] : memref<32x1000001xf32, #tpu.memory_space<hbm>> -> memref<8x128xf32, #tpu.memory_space<hbm>>
        tpu.wait_dma2 semaphore(%arg8 : memref<!tpu.dma_semaphore, #tpu.memory_space<semaphore_mem>>) src(%dma_wait3A_1306 : memref<8x128xf32, #tpu.memory_space<hbm>>) dst(%dma_wait3A_1303 : memref<8x128xf32, #tpu.memory_space<vmem>>)
        %dma_wait3A_1307 = arith.constant 4 : i32
        %dma_wait3A_1308 = arith.constant 0 : i32
        %dma_wait3A_1309 = arith.constant 0 : i32
        %dma_wait3A_1310 = tpu.memref_slice %arg6[%select_n3A_1246, %dma_wait3A_1307, %dma_wait3A_1308, %dma_wait3A_1309] : memref<2x32x8x128xf32, #tpu.memory_space<vmem>> -> memref<1x1x8x128xf32, #tpu.memory_space<vmem>>
        %dma_wait3A_1311 = tpu.memref_squeeze %dma_wait3A_1310 : memref<1x1x8x128xf32, #tpu.memory_space<vmem>> -> memref<8x128xf32, #tpu.memory_space<vmem>>
        %dma_wait3A_1312 = arith.constant 0 : i32
        %dma_wait3A_1313 = arith.constant 0 : i32
        %dma_wait3A_1314 = tpu.memref_slice %arg3[%dma_wait3A_1312, %dma_wait3A_1313] : memref<32x1000001xf32, #tpu.memory_space<hbm>> -> memref<8x128xf32, #tpu.memory_space<hbm>>
        %dma_wait3A_1315 = arith.constant 0 : i32
        %dma_wait3A_1316 = arith.constant 0 : i32
        %dma_wait3A_1317 = tpu.memref_slice %arg6[%select_n3A_1246, %dma_wait3A_1307, %dma_wait3A_1315, %dma_wait3A_1316] : memref<2x32x8x128xf32, #tpu.memory_space<vmem>> -> memref<1x1x8x128xf32, #tpu.memory_space<vmem>>
        %dma_wait3A_1318 = tpu.memref_squeeze %dma_wait3A_1317 : memref<1x1x8x128xf32, #tpu.memory_space<vmem>> -> memref<8x128xf32, #tpu.memory_space<vmem>>
        %dma_wait3A_1319 = arith.constant 0 : i32
        %dma_wait3A_1320 = arith.constant 0 : i32
        %dma_wait3A_1321 = tpu.memref_slice %arg3[%dma_wait3A_1319, %dma_wait3A_1320] : memref<32x1000001xf32, #tpu.memory_space<hbm>> -> memref<8x128xf32, #tpu.memory_space<hbm>>
        tpu.wait_dma2 semaphore(%arg8 : memref<!tpu.dma_semaphore, #tpu.memory_space<semaphore_mem>>) src(%dma_wait3A_1321 : memref<8x128xf32, #tpu.memory_space<hbm>>) dst(%dma_wait3A_1318 : memref<8x128xf32, #tpu.memory_space<vmem>>)
        %dma_wait3A_1322 = arith.constant 5 : i32
        %dma_wait3A_1323 = arith.constant 0 : i32
        %dma_wait3A_1324 = arith.constant 0 : i32
        %dma_wait3A_1325 = tpu.memref_slice %arg6[%select_n3A_1246, %dma_wait3A_1322, %dma_wait3A_1323, %dma_wait3A_1324] : memref<2x32x8x128xf32, #tpu.memory_space<vmem>> -> memref<1x1x8x128xf32, #tpu.memory_space<vmem>>
        %dma_wait3A_1326 = tpu.memref_squeeze %dma_wait3A_1325 : memref<1x1x8x128xf32, #tpu.memory_space<vmem>> -> memref<8x128xf32, #tpu.memory_space<vmem>>
        %dma_wait3A_1327 = arith.constant 0 : i32
        %dma_wait3A_1328 = arith.constant 0 : i32
        %dma_wait3A_1329 = tpu.memref_slice %arg3[%dma_wait3A_1327, %dma_wait3A_1328] : memref<32x1000001xf32, #tpu.memory_space<hbm>> -> memref<8x128xf32, #tpu.memory_space<hbm>>
        %dma_wait3A_1330 = arith.constant 0 : i32
        %dma_wait3A_1331 = arith.constant 0 : i32
        %dma_wait3A_1332 = tpu.memref_slice %arg6[%select_n3A_1246, %dma_wait3A_1322, %dma_wait3A_1330, %dma_wait3A_1331] : memref<2x32x8x128xf32, #tpu.memory_space<vmem>> -> memref<1x1x8x128xf32, #tpu.memory_space<vmem>>
        %dma_wait3A_1333 = tpu.memref_squeeze %dma_wait3A_1332 : memref<1x1x8x128xf32, #tpu.memory_space<vmem>> -> memref<8x128xf32, #tpu.memory_space<vmem>>
        %dma_wait3A_1334 = arith.constant 0 : i32
        %dma_wait3A_1335 = arith.constant 0 : i32
        %dma_wait3A_1336 = tpu.memref_slice %arg3[%dma_wait3A_1334, %dma_wait3A_1335] : memref<32x1000001xf32, #tpu.memory_space<hbm>> -> memref<8x128xf32, #tpu.memory_space<hbm>>
        tpu.wait_dma2 semaphore(%arg8 : memref<!tpu.dma_semaphore, #tpu.memory_space<semaphore_mem>>) src(%dma_wait3A_1336 : memref<8x128xf32, #tpu.memory_space<hbm>>) dst(%dma_wait3A_1333 : memref<8x128xf32, #tpu.memory_space<vmem>>)
        %dma_wait3A_1337 = arith.constant 6 : i32
        %dma_wait3A_1338 = arith.constant 0 : i32
        %dma_wait3A_1339 = arith.constant 0 : i32
        %dma_wait3A_1340 = tpu.memref_slice %arg6[%select_n3A_1246, %dma_wait3A_1337, %dma_wait3A_1338, %dma_wait3A_1339] : memref<2x32x8x128xf32, #tpu.memory_space<vmem>> -> memref<1x1x8x128xf32, #tpu.memory_space<vmem>>
        %dma_wait3A_1341 = tpu.memref_squeeze %dma_wait3A_1340 : memref<1x1x8x128xf32, #tpu.memory_space<vmem>> -> memref<8x128xf32, #tpu.memory_space<vmem>>
        %dma_wait3A_1342 = arith.constant 0 : i32
        %dma_wait3A_1343 = arith.constant 0 : i32
        %dma_wait3A_1344 = tpu.memref_slice %arg3[%dma_wait3A_1342, %dma_wait3A_1343] : memref<32x1000001xf32, #tpu.memory_space<hbm>> -> memref<8x128xf32, #tpu.memory_space<hbm>>
        %dma_wait3A_1345 = arith.constant 0 : i32
        %dma_wait3A_1346 = arith.constant 0 : i32
        %dma_wait3A_1347 = tpu.memref_slice %arg6[%select_n3A_1246, %dma_wait3A_1337, %dma_wait3A_1345, %dma_wait3A_1346] : memref<2x32x8x128xf32, #tpu.memory_space<vmem>> -> memref<1x1x8x128xf32, #tpu.memory_space<vmem>>
        %dma_wait3A_1348 = tpu.memref_squeeze %dma_wait3A_1347 : memref<1x1x8x128xf32, #tpu.memory_space<vmem>> -> memref<8x128xf32, #tpu.memory_space<vmem>>
        %dma_wait3A_1349 = arith.constant 0 : i32
        %dma_wait3A_1350 = arith.constant 0 : i32
        %dma_wait3A_1351 = tpu.memref_slice %arg3[%dma_wait3A_1349, %dma_wait3A_1350] : memref<32x1000001xf32, #tpu.memory_space<hbm>> -> memref<8x128xf32, #tpu.memory_space<hbm>>
        tpu.wait_dma2 semaphore(%arg8 : memref<!tpu.dma_semaphore, #tpu.memory_space<semaphore_mem>>) src(%dma_wait3A_1351 : memref<8x128xf32, #tpu.memory_space<hbm>>) dst(%dma_wait3A_1348 : memref<8x128xf32, #tpu.memory_space<vmem>>)
        %dma_wait3A_1352 = arith.constant 7 : i32
        %dma_wait3A_1353 = arith.constant 0 : i32
        %dma_wait3A_1354 = arith.constant 0 : i32
        %dma_wait3A_1355 = tpu.memref_slice %arg6[%select_n3A_1246, %dma_wait3A_1352, %dma_wait3A_1353, %dma_wait3A_1354] : memref<2x32x8x128xf32, #tpu.memory_space<vmem>> -> memref<1x1x8x128xf32, #tpu.memory_space<vmem>>
        %dma_wait3A_1356 = tpu.memref_squeeze %dma_wait3A_1355 : memref<1x1x8x128xf32, #tpu.memory_space<vmem>> -> memref<8x128xf32, #tpu.memory_space<vmem>>
        %dma_wait3A_1357 = arith.constant 0 : i32
        %dma_wait3A_1358 = arith.constant 0 : i32
        %dma_wait3A_1359 = tpu.memref_slice %arg3[%dma_wait3A_1357, %dma_wait3A_1358] : memref<32x1000001xf32, #tpu.memory_space<hbm>> -> memref<8x128xf32, #tpu.memory_space<hbm>>
        %dma_wait3A_1360 = arith.constant 0 : i32
        %dma_wait3A_1361 = arith.constant 0 : i32
        %dma_wait3A_1362 = tpu.memref_slice %arg6[%select_n3A_1246, %dma_wait3A_1352, %dma_wait3A_1360, %dma_wait3A_1361] : memref<2x32x8x128xf32, #tpu.memory_space<vmem>> -> memref<1x1x8x128xf32, #tpu.memory_space<vmem>>
        %dma_wait3A_1363 = tpu.memref_squeeze %dma_wait3A_1362 : memref<1x1x8x128xf32, #tpu.memory_space<vmem>> -> memref<8x128xf32, #tpu.memory_space<vmem>>
        %dma_wait3A_1364 = arith.constant 0 : i32
        %dma_wait3A_1365 = arith.constant 0 : i32
        %dma_wait3A_1366 = tpu.memref_slice %arg3[%dma_wait3A_1364, %dma_wait3A_1365] : memref<32x1000001xf32, #tpu.memory_space<hbm>> -> memref<8x128xf32, #tpu.memory_space<hbm>>
        tpu.wait_dma2 semaphore(%arg8 : memref<!tpu.dma_semaphore, #tpu.memory_space<semaphore_mem>>) src(%dma_wait3A_1366 : memref<8x128xf32, #tpu.memory_space<hbm>>) dst(%dma_wait3A_1363 : memref<8x128xf32, #tpu.memory_space<vmem>>)
        %dma_wait3A_1367 = arith.constant 8 : i32
        %dma_wait3A_1368 = arith.constant 0 : i32
        %dma_wait3A_1369 = arith.constant 0 : i32
        %dma_wait3A_1370 = tpu.memref_slice %arg6[%select_n3A_1246, %dma_wait3A_1367, %dma_wait3A_1368, %dma_wait3A_1369] : memref<2x32x8x128xf32, #tpu.memory_space<vmem>> -> memref<1x1x8x128xf32, #tpu.memory_space<vmem>>
        %dma_wait3A_1371 = tpu.memref_squeeze %dma_wait3A_1370 : memref<1x1x8x128xf32, #tpu.memory_space<vmem>> -> memref<8x128xf32, #tpu.memory_space<vmem>>
        %dma_wait3A_1372 = arith.constant 0 : i32
        %dma_wait3A_1373 = arith.constant 0 : i32
        %dma_wait3A_1374 = tpu.memref_slice %arg3[%dma_wait3A_1372, %dma_wait3A_1373] : memref<32x1000001xf32, #tpu.memory_space<hbm>> -> memref<8x128xf32, #tpu.memory_space<hbm>>
        %dma_wait3A_1375 = arith.constant 0 : i32
        %dma_wait3A_1376 = arith.constant 0 : i32
        %dma_wait3A_1377 = tpu.memref_slice %arg6[%select_n3A_1246, %dma_wait3A_1367, %dma_wait3A_1375, %dma_wait3A_1376] : memref<2x32x8x128xf32, #tpu.memory_space<vmem>> -> memref<1x1x8x128xf32, #tpu.memory_space<vmem>>
        %dma_wait3A_1378 = tpu.memref_squeeze %dma_wait3A_1377 : memref<1x1x8x128xf32, #tpu.memory_space<vmem>> -> memref<8x128xf32, #tpu.memory_space<vmem>>
        %dma_wait3A_1379 = arith.constant 0 : i32
        %dma_wait3A_1380 = arith.constant 0 : i32
        %dma_wait3A_1381 = tpu.memref_slice %arg3[%dma_wait3A_1379, %dma_wait3A_1380] : memref<32x1000001xf32, #tpu.memory_space<hbm>> -> memref<8x128xf32, #tpu.memory_space<hbm>>
        tpu.wait_dma2 semaphore(%arg8 : memref<!tpu.dma_semaphore, #tpu.memory_space<semaphore_mem>>) src(%dma_wait3A_1381 : memref<8x128xf32, #tpu.memory_space<hbm>>) dst(%dma_wait3A_1378 : memref<8x128xf32, #tpu.memory_space<vmem>>)
        %dma_wait3A_1382 = arith.constant 9 : i32
        %dma_wait3A_1383 = arith.constant 0 : i32
        %dma_wait3A_1384 = arith.constant 0 : i32
        %dma_wait3A_1385 = tpu.memref_slice %arg6[%select_n3A_1246, %dma_wait3A_1382, %dma_wait3A_1383, %dma_wait3A_1384] : memref<2x32x8x128xf32, #tpu.memory_space<vmem>> -> memref<1x1x8x128xf32, #tpu.memory_space<vmem>>
        %dma_wait3A_1386 = tpu.memref_squeeze %dma_wait3A_1385 : memref<1x1x8x128xf32, #tpu.memory_space<vmem>> -> memref<8x128xf32, #tpu.memory_space<vmem>>
        %dma_wait3A_1387 = arith.constant 0 : i32
        %dma_wait3A_1388 = arith.constant 0 : i32
        %dma_wait3A_1389 = tpu.memref_slice %arg3[%dma_wait3A_1387, %dma_wait3A_1388] : memref<32x1000001xf32, #tpu.memory_space<hbm>> -> memref<8x128xf32, #tpu.memory_space<hbm>>
        %dma_wait3A_1390 = arith.constant 0 : i32
        %dma_wait3A_1391 = arith.constant 0 : i32
        %dma_wait3A_1392 = tpu.memref_slice %arg6[%select_n3A_1246, %dma_wait3A_1382, %dma_wait3A_1390, %dma_wait3A_1391] : memref<2x32x8x128xf32, #tpu.memory_space<vmem>> -> memref<1x1x8x128xf32, #tpu.memory_space<vmem>>
        %dma_wait3A_1393 = tpu.memref_squeeze %dma_wait3A_1392 : memref<1x1x8x128xf32, #tpu.memory_space<vmem>> -> memref<8x128xf32, #tpu.memory_space<vmem>>
        %dma_wait3A_1394 = arith.constant 0 : i32
        %dma_wait3A_1395 = arith.constant 0 : i32
        %dma_wait3A_1396 = tpu.memref_slice %arg3[%dma_wait3A_1394, %dma_wait3A_1395] : memref<32x1000001xf32, #tpu.memory_space<hbm>> -> memref<8x128xf32, #tpu.memory_space<hbm>>
        tpu.wait_dma2 semaphore(%arg8 : memref<!tpu.dma_semaphore, #tpu.memory_space<semaphore_mem>>) src(%dma_wait3A_1396 : memref<8x128xf32, #tpu.memory_space<hbm>>) dst(%dma_wait3A_1393 : memref<8x128xf32, #tpu.memory_space<vmem>>)
        %dma_wait3A_1397 = arith.constant 10 : i32
        %dma_wait3A_1398 = arith.constant 0 : i32
        %dma_wait3A_1399 = arith.constant 0 : i32
        %dma_wait3A_1400 = tpu.memref_slice %arg6[%select_n3A_1246, %dma_wait3A_1397, %dma_wait3A_1398, %dma_wait3A_1399] : memref<2x32x8x128xf32, #tpu.memory_space<vmem>> -> memref<1x1x8x128xf32, #tpu.memory_space<vmem>>
        %dma_wait3A_1401 = tpu.memref_squeeze %dma_wait3A_1400 : memref<1x1x8x128xf32, #tpu.memory_space<vmem>> -> memref<8x128xf32, #tpu.memory_space<vmem>>
        %dma_wait3A_1402 = arith.constant 0 : i32
        %dma_wait3A_1403 = arith.constant 0 : i32
        %dma_wait3A_1404 = tpu.memref_slice %arg3[%dma_wait3A_1402, %dma_wait3A_1403] : memref<32x1000001xf32, #tpu.memory_space<hbm>> -> memref<8x128xf32, #tpu.memory_space<hbm>>
        %dma_wait3A_1405 = arith.constant 0 : i32
        %dma_wait3A_1406 = arith.constant 0 : i32
        %dma_wait3A_1407 = tpu.memref_slice %arg6[%select_n3A_1246, %dma_wait3A_1397, %dma_wait3A_1405, %dma_wait3A_1406] : memref<2x32x8x128xf32, #tpu.memory_space<vmem>> -> memref<1x1x8x128xf32, #tpu.memory_space<vmem>>
        %dma_wait3A_1408 = tpu.memref_squeeze %dma_wait3A_1407 : memref<1x1x8x128xf32, #tpu.memory_space<vmem>> -> memref<8x128xf32, #tpu.memory_space<vmem>>
        %dma_wait3A_1409 = arith.constant 0 : i32
        %dma_wait3A_1410 = arith.constant 0 : i32
        %dma_wait3A_1411 = tpu.memref_slice %arg3[%dma_wait3A_1409, %dma_wait3A_1410] : memref<32x1000001xf32, #tpu.memory_space<hbm>> -> memref<8x128xf32, #tpu.memory_space<hbm>>
        tpu.wait_dma2 semaphore(%arg8 : memref<!tpu.dma_semaphore, #tpu.memory_space<semaphore_mem>>) src(%dma_wait3A_1411 : memref<8x128xf32, #tpu.memory_space<hbm>>) dst(%dma_wait3A_1408 : memref<8x128xf32, #tpu.memory_space<vmem>>)
        %dma_wait3A_1412 = arith.constant 11 : i32
        %dma_wait3A_1413 = arith.constant 0 : i32
        %dma_wait3A_1414 = arith.constant 0 : i32
        %dma_wait3A_1415 = tpu.memref_slice %arg6[%select_n3A_1246, %dma_wait3A_1412, %dma_wait3A_1413, %dma_wait3A_1414] : memref<2x32x8x128xf32, #tpu.memory_space<vmem>> -> memref<1x1x8x128xf32, #tpu.memory_space<vmem>>
        %dma_wait3A_1416 = tpu.memref_squeeze %dma_wait3A_1415 : memref<1x1x8x128xf32, #tpu.memory_space<vmem>> -> memref<8x128xf32, #tpu.memory_space<vmem>>
        %dma_wait3A_1417 = arith.constant 0 : i32
        %dma_wait3A_1418 = arith.constant 0 : i32
        %dma_wait3A_1419 = tpu.memref_slice %arg3[%dma_wait3A_1417, %dma_wait3A_1418] : memref<32x1000001xf32, #tpu.memory_space<hbm>> -> memref<8x128xf32, #tpu.memory_space<hbm>>
        %dma_wait3A_1420 = arith.constant 0 : i32
        %dma_wait3A_1421 = arith.constant 0 : i32
        %dma_wait3A_1422 = tpu.memref_slice %arg6[%select_n3A_1246, %dma_wait3A_1412, %dma_wait3A_1420, %dma_wait3A_1421] : memref<2x32x8x128xf32, #tpu.memory_space<vmem>> -> memref<1x1x8x128xf32, #tpu.memory_space<vmem>>
        %dma_wait3A_1423 = tpu.memref_squeeze %dma_wait3A_1422 : memref<1x1x8x128xf32, #tpu.memory_space<vmem>> -> memref<8x128xf32, #tpu.memory_space<vmem>>
        %dma_wait3A_1424 = arith.constant 0 : i32
        %dma_wait3A_1425 = arith.constant 0 : i32
        %dma_wait3A_1426 = tpu.memref_slice %arg3[%dma_wait3A_1424, %dma_wait3A_1425] : memref<32x1000001xf32, #tpu.memory_space<hbm>> -> memref<8x128xf32, #tpu.memory_space<hbm>>
        tpu.wait_dma2 semaphore(%arg8 : memref<!tpu.dma_semaphore, #tpu.memory_space<semaphore_mem>>) src(%dma_wait3A_1426 : memref<8x128xf32, #tpu.memory_space<hbm>>) dst(%dma_wait3A_1423 : memref<8x128xf32, #tpu.memory_space<vmem>>)
        %dma_wait3A_1427 = arith.constant 12 : i32
        %dma_wait3A_1428 = arith.constant 0 : i32
        %dma_wait3A_1429 = arith.constant 0 : i32
        %dma_wait3A_1430 = tpu.memref_slice %arg6[%select_n3A_1246, %dma_wait3A_1427, %dma_wait3A_1428, %dma_wait3A_1429] : memref<2x32x8x128xf32, #tpu.memory_space<vmem>> -> memref<1x1x8x128xf32, #tpu.memory_space<vmem>>
        %dma_wait3A_1431 = tpu.memref_squeeze %dma_wait3A_1430 : memref<1x1x8x128xf32, #tpu.memory_space<vmem>> -> memref<8x128xf32, #tpu.memory_space<vmem>>
        %dma_wait3A_1432 = arith.constant 0 : i32
        %dma_wait3A_1433 = arith.constant 0 : i32
        %dma_wait3A_1434 = tpu.memref_slice %arg3[%dma_wait3A_1432, %dma_wait3A_1433] : memref<32x1000001xf32, #tpu.memory_space<hbm>> -> memref<8x128xf32, #tpu.memory_space<hbm>>
        %dma_wait3A_1435 = arith.constant 0 : i32
        %dma_wait3A_1436 = arith.constant 0 : i32
        %dma_wait3A_1437 = tpu.memref_slice %arg6[%select_n3A_1246, %dma_wait3A_1427, %dma_wait3A_1435, %dma_wait3A_1436] : memref<2x32x8x128xf32, #tpu.memory_space<vmem>> -> memref<1x1x8x128xf32, #tpu.memory_space<vmem>>
        %dma_wait3A_1438 = tpu.memref_squeeze %dma_wait3A_1437 : memref<1x1x8x128xf32, #tpu.memory_space<vmem>> -> memref<8x128xf32, #tpu.memory_space<vmem>>
        %dma_wait3A_1439 = arith.constant 0 : i32
        %dma_wait3A_1440 = arith.constant 0 : i32
        %dma_wait3A_1441 = tpu.memref_slice %arg3[%dma_wait3A_1439, %dma_wait3A_1440] : memref<32x1000001xf32, #tpu.memory_space<hbm>> -> memref<8x128xf32, #tpu.memory_space<hbm>>
        tpu.wait_dma2 semaphore(%arg8 : memref<!tpu.dma_semaphore, #tpu.memory_space<semaphore_mem>>) src(%dma_wait3A_1441 : memref<8x128xf32, #tpu.memory_space<hbm>>) dst(%dma_wait3A_1438 : memref<8x128xf32, #tpu.memory_space<vmem>>)
        %dma_wait3A_1442 = arith.constant 13 : i32
        %dma_wait3A_1443 = arith.constant 0 : i32
        %dma_wait3A_1444 = arith.constant 0 : i32
        %dma_wait3A_1445 = tpu.memref_slice %arg6[%select_n3A_1246, %dma_wait3A_1442, %dma_wait3A_1443, %dma_wait3A_1444] : memref<2x32x8x128xf32, #tpu.memory_space<vmem>> -> memref<1x1x8x128xf32, #tpu.memory_space<vmem>>
        %dma_wait3A_1446 = tpu.memref_squeeze %dma_wait3A_1445 : memref<1x1x8x128xf32, #tpu.memory_space<vmem>> -> memref<8x128xf32, #tpu.memory_space<vmem>>
        %dma_wait3A_1447 = arith.constant 0 : i32
        %dma_wait3A_1448 = arith.constant 0 : i32
        %dma_wait3A_1449 = tpu.memref_slice %arg3[%dma_wait3A_1447, %dma_wait3A_1448] : memref<32x1000001xf32, #tpu.memory_space<hbm>> -> memref<8x128xf32, #tpu.memory_space<hbm>>
        %dma_wait3A_1450 = arith.constant 0 : i32
        %dma_wait3A_1451 = arith.constant 0 : i32
        %dma_wait3A_1452 = tpu.memref_slice %arg6[%select_n3A_1246, %dma_wait3A_1442, %dma_wait3A_1450, %dma_wait3A_1451] : memref<2x32x8x128xf32, #tpu.memory_space<vmem>> -> memref<1x1x8x128xf32, #tpu.memory_space<vmem>>
        %dma_wait3A_1453 = tpu.memref_squeeze %dma_wait3A_1452 : memref<1x1x8x128xf32, #tpu.memory_space<vmem>> -> memref<8x128xf32, #tpu.memory_space<vmem>>
        %dma_wait3A_1454 = arith.constant 0 : i32
        %dma_wait3A_1455 = arith.constant 0 : i32
        %dma_wait3A_1456 = tpu.memref_slice %arg3[%dma_wait3A_1454, %dma_wait3A_1455] : memref<32x1000001xf32, #tpu.memory_space<hbm>> -> memref<8x128xf32, #tpu.memory_space<hbm>>
        tpu.wait_dma2 semaphore(%arg8 : memref<!tpu.dma_semaphore, #tpu.memory_space<semaphore_mem>>) src(%dma_wait3A_1456 : memref<8x128xf32, #tpu.memory_space<hbm>>) dst(%dma_wait3A_1453 : memref<8x128xf32, #tpu.memory_space<vmem>>)
        %dma_wait3A_1457 = arith.constant 14 : i32
        %dma_wait3A_1458 = arith.constant 0 : i32
        %dma_wait3A_1459 = arith.constant 0 : i32
        %dma_wait3A_1460 = tpu.memref_slice %arg6[%select_n3A_1246, %dma_wait3A_1457, %dma_wait3A_1458, %dma_wait3A_1459] : memref<2x32x8x128xf32, #tpu.memory_space<vmem>> -> memref<1x1x8x128xf32, #tpu.memory_space<vmem>>
        %dma_wait3A_1461 = tpu.memref_squeeze %dma_wait3A_1460 : memref<1x1x8x128xf32, #tpu.memory_space<vmem>> -> memref<8x128xf32, #tpu.memory_space<vmem>>
        %dma_wait3A_1462 = arith.constant 0 : i32
        %dma_wait3A_1463 = arith.constant 0 : i32
        %dma_wait3A_1464 = tpu.memref_slice %arg3[%dma_wait3A_1462, %dma_wait3A_1463] : memref<32x1000001xf32, #tpu.memory_space<hbm>> -> memref<8x128xf32, #tpu.memory_space<hbm>>
        %dma_wait3A_1465 = arith.constant 0 : i32
        %dma_wait3A_1466 = arith.constant 0 : i32
        %dma_wait3A_1467 = tpu.memref_slice %arg6[%select_n3A_1246, %dma_wait3A_1457, %dma_wait3A_1465, %dma_wait3A_1466] : memref<2x32x8x128xf32, #tpu.memory_space<vmem>> -> memref<1x1x8x128xf32, #tpu.memory_space<vmem>>
        %dma_wait3A_1468 = tpu.memref_squeeze %dma_wait3A_1467 : memref<1x1x8x128xf32, #tpu.memory_space<vmem>> -> memref<8x128xf32, #tpu.memory_space<vmem>>
        %dma_wait3A_1469 = arith.constant 0 : i32
        %dma_wait3A_1470 = arith.constant 0 : i32
        %dma_wait3A_1471 = tpu.memref_slice %arg3[%dma_wait3A_1469, %dma_wait3A_1470] : memref<32x1000001xf32, #tpu.memory_space<hbm>> -> memref<8x128xf32, #tpu.memory_space<hbm>>
        tpu.wait_dma2 semaphore(%arg8 : memref<!tpu.dma_semaphore, #tpu.memory_space<semaphore_mem>>) src(%dma_wait3A_1471 : memref<8x128xf32, #tpu.memory_space<hbm>>) dst(%dma_wait3A_1468 : memref<8x128xf32, #tpu.memory_space<vmem>>)
        %dma_wait3A_1472 = arith.constant 15 : i32
        %dma_wait3A_1473 = arith.constant 0 : i32
        %dma_wait3A_1474 = arith.constant 0 : i32
        %dma_wait3A_1475 = tpu.memref_slice %arg6[%select_n3A_1246, %dma_wait3A_1472, %dma_wait3A_1473, %dma_wait3A_1474] : memref<2x32x8x128xf32, #tpu.memory_space<vmem>> -> memref<1x1x8x128xf32, #tpu.memory_space<vmem>>
        %dma_wait3A_1476 = tpu.memref_squeeze %dma_wait3A_1475 : memref<1x1x8x128xf32, #tpu.memory_space<vmem>> -> memref<8x128xf32, #tpu.memory_space<vmem>>
        %dma_wait3A_1477 = arith.constant 0 : i32
        %dma_wait3A_1478 = arith.constant 0 : i32
        %dma_wait3A_1479 = tpu.memref_slice %arg3[%dma_wait3A_1477, %dma_wait3A_1478] : memref<32x1000001xf32, #tpu.memory_space<hbm>> -> memref<8x128xf32, #tpu.memory_space<hbm>>
        %dma_wait3A_1480 = arith.constant 0 : i32
        %dma_wait3A_1481 = arith.constant 0 : i32
        %dma_wait3A_1482 = tpu.memref_slice %arg6[%select_n3A_1246, %dma_wait3A_1472, %dma_wait3A_1480, %dma_wait3A_1481] : memref<2x32x8x128xf32, #tpu.memory_space<vmem>> -> memref<1x1x8x128xf32, #tpu.memory_space<vmem>>
        %dma_wait3A_1483 = tpu.memref_squeeze %dma_wait3A_1482 : memref<1x1x8x128xf32, #tpu.memory_space<vmem>> -> memref<8x128xf32, #tpu.memory_space<vmem>>
        %dma_wait3A_1484 = arith.constant 0 : i32
        %dma_wait3A_1485 = arith.constant 0 : i32
        %dma_wait3A_1486 = tpu.memref_slice %arg3[%dma_wait3A_1484, %dma_wait3A_1485] : memref<32x1000001xf32, #tpu.memory_space<hbm>> -> memref<8x128xf32, #tpu.memory_space<hbm>>
        tpu.wait_dma2 semaphore(%arg8 : memref<!tpu.dma_semaphore, #tpu.memory_space<semaphore_mem>>) src(%dma_wait3A_1486 : memref<8x128xf32, #tpu.memory_space<hbm>>) dst(%dma_wait3A_1483 : memref<8x128xf32, #tpu.memory_space<vmem>>)
        %dma_wait3A_1487 = arith.constant 16 : i32
        %dma_wait3A_1488 = arith.constant 0 : i32
        %dma_wait3A_1489 = arith.constant 0 : i32
        %dma_wait3A_1490 = tpu.memref_slice %arg6[%select_n3A_1246, %dma_wait3A_1487, %dma_wait3A_1488, %dma_wait3A_1489] : memref<2x32x8x128xf32, #tpu.memory_space<vmem>> -> memref<1x1x8x128xf32, #tpu.memory_space<vmem>>
        %dma_wait3A_1491 = tpu.memref_squeeze %dma_wait3A_1490 : memref<1x1x8x128xf32, #tpu.memory_space<vmem>> -> memref<8x128xf32, #tpu.memory_space<vmem>>
        %dma_wait3A_1492 = arith.constant 0 : i32
        %dma_wait3A_1493 = arith.constant 0 : i32
        %dma_wait3A_1494 = tpu.memref_slice %arg3[%dma_wait3A_1492, %dma_wait3A_1493] : memref<32x1000001xf32, #tpu.memory_space<hbm>> -> memref<8x128xf32, #tpu.memory_space<hbm>>
        %dma_wait3A_1495 = arith.constant 0 : i32
        %dma_wait3A_1496 = arith.constant 0 : i32
        %dma_wait3A_1497 = tpu.memref_slice %arg6[%select_n3A_1246, %dma_wait3A_1487, %dma_wait3A_1495, %dma_wait3A_1496] : memref<2x32x8x128xf32, #tpu.memory_space<vmem>> -> memref<1x1x8x128xf32, #tpu.memory_space<vmem>>
        %dma_wait3A_1498 = tpu.memref_squeeze %dma_wait3A_1497 : memref<1x1x8x128xf32, #tpu.memory_space<vmem>> -> memref<8x128xf32, #tpu.memory_space<vmem>>
        %dma_wait3A_1499 = arith.constant 0 : i32
        %dma_wait3A_1500 = arith.constant 0 : i32
        %dma_wait3A_1501 = tpu.memref_slice %arg3[%dma_wait3A_1499, %dma_wait3A_1500] : memref<32x1000001xf32, #tpu.memory_space<hbm>> -> memref<8x128xf32, #tpu.memory_space<hbm>>
        tpu.wait_dma2 semaphore(%arg8 : memref<!tpu.dma_semaphore, #tpu.memory_space<semaphore_mem>>) src(%dma_wait3A_1501 : memref<8x128xf32, #tpu.memory_space<hbm>>) dst(%dma_wait3A_1498 : memref<8x128xf32, #tpu.memory_space<vmem>>)
        %dma_wait3A_1502 = arith.constant 17 : i32
        %dma_wait3A_1503 = arith.constant 0 : i32
        %dma_wait3A_1504 = arith.constant 0 : i32
        %dma_wait3A_1505 = tpu.memref_slice %arg6[%select_n3A_1246, %dma_wait3A_1502, %dma_wait3A_1503, %dma_wait3A_1504] : memref<2x32x8x128xf32, #tpu.memory_space<vmem>> -> memref<1x1x8x128xf32, #tpu.memory_space<vmem>>
        %dma_wait3A_1506 = tpu.memref_squeeze %dma_wait3A_1505 : memref<1x1x8x128xf32, #tpu.memory_space<vmem>> -> memref<8x128xf32, #tpu.memory_space<vmem>>
        %dma_wait3A_1507 = arith.constant 0 : i32
        %dma_wait3A_1508 = arith.constant 0 : i32
        %dma_wait3A_1509 = tpu.memref_slice %arg3[%dma_wait3A_1507, %dma_wait3A_1508] : memref<32x1000001xf32, #tpu.memory_space<hbm>> -> memref<8x128xf32, #tpu.memory_space<hbm>>
        %dma_wait3A_1510 = arith.constant 0 : i32
        %dma_wait3A_1511 = arith.constant 0 : i32
        %dma_wait3A_1512 = tpu.memref_slice %arg6[%select_n3A_1246, %dma_wait3A_1502, %dma_wait3A_1510, %dma_wait3A_1511] : memref<2x32x8x128xf32, #tpu.memory_space<vmem>> -> memref<1x1x8x128xf32, #tpu.memory_space<vmem>>
        %dma_wait3A_1513 = tpu.memref_squeeze %dma_wait3A_1512 : memref<1x1x8x128xf32, #tpu.memory_space<vmem>> -> memref<8x128xf32, #tpu.memory_space<vmem>>
        %dma_wait3A_1514 = arith.constant 0 : i32
        %dma_wait3A_1515 = arith.constant 0 : i32
        %dma_wait3A_1516 = tpu.memref_slice %arg3[%dma_wait3A_1514, %dma_wait3A_1515] : memref<32x1000001xf32, #tpu.memory_space<hbm>> -> memref<8x128xf32, #tpu.memory_space<hbm>>
        tpu.wait_dma2 semaphore(%arg8 : memref<!tpu.dma_semaphore, #tpu.memory_space<semaphore_mem>>) src(%dma_wait3A_1516 : memref<8x128xf32, #tpu.memory_space<hbm>>) dst(%dma_wait3A_1513 : memref<8x128xf32, #tpu.memory_space<vmem>>)
        %dma_wait3A_1517 = arith.constant 18 : i32
        %dma_wait3A_1518 = arith.constant 0 : i32
        %dma_wait3A_1519 = arith.constant 0 : i32
        %dma_wait3A_1520 = tpu.memref_slice %arg6[%select_n3A_1246, %dma_wait3A_1517, %dma_wait3A_1518, %dma_wait3A_1519] : memref<2x32x8x128xf32, #tpu.memory_space<vmem>> -> memref<1x1x8x128xf32, #tpu.memory_space<vmem>>
        %dma_wait3A_1521 = tpu.memref_squeeze %dma_wait3A_1520 : memref<1x1x8x128xf32, #tpu.memory_space<vmem>> -> memref<8x128xf32, #tpu.memory_space<vmem>>
        %dma_wait3A_1522 = arith.constant 0 : i32
        %dma_wait3A_1523 = arith.constant 0 : i32
        %dma_wait3A_1524 = tpu.memref_slice %arg3[%dma_wait3A_1522, %dma_wait3A_1523] : memref<32x1000001xf32, #tpu.memory_space<hbm>> -> memref<8x128xf32, #tpu.memory_space<hbm>>
        %dma_wait3A_1525 = arith.constant 0 : i32
        %dma_wait3A_1526 = arith.constant 0 : i32
        %dma_wait3A_1527 = tpu.memref_slice %arg6[%select_n3A_1246, %dma_wait3A_1517, %dma_wait3A_1525, %dma_wait3A_1526] : memref<2x32x8x128xf32, #tpu.memory_space<vmem>> -> memref<1x1x8x128xf32, #tpu.memory_space<vmem>>
        %dma_wait3A_1528 = tpu.memref_squeeze %dma_wait3A_1527 : memref<1x1x8x128xf32, #tpu.memory_space<vmem>> -> memref<8x128xf32, #tpu.memory_space<vmem>>
        %dma_wait3A_1529 = arith.constant 0 : i32
        %dma_wait3A_1530 = arith.constant 0 : i32
        %dma_wait3A_1531 = tpu.memref_slice %arg3[%dma_wait3A_1529, %dma_wait3A_1530] : memref<32x1000001xf32, #tpu.memory_space<hbm>> -> memref<8x128xf32, #tpu.memory_space<hbm>>
        tpu.wait_dma2 semaphore(%arg8 : memref<!tpu.dma_semaphore, #tpu.memory_space<semaphore_mem>>) src(%dma_wait3A_1531 : memref<8x128xf32, #tpu.memory_space<hbm>>) dst(%dma_wait3A_1528 : memref<8x128xf32, #tpu.memory_space<vmem>>)
        %dma_wait3A_1532 = arith.constant 19 : i32
        %dma_wait3A_1533 = arith.constant 0 : i32
        %dma_wait3A_1534 = arith.constant 0 : i32
        %dma_wait3A_1535 = tpu.memref_slice %arg6[%select_n3A_1246, %dma_wait3A_1532, %dma_wait3A_1533, %dma_wait3A_1534] : memref<2x32x8x128xf32, #tpu.memory_space<vmem>> -> memref<1x1x8x128xf32, #tpu.memory_space<vmem>>
        %dma_wait3A_1536 = tpu.memref_squeeze %dma_wait3A_1535 : memref<1x1x8x128xf32, #tpu.memory_space<vmem>> -> memref<8x128xf32, #tpu.memory_space<vmem>>
        %dma_wait3A_1537 = arith.constant 0 : i32
        %dma_wait3A_1538 = arith.constant 0 : i32
        %dma_wait3A_1539 = tpu.memref_slice %arg3[%dma_wait3A_1537, %dma_wait3A_1538] : memref<32x1000001xf32, #tpu.memory_space<hbm>> -> memref<8x128xf32, #tpu.memory_space<hbm>>
        %dma_wait3A_1540 = arith.constant 0 : i32
        %dma_wait3A_1541 = arith.constant 0 : i32
        %dma_wait3A_1542 = tpu.memref_slice %arg6[%select_n3A_1246, %dma_wait3A_1532, %dma_wait3A_1540, %dma_wait3A_1541] : memref<2x32x8x128xf32, #tpu.memory_space<vmem>> -> memref<1x1x8x128xf32, #tpu.memory_space<vmem>>
        %dma_wait3A_1543 = tpu.memref_squeeze %dma_wait3A_1542 : memref<1x1x8x128xf32, #tpu.memory_space<vmem>> -> memref<8x128xf32, #tpu.memory_space<vmem>>
        %dma_wait3A_1544 = arith.constant 0 : i32
        %dma_wait3A_1545 = arith.constant 0 : i32
        %dma_wait3A_1546 = tpu.memref_slice %arg3[%dma_wait3A_1544, %dma_wait3A_1545] : memref<32x1000001xf32, #tpu.memory_space<hbm>> -> memref<8x128xf32, #tpu.memory_space<hbm>>
        tpu.wait_dma2 semaphore(%arg8 : memref<!tpu.dma_semaphore, #tpu.memory_space<semaphore_mem>>) src(%dma_wait3A_1546 : memref<8x128xf32, #tpu.memory_space<hbm>>) dst(%dma_wait3A_1543 : memref<8x128xf32, #tpu.memory_space<vmem>>)
        %dma_wait3A_1547 = arith.constant 20 : i32
        %dma_wait3A_1548 = arith.constant 0 : i32
        %dma_wait3A_1549 = arith.constant 0 : i32
        %dma_wait3A_1550 = tpu.memref_slice %arg6[%select_n3A_1246, %dma_wait3A_1547, %dma_wait3A_1548, %dma_wait3A_1549] : memref<2x32x8x128xf32, #tpu.memory_space<vmem>> -> memref<1x1x8x128xf32, #tpu.memory_space<vmem>>
        %dma_wait3A_1551 = tpu.memref_squeeze %dma_wait3A_1550 : memref<1x1x8x128xf32, #tpu.memory_space<vmem>> -> memref<8x128xf32, #tpu.memory_space<vmem>>
        %dma_wait3A_1552 = arith.constant 0 : i32
        %dma_wait3A_1553 = arith.constant 0 : i32
        %dma_wait3A_1554 = tpu.memref_slice %arg3[%dma_wait3A_1552, %dma_wait3A_1553] : memref<32x1000001xf32, #tpu.memory_space<hbm>> -> memref<8x128xf32, #tpu.memory_space<hbm>>
        %dma_wait3A_1555 = arith.constant 0 : i32
        %dma_wait3A_1556 = arith.constant 0 : i32
        %dma_wait3A_1557 = tpu.memref_slice %arg6[%select_n3A_1246, %dma_wait3A_1547, %dma_wait3A_1555, %dma_wait3A_1556] : memref<2x32x8x128xf32, #tpu.memory_space<vmem>> -> memref<1x1x8x128xf32, #tpu.memory_space<vmem>>
        %dma_wait3A_1558 = tpu.memref_squeeze %dma_wait3A_1557 : memref<1x1x8x128xf32, #tpu.memory_space<vmem>> -> memref<8x128xf32, #tpu.memory_space<vmem>>
        %dma_wait3A_1559 = arith.constant 0 : i32
        %dma_wait3A_1560 = arith.constant 0 : i32
        %dma_wait3A_1561 = tpu.memref_slice %arg3[%dma_wait3A_1559, %dma_wait3A_1560] : memref<32x1000001xf32, #tpu.memory_space<hbm>> -> memref<8x128xf32, #tpu.memory_space<hbm>>
        tpu.wait_dma2 semaphore(%arg8 : memref<!tpu.dma_semaphore, #tpu.memory_space<semaphore_mem>>) src(%dma_wait3A_1561 : memref<8x128xf32, #tpu.memory_space<hbm>>) dst(%dma_wait3A_1558 : memref<8x128xf32, #tpu.memory_space<vmem>>)
        %dma_wait3A_1562 = arith.constant 21 : i32
        %dma_wait3A_1563 = arith.constant 0 : i32
        %dma_wait3A_1564 = arith.constant 0 : i32
        %dma_wait3A_1565 = tpu.memref_slice %arg6[%select_n3A_1246, %dma_wait3A_1562, %dma_wait3A_1563, %dma_wait3A_1564] : memref<2x32x8x128xf32, #tpu.memory_space<vmem>> -> memref<1x1x8x128xf32, #tpu.memory_space<vmem>>
        %dma_wait3A_1566 = tpu.memref_squeeze %dma_wait3A_1565 : memref<1x1x8x128xf32, #tpu.memory_space<vmem>> -> memref<8x128xf32, #tpu.memory_space<vmem>>
        %dma_wait3A_1567 = arith.constant 0 : i32
        %dma_wait3A_1568 = arith.constant 0 : i32
        %dma_wait3A_1569 = tpu.memref_slice %arg3[%dma_wait3A_1567, %dma_wait3A_1568] : memref<32x1000001xf32, #tpu.memory_space<hbm>> -> memref<8x128xf32, #tpu.memory_space<hbm>>
        %dma_wait3A_1570 = arith.constant 0 : i32
        %dma_wait3A_1571 = arith.constant 0 : i32
        %dma_wait3A_1572 = tpu.memref_slice %arg6[%select_n3A_1246, %dma_wait3A_1562, %dma_wait3A_1570, %dma_wait3A_1571] : memref<2x32x8x128xf32, #tpu.memory_space<vmem>> -> memref<1x1x8x128xf32, #tpu.memory_space<vmem>>
        %dma_wait3A_1573 = tpu.memref_squeeze %dma_wait3A_1572 : memref<1x1x8x128xf32, #tpu.memory_space<vmem>> -> memref<8x128xf32, #tpu.memory_space<vmem>>
        %dma_wait3A_1574 = arith.constant 0 : i32
        %dma_wait3A_1575 = arith.constant 0 : i32
        %dma_wait3A_1576 = tpu.memref_slice %arg3[%dma_wait3A_1574, %dma_wait3A_1575] : memref<32x1000001xf32, #tpu.memory_space<hbm>> -> memref<8x128xf32, #tpu.memory_space<hbm>>
        tpu.wait_dma2 semaphore(%arg8 : memref<!tpu.dma_semaphore, #tpu.memory_space<semaphore_mem>>) src(%dma_wait3A_1576 : memref<8x128xf32, #tpu.memory_space<hbm>>) dst(%dma_wait3A_1573 : memref<8x128xf32, #tpu.memory_space<vmem>>)
        %dma_wait3A_1577 = arith.constant 22 : i32
        %dma_wait3A_1578 = arith.constant 0 : i32
        %dma_wait3A_1579 = arith.constant 0 : i32
        %dma_wait3A_1580 = tpu.memref_slice %arg6[%select_n3A_1246, %dma_wait3A_1577, %dma_wait3A_1578, %dma_wait3A_1579] : memref<2x32x8x128xf32, #tpu.memory_space<vmem>> -> memref<1x1x8x128xf32, #tpu.memory_space<vmem>>
        %dma_wait3A_1581 = tpu.memref_squeeze %dma_wait3A_1580 : memref<1x1x8x128xf32, #tpu.memory_space<vmem>> -> memref<8x128xf32, #tpu.memory_space<vmem>>
        %dma_wait3A_1582 = arith.constant 0 : i32
        %dma_wait3A_1583 = arith.constant 0 : i32
        %dma_wait3A_1584 = tpu.memref_slice %arg3[%dma_wait3A_1582, %dma_wait3A_1583] : memref<32x1000001xf32, #tpu.memory_space<hbm>> -> memref<8x128xf32, #tpu.memory_space<hbm>>
        %dma_wait3A_1585 = arith.constant 0 : i32
        %dma_wait3A_1586 = arith.constant 0 : i32
        %dma_wait3A_1587 = tpu.memref_slice %arg6[%select_n3A_1246, %dma_wait3A_1577, %dma_wait3A_1585, %dma_wait3A_1586] : memref<2x32x8x128xf32, #tpu.memory_space<vmem>> -> memref<1x1x8x128xf32, #tpu.memory_space<vmem>>
        %dma_wait3A_1588 = tpu.memref_squeeze %dma_wait3A_1587 : memref<1x1x8x128xf32, #tpu.memory_space<vmem>> -> memref<8x128xf32, #tpu.memory_space<vmem>>
        %dma_wait3A_1589 = arith.constant 0 : i32
        %dma_wait3A_1590 = arith.constant 0 : i32
        %dma_wait3A_1591 = tpu.memref_slice %arg3[%dma_wait3A_1589, %dma_wait3A_1590] : memref<32x1000001xf32, #tpu.memory_space<hbm>> -> memref<8x128xf32, #tpu.memory_space<hbm>>
        tpu.wait_dma2 semaphore(%arg8 : memref<!tpu.dma_semaphore, #tpu.memory_space<semaphore_mem>>) src(%dma_wait3A_1591 : memref<8x128xf32, #tpu.memory_space<hbm>>) dst(%dma_wait3A_1588 : memref<8x128xf32, #tpu.memory_space<vmem>>)
        %dma_wait3A_1592 = arith.constant 23 : i32
        %dma_wait3A_1593 = arith.constant 0 : i32
        %dma_wait3A_1594 = arith.constant 0 : i32
        %dma_wait3A_1595 = tpu.memref_slice %arg6[%select_n3A_1246, %dma_wait3A_1592, %dma_wait3A_1593, %dma_wait3A_1594] : memref<2x32x8x128xf32, #tpu.memory_space<vmem>> -> memref<1x1x8x128xf32, #tpu.memory_space<vmem>>
        %dma_wait3A_1596 = tpu.memref_squeeze %dma_wait3A_1595 : memref<1x1x8x128xf32, #tpu.memory_space<vmem>> -> memref<8x128xf32, #tpu.memory_space<vmem>>
        %dma_wait3A_1597 = arith.constant 0 : i32
        %dma_wait3A_1598 = arith.constant 0 : i32
        %dma_wait3A_1599 = tpu.memref_slice %arg3[%dma_wait3A_1597, %dma_wait3A_1598] : memref<32x1000001xf32, #tpu.memory_space<hbm>> -> memref<8x128xf32, #tpu.memory_space<hbm>>
        %dma_wait3A_1600 = arith.constant 0 : i32
        %dma_wait3A_1601 = arith.constant 0 : i32
        %dma_wait3A_1602 = tpu.memref_slice %arg6[%select_n3A_1246, %dma_wait3A_1592, %dma_wait3A_1600, %dma_wait3A_1601] : memref<2x32x8x128xf32, #tpu.memory_space<vmem>> -> memref<1x1x8x128xf32, #tpu.memory_space<vmem>>
        %dma_wait3A_1603 = tpu.memref_squeeze %dma_wait3A_1602 : memref<1x1x8x128xf32, #tpu.memory_space<vmem>> -> memref<8x128xf32, #tpu.memory_space<vmem>>
        %dma_wait3A_1604 = arith.constant 0 : i32
        %dma_wait3A_1605 = arith.constant 0 : i32
        %dma_wait3A_1606 = tpu.memref_slice %arg3[%dma_wait3A_1604, %dma_wait3A_1605] : memref<32x1000001xf32, #tpu.memory_space<hbm>> -> memref<8x128xf32, #tpu.memory_space<hbm>>
        tpu.wait_dma2 semaphore(%arg8 : memref<!tpu.dma_semaphore, #tpu.memory_space<semaphore_mem>>) src(%dma_wait3A_1606 : memref<8x128xf32, #tpu.memory_space<hbm>>) dst(%dma_wait3A_1603 : memref<8x128xf32, #tpu.memory_space<vmem>>)
        %dma_wait3A_1607 = arith.constant 24 : i32
        %dma_wait3A_1608 = arith.constant 0 : i32
        %dma_wait3A_1609 = arith.constant 0 : i32
        %dma_wait3A_1610 = tpu.memref_slice %arg6[%select_n3A_1246, %dma_wait3A_1607, %dma_wait3A_1608, %dma_wait3A_1609] : memref<2x32x8x128xf32, #tpu.memory_space<vmem>> -> memref<1x1x8x128xf32, #tpu.memory_space<vmem>>
        %dma_wait3A_1611 = tpu.memref_squeeze %dma_wait3A_1610 : memref<1x1x8x128xf32, #tpu.memory_space<vmem>> -> memref<8x128xf32, #tpu.memory_space<vmem>>
        %dma_wait3A_1612 = arith.constant 0 : i32
        %dma_wait3A_1613 = arith.constant 0 : i32
        %dma_wait3A_1614 = tpu.memref_slice %arg3[%dma_wait3A_1612, %dma_wait3A_1613] : memref<32x1000001xf32, #tpu.memory_space<hbm>> -> memref<8x128xf32, #tpu.memory_space<hbm>>
        %dma_wait3A_1615 = arith.constant 0 : i32
        %dma_wait3A_1616 = arith.constant 0 : i32
        %dma_wait3A_1617 = tpu.memref_slice %arg6[%select_n3A_1246, %dma_wait3A_1607, %dma_wait3A_1615, %dma_wait3A_1616] : memref<2x32x8x128xf32, #tpu.memory_space<vmem>> -> memref<1x1x8x128xf32, #tpu.memory_space<vmem>>
        %dma_wait3A_1618 = tpu.memref_squeeze %dma_wait3A_1617 : memref<1x1x8x128xf32, #tpu.memory_space<vmem>> -> memref<8x128xf32, #tpu.memory_space<vmem>>
        %dma_wait3A_1619 = arith.constant 0 : i32
        %dma_wait3A_1620 = arith.constant 0 : i32
        %dma_wait3A_1621 = tpu.memref_slice %arg3[%dma_wait3A_1619, %dma_wait3A_1620] : memref<32x1000001xf32, #tpu.memory_space<hbm>> -> memref<8x128xf32, #tpu.memory_space<hbm>>
        tpu.wait_dma2 semaphore(%arg8 : memref<!tpu.dma_semaphore, #tpu.memory_space<semaphore_mem>>) src(%dma_wait3A_1621 : memref<8x128xf32, #tpu.memory_space<hbm>>) dst(%dma_wait3A_1618 : memref<8x128xf32, #tpu.memory_space<vmem>>)
        %dma_wait3A_1622 = arith.constant 25 : i32
        %dma_wait3A_1623 = arith.constant 0 : i32
        %dma_wait3A_1624 = arith.constant 0 : i32
        %dma_wait3A_1625 = tpu.memref_slice %arg6[%select_n3A_1246, %dma_wait3A_1622, %dma_wait3A_1623, %dma_wait3A_1624] : memref<2x32x8x128xf32, #tpu.memory_space<vmem>> -> memref<1x1x8x128xf32, #tpu.memory_space<vmem>>
        %dma_wait3A_1626 = tpu.memref_squeeze %dma_wait3A_1625 : memref<1x1x8x128xf32, #tpu.memory_space<vmem>> -> memref<8x128xf32, #tpu.memory_space<vmem>>
        %dma_wait3A_1627 = arith.constant 0 : i32
        %dma_wait3A_1628 = arith.constant 0 : i32
        %dma_wait3A_1629 = tpu.memref_slice %arg3[%dma_wait3A_1627, %dma_wait3A_1628] : memref<32x1000001xf32, #tpu.memory_space<hbm>> -> memref<8x128xf32, #tpu.memory_space<hbm>>
        %dma_wait3A_1630 = arith.constant 0 : i32
        %dma_wait3A_1631 = arith.constant 0 : i32
        %dma_wait3A_1632 = tpu.memref_slice %arg6[%select_n3A_1246, %dma_wait3A_1622, %dma_wait3A_1630, %dma_wait3A_1631] : memref<2x32x8x128xf32, #tpu.memory_space<vmem>> -> memref<1x1x8x128xf32, #tpu.memory_space<vmem>>
        %dma_wait3A_1633 = tpu.memref_squeeze %dma_wait3A_1632 : memref<1x1x8x128xf32, #tpu.memory_space<vmem>> -> memref<8x128xf32, #tpu.memory_space<vmem>>
        %dma_wait3A_1634 = arith.constant 0 : i32
        %dma_wait3A_1635 = arith.constant 0 : i32
        %dma_wait3A_1636 = tpu.memref_slice %arg3[%dma_wait3A_1634, %dma_wait3A_1635] : memref<32x1000001xf32, #tpu.memory_space<hbm>> -> memref<8x128xf32, #tpu.memory_space<hbm>>
        tpu.wait_dma2 semaphore(%arg8 : memref<!tpu.dma_semaphore, #tpu.memory_space<semaphore_mem>>) src(%dma_wait3A_1636 : memref<8x128xf32, #tpu.memory_space<hbm>>) dst(%dma_wait3A_1633 : memref<8x128xf32, #tpu.memory_space<vmem>>)
        %dma_wait3A_1637 = arith.constant 26 : i32
        %dma_wait3A_1638 = arith.constant 0 : i32
        %dma_wait3A_1639 = arith.constant 0 : i32
        %dma_wait3A_1640 = tpu.memref_slice %arg6[%select_n3A_1246, %dma_wait3A_1637, %dma_wait3A_1638, %dma_wait3A_1639] : memref<2x32x8x128xf32, #tpu.memory_space<vmem>> -> memref<1x1x8x128xf32, #tpu.memory_space<vmem>>
        %dma_wait3A_1641 = tpu.memref_squeeze %dma_wait3A_1640 : memref<1x1x8x128xf32, #tpu.memory_space<vmem>> -> memref<8x128xf32, #tpu.memory_space<vmem>>
        %dma_wait3A_1642 = arith.constant 0 : i32
        %dma_wait3A_1643 = arith.constant 0 : i32
        %dma_wait3A_1644 = tpu.memref_slice %arg3[%dma_wait3A_1642, %dma_wait3A_1643] : memref<32x1000001xf32, #tpu.memory_space<hbm>> -> memref<8x128xf32, #tpu.memory_space<hbm>>
        %dma_wait3A_1645 = arith.constant 0 : i32
        %dma_wait3A_1646 = arith.constant 0 : i32
        %dma_wait3A_1647 = tpu.memref_slice %arg6[%select_n3A_1246, %dma_wait3A_1637, %dma_wait3A_1645, %dma_wait3A_1646] : memref<2x32x8x128xf32, #tpu.memory_space<vmem>> -> memref<1x1x8x128xf32, #tpu.memory_space<vmem>>
        %dma_wait3A_1648 = tpu.memref_squeeze %dma_wait3A_1647 : memref<1x1x8x128xf32, #tpu.memory_space<vmem>> -> memref<8x128xf32, #tpu.memory_space<vmem>>
        %dma_wait3A_1649 = arith.constant 0 : i32
        %dma_wait3A_1650 = arith.constant 0 : i32
        %dma_wait3A_1651 = tpu.memref_slice %arg3[%dma_wait3A_1649, %dma_wait3A_1650] : memref<32x1000001xf32, #tpu.memory_space<hbm>> -> memref<8x128xf32, #tpu.memory_space<hbm>>
        tpu.wait_dma2 semaphore(%arg8 : memref<!tpu.dma_semaphore, #tpu.memory_space<semaphore_mem>>) src(%dma_wait3A_1651 : memref<8x128xf32, #tpu.memory_space<hbm>>) dst(%dma_wait3A_1648 : memref<8x128xf32, #tpu.memory_space<vmem>>)
        %dma_wait3A_1652 = arith.constant 27 : i32
        %dma_wait3A_1653 = arith.constant 0 : i32
        %dma_wait3A_1654 = arith.constant 0 : i32
        %dma_wait3A_1655 = tpu.memref_slice %arg6[%select_n3A_1246, %dma_wait3A_1652, %dma_wait3A_1653, %dma_wait3A_1654] : memref<2x32x8x128xf32, #tpu.memory_space<vmem>> -> memref<1x1x8x128xf32, #tpu.memory_space<vmem>>
        %dma_wait3A_1656 = tpu.memref_squeeze %dma_wait3A_1655 : memref<1x1x8x128xf32, #tpu.memory_space<vmem>> -> memref<8x128xf32, #tpu.memory_space<vmem>>
        %dma_wait3A_1657 = arith.constant 0 : i32
        %dma_wait3A_1658 = arith.constant 0 : i32
        %dma_wait3A_1659 = tpu.memref_slice %arg3[%dma_wait3A_1657, %dma_wait3A_1658] : memref<32x1000001xf32, #tpu.memory_space<hbm>> -> memref<8x128xf32, #tpu.memory_space<hbm>>
        %dma_wait3A_1660 = arith.constant 0 : i32
        %dma_wait3A_1661 = arith.constant 0 : i32
        %dma_wait3A_1662 = tpu.memref_slice %arg6[%select_n3A_1246, %dma_wait3A_1652, %dma_wait3A_1660, %dma_wait3A_1661] : memref<2x32x8x128xf32, #tpu.memory_space<vmem>> -> memref<1x1x8x128xf32, #tpu.memory_space<vmem>>
        %dma_wait3A_1663 = tpu.memref_squeeze %dma_wait3A_1662 : memref<1x1x8x128xf32, #tpu.memory_space<vmem>> -> memref<8x128xf32, #tpu.memory_space<vmem>>
        %dma_wait3A_1664 = arith.constant 0 : i32
        %dma_wait3A_1665 = arith.constant 0 : i32
        %dma_wait3A_1666 = tpu.memref_slice %arg3[%dma_wait3A_1664, %dma_wait3A_1665] : memref<32x1000001xf32, #tpu.memory_space<hbm>> -> memref<8x128xf32, #tpu.memory_space<hbm>>
        tpu.wait_dma2 semaphore(%arg8 : memref<!tpu.dma_semaphore, #tpu.memory_space<semaphore_mem>>) src(%dma_wait3A_1666 : memref<8x128xf32, #tpu.memory_space<hbm>>) dst(%dma_wait3A_1663 : memref<8x128xf32, #tpu.memory_space<vmem>>)
        %dma_wait3A_1667 = arith.constant 28 : i32
        %dma_wait3A_1668 = arith.constant 0 : i32
        %dma_wait3A_1669 = arith.constant 0 : i32
        %dma_wait3A_1670 = tpu.memref_slice %arg6[%select_n3A_1246, %dma_wait3A_1667, %dma_wait3A_1668, %dma_wait3A_1669] : memref<2x32x8x128xf32, #tpu.memory_space<vmem>> -> memref<1x1x8x128xf32, #tpu.memory_space<vmem>>
        %dma_wait3A_1671 = tpu.memref_squeeze %dma_wait3A_1670 : memref<1x1x8x128xf32, #tpu.memory_space<vmem>> -> memref<8x128xf32, #tpu.memory_space<vmem>>
        %dma_wait3A_1672 = arith.constant 0 : i32
        %dma_wait3A_1673 = arith.constant 0 : i32
        %dma_wait3A_1674 = tpu.memref_slice %arg3[%dma_wait3A_1672, %dma_wait3A_1673] : memref<32x1000001xf32, #tpu.memory_space<hbm>> -> memref<8x128xf32, #tpu.memory_space<hbm>>
        %dma_wait3A_1675 = arith.constant 0 : i32
        %dma_wait3A_1676 = arith.constant 0 : i32
        %dma_wait3A_1677 = tpu.memref_slice %arg6[%select_n3A_1246, %dma_wait3A_1667, %dma_wait3A_1675, %dma_wait3A_1676] : memref<2x32x8x128xf32, #tpu.memory_space<vmem>> -> memref<1x1x8x128xf32, #tpu.memory_space<vmem>>
        %dma_wait3A_1678 = tpu.memref_squeeze %dma_wait3A_1677 : memref<1x1x8x128xf32, #tpu.memory_space<vmem>> -> memref<8x128xf32, #tpu.memory_space<vmem>>
        %dma_wait3A_1679 = arith.constant 0 : i32
        %dma_wait3A_1680 = arith.constant 0 : i32
        %dma_wait3A_1681 = tpu.memref_slice %arg3[%dma_wait3A_1679, %dma_wait3A_1680] : memref<32x1000001xf32, #tpu.memory_space<hbm>> -> memref<8x128xf32, #tpu.memory_space<hbm>>
        tpu.wait_dma2 semaphore(%arg8 : memref<!tpu.dma_semaphore, #tpu.memory_space<semaphore_mem>>) src(%dma_wait3A_1681 : memref<8x128xf32, #tpu.memory_space<hbm>>) dst(%dma_wait3A_1678 : memref<8x128xf32, #tpu.memory_space<vmem>>)
        %dma_wait3A_1682 = arith.constant 29 : i32
        %dma_wait3A_1683 = arith.constant 0 : i32
        %dma_wait3A_1684 = arith.constant 0 : i32
        %dma_wait3A_1685 = tpu.memref_slice %arg6[%select_n3A_1246, %dma_wait3A_1682, %dma_wait3A_1683, %dma_wait3A_1684] : memref<2x32x8x128xf32, #tpu.memory_space<vmem>> -> memref<1x1x8x128xf32, #tpu.memory_space<vmem>>
        %dma_wait3A_1686 = tpu.memref_squeeze %dma_wait3A_1685 : memref<1x1x8x128xf32, #tpu.memory_space<vmem>> -> memref<8x128xf32, #tpu.memory_space<vmem>>
        %dma_wait3A_1687 = arith.constant 0 : i32
        %dma_wait3A_1688 = arith.constant 0 : i32
        %dma_wait3A_1689 = tpu.memref_slice %arg3[%dma_wait3A_1687, %dma_wait3A_1688] : memref<32x1000001xf32, #tpu.memory_space<hbm>> -> memref<8x128xf32, #tpu.memory_space<hbm>>
        %dma_wait3A_1690 = arith.constant 0 : i32
        %dma_wait3A_1691 = arith.constant 0 : i32
        %dma_wait3A_1692 = tpu.memref_slice %arg6[%select_n3A_1246, %dma_wait3A_1682, %dma_wait3A_1690, %dma_wait3A_1691] : memref<2x32x8x128xf32, #tpu.memory_space<vmem>> -> memref<1x1x8x128xf32, #tpu.memory_space<vmem>>
        %dma_wait3A_1693 = tpu.memref_squeeze %dma_wait3A_1692 : memref<1x1x8x128xf32, #tpu.memory_space<vmem>> -> memref<8x128xf32, #tpu.memory_space<vmem>>
        %dma_wait3A_1694 = arith.constant 0 : i32
        %dma_wait3A_1695 = arith.constant 0 : i32
        %dma_wait3A_1696 = tpu.memref_slice %arg3[%dma_wait3A_1694, %dma_wait3A_1695] : memref<32x1000001xf32, #tpu.memory_space<hbm>> -> memref<8x128xf32, #tpu.memory_space<hbm>>
        tpu.wait_dma2 semaphore(%arg8 : memref<!tpu.dma_semaphore, #tpu.memory_space<semaphore_mem>>) src(%dma_wait3A_1696 : memref<8x128xf32, #tpu.memory_space<hbm>>) dst(%dma_wait3A_1693 : memref<8x128xf32, #tpu.memory_space<vmem>>)
        %dma_wait3A_1697 = arith.constant 30 : i32
        %dma_wait3A_1698 = arith.constant 0 : i32
        %dma_wait3A_1699 = arith.constant 0 : i32
        %dma_wait3A_1700 = tpu.memref_slice %arg6[%select_n3A_1246, %dma_wait3A_1697, %dma_wait3A_1698, %dma_wait3A_1699] : memref<2x32x8x128xf32, #tpu.memory_space<vmem>> -> memref<1x1x8x128xf32, #tpu.memory_space<vmem>>
        %dma_wait3A_1701 = tpu.memref_squeeze %dma_wait3A_1700 : memref<1x1x8x128xf32, #tpu.memory_space<vmem>> -> memref<8x128xf32, #tpu.memory_space<vmem>>
        %dma_wait3A_1702 = arith.constant 0 : i32
        %dma_wait3A_1703 = arith.constant 0 : i32
        %dma_wait3A_1704 = tpu.memref_slice %arg3[%dma_wait3A_1702, %dma_wait3A_1703] : memref<32x1000001xf32, #tpu.memory_space<hbm>> -> memref<8x128xf32, #tpu.memory_space<hbm>>
        %dma_wait3A_1705 = arith.constant 0 : i32
        %dma_wait3A_1706 = arith.constant 0 : i32
        %dma_wait3A_1707 = tpu.memref_slice %arg6[%select_n3A_1246, %dma_wait3A_1697, %dma_wait3A_1705, %dma_wait3A_1706] : memref<2x32x8x128xf32, #tpu.memory_space<vmem>> -> memref<1x1x8x128xf32, #tpu.memory_space<vmem>>
        %dma_wait3A_1708 = tpu.memref_squeeze %dma_wait3A_1707 : memref<1x1x8x128xf32, #tpu.memory_space<vmem>> -> memref<8x128xf32, #tpu.memory_space<vmem>>
        %dma_wait3A_1709 = arith.constant 0 : i32
        %dma_wait3A_1710 = arith.constant 0 : i32
        %dma_wait3A_1711 = tpu.memref_slice %arg3[%dma_wait3A_1709, %dma_wait3A_1710] : memref<32x1000001xf32, #tpu.memory_space<hbm>> -> memref<8x128xf32, #tpu.memory_space<hbm>>
        tpu.wait_dma2 semaphore(%arg8 : memref<!tpu.dma_semaphore, #tpu.memory_space<semaphore_mem>>) src(%dma_wait3A_1711 : memref<8x128xf32, #tpu.memory_space<hbm>>) dst(%dma_wait3A_1708 : memref<8x128xf32, #tpu.memory_space<vmem>>)
        %dma_wait3A_1712 = arith.constant 31 : i32
        %dma_wait3A_1713 = arith.constant 0 : i32
        %dma_wait3A_1714 = arith.constant 0 : i32
        %dma_wait3A_1715 = tpu.memref_slice %arg6[%select_n3A_1246, %dma_wait3A_1712, %dma_wait3A_1713, %dma_wait3A_1714] : memref<2x32x8x128xf32, #tpu.memory_space<vmem>> -> memref<1x1x8x128xf32, #tpu.memory_space<vmem>>
        %dma_wait3A_1716 = tpu.memref_squeeze %dma_wait3A_1715 : memref<1x1x8x128xf32, #tpu.memory_space<vmem>> -> memref<8x128xf32, #tpu.memory_space<vmem>>
        %dma_wait3A_1717 = arith.constant 0 : i32
        %dma_wait3A_1718 = arith.constant 0 : i32
        %dma_wait3A_1719 = tpu.memref_slice %arg3[%dma_wait3A_1717, %dma_wait3A_1718] : memref<32x1000001xf32, #tpu.memory_space<hbm>> -> memref<8x128xf32, #tpu.memory_space<hbm>>
        %dma_wait3A_1720 = arith.constant 0 : i32
        %dma_wait3A_1721 = arith.constant 0 : i32
        %dma_wait3A_1722 = tpu.memref_slice %arg6[%select_n3A_1246, %dma_wait3A_1712, %dma_wait3A_1720, %dma_wait3A_1721] : memref<2x32x8x128xf32, #tpu.memory_space<vmem>> -> memref<1x1x8x128xf32, #tpu.memory_space<vmem>>
        %dma_wait3A_1723 = tpu.memref_squeeze %dma_wait3A_1722 : memref<1x1x8x128xf32, #tpu.memory_space<vmem>> -> memref<8x128xf32, #tpu.memory_space<vmem>>
        %dma_wait3A_1724 = arith.constant 0 : i32
        %dma_wait3A_1725 = arith.constant 0 : i32
        %dma_wait3A_1726 = tpu.memref_slice %arg3[%dma_wait3A_1724, %dma_wait3A_1725] : memref<32x1000001xf32, #tpu.memory_space<hbm>> -> memref<8x128xf32, #tpu.memory_space<hbm>>
        tpu.wait_dma2 semaphore(%arg8 : memref<!tpu.dma_semaphore, #tpu.memory_space<semaphore_mem>>) src(%dma_wait3A_1726 : memref<8x128xf32, #tpu.memory_space<hbm>>) dst(%dma_wait3A_1723 : memref<8x128xf32, #tpu.memory_space<vmem>>)
        %sub3A_1727 = arith.constant 1 : i32
        %sub3A_1728 = arith.subi %add3A_684, %sub3A_1727 : i32
        %sub3A_1729 = arith.constant 1 : i32
        %sub3A_1730 = arith.subi %add3A_684, %sub3A_1729 : i32
        %jit3A_1731 = arith.constant 2 : i32
        %eq3A_1732 = arith.constant 0 : i32
        %eq3A_1733 = arith.cmpi eq, %jit3A_1731, %eq3A_1732 : i32
        %jit3A_1734 = arith.constant 1 : i32
        %select_n3A_1735 = arith.select %eq3A_1733, %jit3A_1734, %jit3A_1731 : i32
        %rem3A_1736 = arith.remsi %sub3A_1730, %select_n3A_1735 : i32
        %ne3A_1737 = arith.constant 0 : i32
        %ne3A_1738 = arith.cmpi ne, %rem3A_1736, %ne3A_1737 : i32
        %lt3A_1739 = arith.constant 0 : i32
        %lt3A_1740 = arith.cmpi slt, %rem3A_1736, %lt3A_1739 : i32
        %lt3A_1741 = arith.constant 0 : i32
        %lt3A_1742 = arith.cmpi slt, %select_n3A_1735, %lt3A_1741 : i32
        %ne3A_1743 = arith.xori %lt3A_1740, %lt3A_1742 : i1
        %and3A_1744 = arith.andi %ne3A_1743, %ne3A_1738 : i1
        %add3A_1745 = arith.addi %rem3A_1736, %select_n3A_1735 : i32
        %select_n3A_1746 = arith.select %and3A_1744, %add3A_1745, %rem3A_1736 : i32
        %broadcast_in_dim3A_1747 = arith.constant 0 : i32
        %broadcast_in_dim3A_1748 = vector.broadcast %broadcast_in_dim3A_1747 : i32 to vector<16xi32>
        %add3A_1749 = vector.broadcast %select_n3A_1746 : i32 to vector<16xi32>
        %add3A_1750 = arith.addi %broadcast_in_dim3A_1748, %add3A_1749 : vector<16xi32>
        %mul3A_1751 = arith.constant 32 : i32
        %mul3A_1752 = arith.muli %sub3A_1728, %mul3A_1751 : i32
        %add3A_1753 = arith.constant 0 : i32
        %add3A_1754 = arith.addi %mul3A_1752, %add3A_1753 : i32
        %get3A_1755 = arith.index_cast %add3A_1754 : i32 to index
        %get3A_1756 = tpu.vector_load %arg5[%get3A_1755] {strides = array<i32>} : memref<2048xi32, #tpu.memory_space<vmem>>, vector<16xi32>,
        %and3A_1757 = arith.constant 127 : i32
        %and3A_1758 = vector.broadcast %and3A_1757 : i32 to vector<16xi32>
        %and3A_1759 = arith.andi %get3A_1756, %and3A_1758 : vector<16xi32>
        %iota3A_1760 = tpu.iota {dimensions = array<i32: 0>} : vector<16xi32>
        %add3A_1761 = arith.constant 0 : i32
        %add3A_1762 = vector.broadcast %add3A_1761 : i32 to vector<16xi32>
        %add3A_1763 = arith.addi %iota3A_1760, %add3A_1762 : vector<16xi32>
        %broadcast_in_dim3A_1764 = arith.constant 0 : i32
        %broadcast_in_dim3A_1765 = vector.broadcast %broadcast_in_dim3A_1764 : i32 to vector<16xi32>
        %gather3A_1766 = tpu.vector_load_idx %arg6[%add3A_1750, %add3A_1763, %broadcast_in_dim3A_1765, %and3A_1759] : memref<2x32x8x128xf32, #tpu.memory_space<vmem>>[vector<16xi32>, vector<16xi32>, vector<16xi32>, vector<16xi32>], vector<16xf32>,
        %mul3A_1767 = arith.constant 32 : i32
        %mul3A_1768 = arith.muli %sub3A_1728, %mul3A_1767 : i32
        %add3A_1769 = arith.constant 0 : i32
        %add3A_1770 = arith.addi %mul3A_1768, %add3A_1769 : i32
        %swap3A_1771 = arith.constant 0 : i32
        %swap3A_1772 = arith.index_cast %swap3A_1771 : i32 to index
        %swap3A_1773 = arith.index_cast %add3A_1770 : i32 to index
        %swap3A_1774 = tpu.vector_load %arg7[%swap3A_1772, %swap3A_1773] {strides = array<i32>} : memref<8x2048xf32, #tpu.memory_space<vmem>>, vector<16xf32>,
        tpu.vector_store %arg7[%swap3A_1772, %swap3A_1773], %gather3A_1766 {strides = array<i32>} : memref<8x2048xf32, #tpu.memory_space<vmem>>, vector<16xf32>,
        %broadcast_in_dim3A_1775 = arith.constant 1 : i32
        %broadcast_in_dim3A_1776 = vector.broadcast %broadcast_in_dim3A_1775 : i32 to vector<16xi32>
        %gather3A_1777 = tpu.vector_load_idx %arg6[%add3A_1750, %add3A_1763, %broadcast_in_dim3A_1776, %and3A_1759] : memref<2x32x8x128xf32, #tpu.memory_space<vmem>>[vector<16xi32>, vector<16xi32>, vector<16xi32>, vector<16xi32>], vector<16xf32>,
        %mul3A_1778 = arith.constant 32 : i32
        %mul3A_1779 = arith.muli %sub3A_1728, %mul3A_1778 : i32
        %add3A_1780 = arith.constant 0 : i32
        %add3A_1781 = arith.addi %mul3A_1779, %add3A_1780 : i32
        %swap3A_1782 = arith.constant 1 : i32
        %swap3A_1783 = arith.index_cast %swap3A_1782 : i32 to index
        %swap3A_1784 = arith.index_cast %add3A_1781 : i32 to index
        %swap3A_1785 = tpu.vector_load %arg7[%swap3A_1783, %swap3A_1784] {strides = array<i32>} : memref<8x2048xf32, #tpu.memory_space<vmem>>, vector<16xf32>,
        tpu.vector_store %arg7[%swap3A_1783, %swap3A_1784], %gather3A_1777 {strides = array<i32>} : memref<8x2048xf32, #tpu.memory_space<vmem>>, vector<16xf32>,
        %broadcast_in_dim3A_1786 = arith.constant 2 : i32
        %broadcast_in_dim3A_1787 = vector.broadcast %broadcast_in_dim3A_1786 : i32 to vector<16xi32>
        %gather3A_1788 = tpu.vector_load_idx %arg6[%add3A_1750, %add3A_1763, %broadcast_in_dim3A_1787, %and3A_1759] : memref<2x32x8x128xf32, #tpu.memory_space<vmem>>[vector<16xi32>, vector<16xi32>, vector<16xi32>, vector<16xi32>], vector<16xf32>,
        %mul3A_1789 = arith.constant 32 : i32
        %mul3A_1790 = arith.muli %sub3A_1728, %mul3A_1789 : i32
        %add3A_1791 = arith.constant 0 : i32
        %add3A_1792 = arith.addi %mul3A_1790, %add3A_1791 : i32
        %swap3A_1793 = arith.constant 2 : i32
        %swap3A_1794 = arith.index_cast %swap3A_1793 : i32 to index
        %swap3A_1795 = arith.index_cast %add3A_1792 : i32 to index
        %swap3A_1796 = tpu.vector_load %arg7[%swap3A_1794, %swap3A_1795] {strides = array<i32>} : memref<8x2048xf32, #tpu.memory_space<vmem>>, vector<16xf32>,
        tpu.vector_store %arg7[%swap3A_1794, %swap3A_1795], %gather3A_1788 {strides = array<i32>} : memref<8x2048xf32, #tpu.memory_space<vmem>>, vector<16xf32>,
        %broadcast_in_dim3A_1797 = arith.constant 3 : i32
        %broadcast_in_dim3A_1798 = vector.broadcast %broadcast_in_dim3A_1797 : i32 to vector<16xi32>
        %gather3A_1799 = tpu.vector_load_idx %arg6[%add3A_1750, %add3A_1763, %broadcast_in_dim3A_1798, %and3A_1759] : memref<2x32x8x128xf32, #tpu.memory_space<vmem>>[vector<16xi32>, vector<16xi32>, vector<16xi32>, vector<16xi32>], vector<16xf32>,
        %mul3A_1800 = arith.constant 32 : i32
        %mul3A_1801 = arith.muli %sub3A_1728, %mul3A_1800 : i32
        %add3A_1802 = arith.constant 0 : i32
        %add3A_1803 = arith.addi %mul3A_1801, %add3A_1802 : i32
        %swap3A_1804 = arith.constant 3 : i32
        %swap3A_1805 = arith.index_cast %swap3A_1804 : i32 to index
        %swap3A_1806 = arith.index_cast %add3A_1803 : i32 to index
        %swap3A_1807 = tpu.vector_load %arg7[%swap3A_1805, %swap3A_1806] {strides = array<i32>} : memref<8x2048xf32, #tpu.memory_space<vmem>>, vector<16xf32>,
        tpu.vector_store %arg7[%swap3A_1805, %swap3A_1806], %gather3A_1799 {strides = array<i32>} : memref<8x2048xf32, #tpu.memory_space<vmem>>, vector<16xf32>,
        %broadcast_in_dim3A_1808 = arith.constant 4 : i32
        %broadcast_in_dim3A_1809 = vector.broadcast %broadcast_in_dim3A_1808 : i32 to vector<16xi32>
        %gather3A_1810 = tpu.vector_load_idx %arg6[%add3A_1750, %add3A_1763, %broadcast_in_dim3A_1809, %and3A_1759] : memref<2x32x8x128xf32, #tpu.memory_space<vmem>>[vector<16xi32>, vector<16xi32>, vector<16xi32>, vector<16xi32>], vector<16xf32>,
        %mul3A_1811 = arith.constant 32 : i32
        %mul3A_1812 = arith.muli %sub3A_1728, %mul3A_1811 : i32
        %add3A_1813 = arith.constant 0 : i32
        %add3A_1814 = arith.addi %mul3A_1812, %add3A_1813 : i32
        %swap3A_1815 = arith.constant 4 : i32
        %swap3A_1816 = arith.index_cast %swap3A_1815 : i32 to index
        %swap3A_1817 = arith.index_cast %add3A_1814 : i32 to index
        %swap3A_1818 = tpu.vector_load %arg7[%swap3A_1816, %swap3A_1817] {strides = array<i32>} : memref<8x2048xf32, #tpu.memory_space<vmem>>, vector<16xf32>,
        tpu.vector_store %arg7[%swap3A_1816, %swap3A_1817], %gather3A_1810 {strides = array<i32>} : memref<8x2048xf32, #tpu.memory_space<vmem>>, vector<16xf32>,
        %broadcast_in_dim3A_1819 = arith.constant 5 : i32
        %broadcast_in_dim3A_1820 = vector.broadcast %broadcast_in_dim3A_1819 : i32 to vector<16xi32>
        %gather3A_1821 = tpu.vector_load_idx %arg6[%add3A_1750, %add3A_1763, %broadcast_in_dim3A_1820, %and3A_1759] : memref<2x32x8x128xf32, #tpu.memory_space<vmem>>[vector<16xi32>, vector<16xi32>, vector<16xi32>, vector<16xi32>], vector<16xf32>,
        %mul3A_1822 = arith.constant 32 : i32
        %mul3A_1823 = arith.muli %sub3A_1728, %mul3A_1822 : i32
        %add3A_1824 = arith.constant 0 : i32
        %add3A_1825 = arith.addi %mul3A_1823, %add3A_1824 : i32
        %swap3A_1826 = arith.constant 5 : i32
        %swap3A_1827 = arith.index_cast %swap3A_1826 : i32 to index
        %swap3A_1828 = arith.index_cast %add3A_1825 : i32 to index
        %swap3A_1829 = tpu.vector_load %arg7[%swap3A_1827, %swap3A_1828] {strides = array<i32>} : memref<8x2048xf32, #tpu.memory_space<vmem>>, vector<16xf32>,
        tpu.vector_store %arg7[%swap3A_1827, %swap3A_1828], %gather3A_1821 {strides = array<i32>} : memref<8x2048xf32, #tpu.memory_space<vmem>>, vector<16xf32>,
        %broadcast_in_dim3A_1830 = arith.constant 6 : i32
        %broadcast_in_dim3A_1831 = vector.broadcast %broadcast_in_dim3A_1830 : i32 to vector<16xi32>
        %gather3A_1832 = tpu.vector_load_idx %arg6[%add3A_1750, %add3A_1763, %broadcast_in_dim3A_1831, %and3A_1759] : memref<2x32x8x128xf32, #tpu.memory_space<vmem>>[vector<16xi32>, vector<16xi32>, vector<16xi32>, vector<16xi32>], vector<16xf32>,
        %mul3A_1833 = arith.constant 32 : i32
        %mul3A_1834 = arith.muli %sub3A_1728, %mul3A_1833 : i32
        %add3A_1835 = arith.constant 0 : i32
        %add3A_1836 = arith.addi %mul3A_1834, %add3A_1835 : i32
        %swap3A_1837 = arith.constant 6 : i32
        %swap3A_1838 = arith.index_cast %swap3A_1837 : i32 to index
        %swap3A_1839 = arith.index_cast %add3A_1836 : i32 to index
        %swap3A_1840 = tpu.vector_load %arg7[%swap3A_1838, %swap3A_1839] {strides = array<i32>} : memref<8x2048xf32, #tpu.memory_space<vmem>>, vector<16xf32>,
        tpu.vector_store %arg7[%swap3A_1838, %swap3A_1839], %gather3A_1832 {strides = array<i32>} : memref<8x2048xf32, #tpu.memory_space<vmem>>, vector<16xf32>,
        %broadcast_in_dim3A_1841 = arith.constant 7 : i32
        %broadcast_in_dim3A_1842 = vector.broadcast %broadcast_in_dim3A_1841 : i32 to vector<16xi32>
        %gather3A_1843 = tpu.vector_load_idx %arg6[%add3A_1750, %add3A_1763, %broadcast_in_dim3A_1842, %and3A_1759] : memref<2x32x8x128xf32, #tpu.memory_space<vmem>>[vector<16xi32>, vector<16xi32>, vector<16xi32>, vector<16xi32>], vector<16xf32>,
        %mul3A_1844 = arith.constant 32 : i32
        %mul3A_1845 = arith.muli %sub3A_1728, %mul3A_1844 : i32
        %add3A_1846 = arith.constant 0 : i32
        %add3A_1847 = arith.addi %mul3A_1845, %add3A_1846 : i32
        %swap3A_1848 = arith.constant 7 : i32
        %swap3A_1849 = arith.index_cast %swap3A_1848 : i32 to index
        %swap3A_1850 = arith.index_cast %add3A_1847 : i32 to index
        %swap3A_1851 = tpu.vector_load %arg7[%swap3A_1849, %swap3A_1850] {strides = array<i32>} : memref<8x2048xf32, #tpu.memory_space<vmem>>, vector<16xf32>,
        tpu.vector_store %arg7[%swap3A_1849, %swap3A_1850], %gather3A_1843 {strides = array<i32>} : memref<8x2048xf32, #tpu.memory_space<vmem>>, vector<16xf32>,
        %mul3A_1852 = arith.constant 32 : i32
        %mul3A_1853 = arith.muli %sub3A_1728, %mul3A_1852 : i32
        %add3A_1854 = arith.constant 16 : i32
        %add3A_1855 = arith.addi %mul3A_1853, %add3A_1854 : i32
        %get3A_1856 = arith.index_cast %add3A_1855 : i32 to index
        %get3A_1857 = tpu.vector_load %arg5[%get3A_1856] {strides = array<i32>} : memref<2048xi32, #tpu.memory_space<vmem>>, vector<16xi32>,
        %and3A_1858 = arith.constant 127 : i32
        %and3A_1859 = vector.broadcast %and3A_1858 : i32 to vector<16xi32>
        %and3A_1860 = arith.andi %get3A_1857, %and3A_1859 : vector<16xi32>
        %iota3A_1861 = tpu.iota {dimensions = array<i32: 0>} : vector<16xi32>
        %add3A_1862 = arith.constant 16 : i32
        %add3A_1863 = vector.broadcast %add3A_1862 : i32 to vector<16xi32>
        %add3A_1864 = arith.addi %iota3A_1861, %add3A_1863 : vector<16xi32>
        %broadcast_in_dim3A_1865 = arith.constant 0 : i32
        %broadcast_in_dim3A_1866 = vector.broadcast %broadcast_in_dim3A_1865 : i32 to vector<16xi32>
        %gather3A_1867 = tpu.vector_load_idx %arg6[%add3A_1750, %add3A_1864, %broadcast_in_dim3A_1866, %and3A_1860] : memref<2x32x8x128xf32, #tpu.memory_space<vmem>>[vector<16xi32>, vector<16xi32>, vector<16xi32>, vector<16xi32>], vector<16xf32>,
        %mul3A_1868 = arith.constant 32 : i32
        %mul3A_1869 = arith.muli %sub3A_1728, %mul3A_1868 : i32
        %add3A_1870 = arith.constant 16 : i32
        %add3A_1871 = arith.addi %mul3A_1869, %add3A_1870 : i32
        %swap3A_1872 = arith.constant 0 : i32
        %swap3A_1873 = arith.index_cast %swap3A_1872 : i32 to index
        %swap3A_1874 = arith.index_cast %add3A_1871 : i32 to index
        %swap3A_1875 = tpu.vector_load %arg7[%swap3A_1873, %swap3A_1874] {strides = array<i32>} : memref<8x2048xf32, #tpu.memory_space<vmem>>, vector<16xf32>,
        tpu.vector_store %arg7[%swap3A_1873, %swap3A_1874], %gather3A_1867 {strides = array<i32>} : memref<8x2048xf32, #tpu.memory_space<vmem>>, vector<16xf32>,
        %broadcast_in_dim3A_1876 = arith.constant 1 : i32
        %broadcast_in_dim3A_1877 = vector.broadcast %broadcast_in_dim3A_1876 : i32 to vector<16xi32>
        %gather3A_1878 = tpu.vector_load_idx %arg6[%add3A_1750, %add3A_1864, %broadcast_in_dim3A_1877, %and3A_1860] : memref<2x32x8x128xf32, #tpu.memory_space<vmem>>[vector<16xi32>, vector<16xi32>, vector<16xi32>, vector<16xi32>], vector<16xf32>,
        %mul3A_1879 = arith.constant 32 : i32
        %mul3A_1880 = arith.muli %sub3A_1728, %mul3A_1879 : i32
        %add3A_1881 = arith.constant 16 : i32
        %add3A_1882 = arith.addi %mul3A_1880, %add3A_1881 : i32
        %swap3A_1883 = arith.constant 1 : i32
        %swap3A_1884 = arith.index_cast %swap3A_1883 : i32 to index
        %swap3A_1885 = arith.index_cast %add3A_1882 : i32 to index
        %swap3A_1886 = tpu.vector_load %arg7[%swap3A_1884, %swap3A_1885] {strides = array<i32>} : memref<8x2048xf32, #tpu.memory_space<vmem>>, vector<16xf32>,
        tpu.vector_store %arg7[%swap3A_1884, %swap3A_1885], %gather3A_1878 {strides = array<i32>} : memref<8x2048xf32, #tpu.memory_space<vmem>>, vector<16xf32>,
        %broadcast_in_dim3A_1887 = arith.constant 2 : i32
        %broadcast_in_dim3A_1888 = vector.broadcast %broadcast_in_dim3A_1887 : i32 to vector<16xi32>
        %gather3A_1889 = tpu.vector_load_idx %arg6[%add3A_1750, %add3A_1864, %broadcast_in_dim3A_1888, %and3A_1860] : memref<2x32x8x128xf32, #tpu.memory_space<vmem>>[vector<16xi32>, vector<16xi32>, vector<16xi32>, vector<16xi32>], vector<16xf32>,
        %mul3A_1890 = arith.constant 32 : i32
        %mul3A_1891 = arith.muli %sub3A_1728, %mul3A_1890 : i32
        %add3A_1892 = arith.constant 16 : i32
        %add3A_1893 = arith.addi %mul3A_1891, %add3A_1892 : i32
        %swap3A_1894 = arith.constant 2 : i32
        %swap3A_1895 = arith.index_cast %swap3A_1894 : i32 to index
        %swap3A_1896 = arith.index_cast %add3A_1893 : i32 to index
        %swap3A_1897 = tpu.vector_load %arg7[%swap3A_1895, %swap3A_1896] {strides = array<i32>} : memref<8x2048xf32, #tpu.memory_space<vmem>>, vector<16xf32>,
        tpu.vector_store %arg7[%swap3A_1895, %swap3A_1896], %gather3A_1889 {strides = array<i32>} : memref<8x2048xf32, #tpu.memory_space<vmem>>, vector<16xf32>,
        %broadcast_in_dim3A_1898 = arith.constant 3 : i32
        %broadcast_in_dim3A_1899 = vector.broadcast %broadcast_in_dim3A_1898 : i32 to vector<16xi32>
        %gather3A_1900 = tpu.vector_load_idx %arg6[%add3A_1750, %add3A_1864, %broadcast_in_dim3A_1899, %and3A_1860] : memref<2x32x8x128xf32, #tpu.memory_space<vmem>>[vector<16xi32>, vector<16xi32>, vector<16xi32>, vector<16xi32>], vector<16xf32>,
        %mul3A_1901 = arith.constant 32 : i32
        %mul3A_1902 = arith.muli %sub3A_1728, %mul3A_1901 : i32
        %add3A_1903 = arith.constant 16 : i32
        %add3A_1904 = arith.addi %mul3A_1902, %add3A_1903 : i32
        %swap3A_1905 = arith.constant 3 : i32
        %swap3A_1906 = arith.index_cast %swap3A_1905 : i32 to index
        %swap3A_1907 = arith.index_cast %add3A_1904 : i32 to index
        %swap3A_1908 = tpu.vector_load %arg7[%swap3A_1906, %swap3A_1907] {strides = array<i32>} : memref<8x2048xf32, #tpu.memory_space<vmem>>, vector<16xf32>,
        tpu.vector_store %arg7[%swap3A_1906, %swap3A_1907], %gather3A_1900 {strides = array<i32>} : memref<8x2048xf32, #tpu.memory_space<vmem>>, vector<16xf32>,
        %broadcast_in_dim3A_1909 = arith.constant 4 : i32
        %broadcast_in_dim3A_1910 = vector.broadcast %broadcast_in_dim3A_1909 : i32 to vector<16xi32>
        %gather3A_1911 = tpu.vector_load_idx %arg6[%add3A_1750, %add3A_1864, %broadcast_in_dim3A_1910, %and3A_1860] : memref<2x32x8x128xf32, #tpu.memory_space<vmem>>[vector<16xi32>, vector<16xi32>, vector<16xi32>, vector<16xi32>], vector<16xf32>,
        %mul3A_1912 = arith.constant 32 : i32
        %mul3A_1913 = arith.muli %sub3A_1728, %mul3A_1912 : i32
        %add3A_1914 = arith.constant 16 : i32
        %add3A_1915 = arith.addi %mul3A_1913, %add3A_1914 : i32
        %swap3A_1916 = arith.constant 4 : i32
        %swap3A_1917 = arith.index_cast %swap3A_1916 : i32 to index
        %swap3A_1918 = arith.index_cast %add3A_1915 : i32 to index
        %swap3A_1919 = tpu.vector_load %arg7[%swap3A_1917, %swap3A_1918] {strides = array<i32>} : memref<8x2048xf32, #tpu.memory_space<vmem>>, vector<16xf32>,
        tpu.vector_store %arg7[%swap3A_1917, %swap3A_1918], %gather3A_1911 {strides = array<i32>} : memref<8x2048xf32, #tpu.memory_space<vmem>>, vector<16xf32>,
        %broadcast_in_dim3A_1920 = arith.constant 5 : i32
        %broadcast_in_dim3A_1921 = vector.broadcast %broadcast_in_dim3A_1920 : i32 to vector<16xi32>
        %gather3A_1922 = tpu.vector_load_idx %arg6[%add3A_1750, %add3A_1864, %broadcast_in_dim3A_1921, %and3A_1860] : memref<2x32x8x128xf32, #tpu.memory_space<vmem>>[vector<16xi32>, vector<16xi32>, vector<16xi32>, vector<16xi32>], vector<16xf32>,
        %mul3A_1923 = arith.constant 32 : i32
        %mul3A_1924 = arith.muli %sub3A_1728, %mul3A_1923 : i32
        %add3A_1925 = arith.constant 16 : i32
        %add3A_1926 = arith.addi %mul3A_1924, %add3A_1925 : i32
        %swap3A_1927 = arith.constant 5 : i32
        %swap3A_1928 = arith.index_cast %swap3A_1927 : i32 to index
        %swap3A_1929 = arith.index_cast %add3A_1926 : i32 to index
        %swap3A_1930 = tpu.vector_load %arg7[%swap3A_1928, %swap3A_1929] {strides = array<i32>} : memref<8x2048xf32, #tpu.memory_space<vmem>>, vector<16xf32>,
        tpu.vector_store %arg7[%swap3A_1928, %swap3A_1929], %gather3A_1922 {strides = array<i32>} : memref<8x2048xf32, #tpu.memory_space<vmem>>, vector<16xf32>,
        %broadcast_in_dim3A_1931 = arith.constant 6 : i32
        %broadcast_in_dim3A_1932 = vector.broadcast %broadcast_in_dim3A_1931 : i32 to vector<16xi32>
        %gather3A_1933 = tpu.vector_load_idx %arg6[%add3A_1750, %add3A_1864, %broadcast_in_dim3A_1932, %and3A_1860] : memref<2x32x8x128xf32, #tpu.memory_space<vmem>>[vector<16xi32>, vector<16xi32>, vector<16xi32>, vector<16xi32>], vector<16xf32>,
        %mul3A_1934 = arith.constant 32 : i32
        %mul3A_1935 = arith.muli %sub3A_1728, %mul3A_1934 : i32
        %add3A_1936 = arith.constant 16 : i32
        %add3A_1937 = arith.addi %mul3A_1935, %add3A_1936 : i32
        %swap3A_1938 = arith.constant 6 : i32
        %swap3A_1939 = arith.index_cast %swap3A_1938 : i32 to index
        %swap3A_1940 = arith.index_cast %add3A_1937 : i32 to index
        %swap3A_1941 = tpu.vector_load %arg7[%swap3A_1939, %swap3A_1940] {strides = array<i32>} : memref<8x2048xf32, #tpu.memory_space<vmem>>, vector<16xf32>,
        tpu.vector_store %arg7[%swap3A_1939, %swap3A_1940], %gather3A_1933 {strides = array<i32>} : memref<8x2048xf32, #tpu.memory_space<vmem>>, vector<16xf32>,
        %broadcast_in_dim3A_1942 = arith.constant 7 : i32
        %broadcast_in_dim3A_1943 = vector.broadcast %broadcast_in_dim3A_1942 : i32 to vector<16xi32>
        %gather3A_1944 = tpu.vector_load_idx %arg6[%add3A_1750, %add3A_1864, %broadcast_in_dim3A_1943, %and3A_1860] : memref<2x32x8x128xf32, #tpu.memory_space<vmem>>[vector<16xi32>, vector<16xi32>, vector<16xi32>, vector<16xi32>], vector<16xf32>,
        %mul3A_1945 = arith.constant 32 : i32
        %mul3A_1946 = arith.muli %sub3A_1728, %mul3A_1945 : i32
        %add3A_1947 = arith.constant 16 : i32
        %add3A_1948 = arith.addi %mul3A_1946, %add3A_1947 : i32
        %swap3A_1949 = arith.constant 7 : i32
        %swap3A_1950 = arith.index_cast %swap3A_1949 : i32 to index
        %swap3A_1951 = arith.index_cast %add3A_1948 : i32 to index
        %swap3A_1952 = tpu.vector_load %arg7[%swap3A_1950, %swap3A_1951] {strides = array<i32>} : memref<8x2048xf32, #tpu.memory_space<vmem>>, vector<16xf32>,
        tpu.vector_store %arg7[%swap3A_1950, %swap3A_1951], %gather3A_1944 {strides = array<i32>} : memref<8x2048xf32, #tpu.memory_space<vmem>>, vector<16xf32>,
      } else {
      }
    }
    %scan3A_38 = arith.constant 64 : i32
    %dma_wait3A = arith.constant 1 : i32
    %dma_wait3A_39 = arith.constant 0 : i32
    %dma_wait3A_40 = arith.constant 0 : i32
    %dma_wait3A_41 = arith.constant 0 : i32
    %dma_wait3A_42 = tpu.memref_slice %arg6[%dma_wait3A, %dma_wait3A_39, %dma_wait3A_40, %dma_wait3A_41] : memref<2x32x8x128xf32, #tpu.memory_space<vmem>> -> memref<1x1x8x128xf32, #tpu.memory_space<vmem>>
    %dma_wait3A_43 = tpu.memref_squeeze %dma_wait3A_42 : memref<1x1x8x128xf32, #tpu.memory_space<vmem>> -> memref<8x128xf32, #tpu.memory_space<vmem>>
    %dma_wait3A_44 = arith.constant 0 : i32
    %dma_wait3A_45 = arith.constant 0 : i32
    %dma_wait3A_46 = tpu.memref_slice %arg3[%dma_wait3A_44, %dma_wait3A_45] : memref<32x1000001xf32, #tpu.memory_space<hbm>> -> memref<8x128xf32, #tpu.memory_space<hbm>>
    %dma_wait3A_47 = arith.constant 0 : i32
    %dma_wait3A_48 = arith.constant 0 : i32
    %dma_wait3A_49 = tpu.memref_slice %arg6[%dma_wait3A, %dma_wait3A_39, %dma_wait3A_47, %dma_wait3A_48] : memref<2x32x8x128xf32, #tpu.memory_space<vmem>> -> memref<1x1x8x128xf32, #tpu.memory_space<vmem>>
    %dma_wait3A_50 = tpu.memref_squeeze %dma_wait3A_49 : memref<1x1x8x128xf32, #tpu.memory_space<vmem>> -> memref<8x128xf32, #tpu.memory_space<vmem>>
    %dma_wait3A_51 = arith.constant 0 : i32
    %dma_wait3A_52 = arith.constant 0 : i32
    %dma_wait3A_53 = tpu.memref_slice %arg3[%dma_wait3A_51, %dma_wait3A_52] : memref<32x1000001xf32, #tpu.memory_space<hbm>> -> memref<8x128xf32, #tpu.memory_space<hbm>>
    tpu.wait_dma2 semaphore(%arg8 : memref<!tpu.dma_semaphore, #tpu.memory_space<semaphore_mem>>) src(%dma_wait3A_53 : memref<8x128xf32, #tpu.memory_space<hbm>>) dst(%dma_wait3A_50 : memref<8x128xf32, #tpu.memory_space<vmem>>)
    %dma_wait3A_54 = arith.constant 1 : i32
    %dma_wait3A_55 = arith.constant 1 : i32
    %dma_wait3A_56 = arith.constant 0 : i32
    %dma_wait3A_57 = arith.constant 0 : i32
    %dma_wait3A_58 = tpu.memref_slice %arg6[%dma_wait3A_54, %dma_wait3A_55, %dma_wait3A_56, %dma_wait3A_57] : memref<2x32x8x128xf32, #tpu.memory_space<vmem>> -> memref<1x1x8x128xf32, #tpu.memory_space<vmem>>
    %dma_wait3A_59 = tpu.memref_squeeze %dma_wait3A_58 : memref<1x1x8x128xf32, #tpu.memory_space<vmem>> -> memref<8x128xf32, #tpu.memory_space<vmem>>
    %dma_wait3A_60 = arith.constant 0 : i32
    %dma_wait3A_61 = arith.constant 0 : i32
    %dma_wait3A_62 = tpu.memref_slice %arg3[%dma_wait3A_60, %dma_wait3A_61] : memref<32x1000001xf32, #tpu.memory_space<hbm>> -> memref<8x128xf32, #tpu.memory_space<hbm>>
    %dma_wait3A_63 = arith.constant 0 : i32
    %dma_wait3A_64 = arith.constant 0 : i32
    %dma_wait3A_65 = tpu.memref_slice %arg6[%dma_wait3A_54, %dma_wait3A_55, %dma_wait3A_63, %dma_wait3A_64] : memref<2x32x8x128xf32, #tpu.memory_space<vmem>> -> memref<1x1x8x128xf32, #tpu.memory_space<vmem>>
    %dma_wait3A_66 = tpu.memref_squeeze %dma_wait3A_65 : memref<1x1x8x128xf32, #tpu.memory_space<vmem>> -> memref<8x128xf32, #tpu.memory_space<vmem>>
    %dma_wait3A_67 = arith.constant 0 : i32
    %dma_wait3A_68 = arith.constant 0 : i32
    %dma_wait3A_69 = tpu.memref_slice %arg3[%dma_wait3A_67, %dma_wait3A_68] : memref<32x1000001xf32, #tpu.memory_space<hbm>> -> memref<8x128xf32, #tpu.memory_space<hbm>>
    tpu.wait_dma2 semaphore(%arg8 : memref<!tpu.dma_semaphore, #tpu.memory_space<semaphore_mem>>) src(%dma_wait3A_69 : memref<8x128xf32, #tpu.memory_space<hbm>>) dst(%dma_wait3A_66 : memref<8x128xf32, #tpu.memory_space<vmem>>)
    %dma_wait3A_70 = arith.constant 1 : i32
    %dma_wait3A_71 = arith.constant 2 : i32
    %dma_wait3A_72 = arith.constant 0 : i32
    %dma_wait3A_73 = arith.constant 0 : i32
    %dma_wait3A_74 = tpu.memref_slice %arg6[%dma_wait3A_70, %dma_wait3A_71, %dma_wait3A_72, %dma_wait3A_73] : memref<2x32x8x128xf32, #tpu.memory_space<vmem>> -> memref<1x1x8x128xf32, #tpu.memory_space<vmem>>
    %dma_wait3A_75 = tpu.memref_squeeze %dma_wait3A_74 : memref<1x1x8x128xf32, #tpu.memory_space<vmem>> -> memref<8x128xf32, #tpu.memory_space<vmem>>
    %dma_wait3A_76 = arith.constant 0 : i32
    %dma_wait3A_77 = arith.constant 0 : i32
    %dma_wait3A_78 = tpu.memref_slice %arg3[%dma_wait3A_76, %dma_wait3A_77] : memref<32x1000001xf32, #tpu.memory_space<hbm>> -> memref<8x128xf32, #tpu.memory_space<hbm>>
    %dma_wait3A_79 = arith.constant 0 : i32
    %dma_wait3A_80 = arith.constant 0 : i32
    %dma_wait3A_81 = tpu.memref_slice %arg6[%dma_wait3A_70, %dma_wait3A_71, %dma_wait3A_79, %dma_wait3A_80] : memref<2x32x8x128xf32, #tpu.memory_space<vmem>> -> memref<1x1x8x128xf32, #tpu.memory_space<vmem>>
    %dma_wait3A_82 = tpu.memref_squeeze %dma_wait3A_81 : memref<1x1x8x128xf32, #tpu.memory_space<vmem>> -> memref<8x128xf32, #tpu.memory_space<vmem>>
    %dma_wait3A_83 = arith.constant 0 : i32
    %dma_wait3A_84 = arith.constant 0 : i32
    %dma_wait3A_85 = tpu.memref_slice %arg3[%dma_wait3A_83, %dma_wait3A_84] : memref<32x1000001xf32, #tpu.memory_space<hbm>> -> memref<8x128xf32, #tpu.memory_space<hbm>>
    tpu.wait_dma2 semaphore(%arg8 : memref<!tpu.dma_semaphore, #tpu.memory_space<semaphore_mem>>) src(%dma_wait3A_85 : memref<8x128xf32, #tpu.memory_space<hbm>>) dst(%dma_wait3A_82 : memref<8x128xf32, #tpu.memory_space<vmem>>)
    %dma_wait3A_86 = arith.constant 1 : i32
    %dma_wait3A_87 = arith.constant 3 : i32
    %dma_wait3A_88 = arith.constant 0 : i32
    %dma_wait3A_89 = arith.constant 0 : i32
    %dma_wait3A_90 = tpu.memref_slice %arg6[%dma_wait3A_86, %dma_wait3A_87, %dma_wait3A_88, %dma_wait3A_89] : memref<2x32x8x128xf32, #tpu.memory_space<vmem>> -> memref<1x1x8x128xf32, #tpu.memory_space<vmem>>
    %dma_wait3A_91 = tpu.memref_squeeze %dma_wait3A_90 : memref<1x1x8x128xf32, #tpu.memory_space<vmem>> -> memref<8x128xf32, #tpu.memory_space<vmem>>
    %dma_wait3A_92 = arith.constant 0 : i32
    %dma_wait3A_93 = arith.constant 0 : i32
    %dma_wait3A_94 = tpu.memref_slice %arg3[%dma_wait3A_92, %dma_wait3A_93] : memref<32x1000001xf32, #tpu.memory_space<hbm>> -> memref<8x128xf32, #tpu.memory_space<hbm>>
    %dma_wait3A_95 = arith.constant 0 : i32
    %dma_wait3A_96 = arith.constant 0 : i32
    %dma_wait3A_97 = tpu.memref_slice %arg6[%dma_wait3A_86, %dma_wait3A_87, %dma_wait3A_95, %dma_wait3A_96] : memref<2x32x8x128xf32, #tpu.memory_space<vmem>> -> memref<1x1x8x128xf32, #tpu.memory_space<vmem>>
    %dma_wait3A_98 = tpu.memref_squeeze %dma_wait3A_97 : memref<1x1x8x128xf32, #tpu.memory_space<vmem>> -> memref<8x128xf32, #tpu.memory_space<vmem>>
    %dma_wait3A_99 = arith.constant 0 : i32
    %dma_wait3A_100 = arith.constant 0 : i32
    %dma_wait3A_101 = tpu.memref_slice %arg3[%dma_wait3A_99, %dma_wait3A_100] : memref<32x1000001xf32, #tpu.memory_space<hbm>> -> memref<8x128xf32, #tpu.memory_space<hbm>>
    tpu.wait_dma2 semaphore(%arg8 : memref<!tpu.dma_semaphore, #tpu.memory_space<semaphore_mem>>) src(%dma_wait3A_101 : memref<8x128xf32, #tpu.memory_space<hbm>>) dst(%dma_wait3A_98 : memref<8x128xf32, #tpu.memory_space<vmem>>)
    %dma_wait3A_102 = arith.constant 1 : i32
    %dma_wait3A_103 = arith.constant 4 : i32
    %dma_wait3A_104 = arith.constant 0 : i32
    %dma_wait3A_105 = arith.constant 0 : i32
    %dma_wait3A_106 = tpu.memref_slice %arg6[%dma_wait3A_102, %dma_wait3A_103, %dma_wait3A_104, %dma_wait3A_105] : memref<2x32x8x128xf32, #tpu.memory_space<vmem>> -> memref<1x1x8x128xf32, #tpu.memory_space<vmem>>
    %dma_wait3A_107 = tpu.memref_squeeze %dma_wait3A_106 : memref<1x1x8x128xf32, #tpu.memory_space<vmem>> -> memref<8x128xf32, #tpu.memory_space<vmem>>
    %dma_wait3A_108 = arith.constant 0 : i32
    %dma_wait3A_109 = arith.constant 0 : i32
    %dma_wait3A_110 = tpu.memref_slice %arg3[%dma_wait3A_108, %dma_wait3A_109] : memref<32x1000001xf32, #tpu.memory_space<hbm>> -> memref<8x128xf32, #tpu.memory_space<hbm>>
    %dma_wait3A_111 = arith.constant 0 : i32
    %dma_wait3A_112 = arith.constant 0 : i32
    %dma_wait3A_113 = tpu.memref_slice %arg6[%dma_wait3A_102, %dma_wait3A_103, %dma_wait3A_111, %dma_wait3A_112] : memref<2x32x8x128xf32, #tpu.memory_space<vmem>> -> memref<1x1x8x128xf32, #tpu.memory_space<vmem>>
    %dma_wait3A_114 = tpu.memref_squeeze %dma_wait3A_113 : memref<1x1x8x128xf32, #tpu.memory_space<vmem>> -> memref<8x128xf32, #tpu.memory_space<vmem>>
    %dma_wait3A_115 = arith.constant 0 : i32
    %dma_wait3A_116 = arith.constant 0 : i32
    %dma_wait3A_117 = tpu.memref_slice %arg3[%dma_wait3A_115, %dma_wait3A_116] : memref<32x1000001xf32, #tpu.memory_space<hbm>> -> memref<8x128xf32, #tpu.memory_space<hbm>>
    tpu.wait_dma2 semaphore(%arg8 : memref<!tpu.dma_semaphore, #tpu.memory_space<semaphore_mem>>) src(%dma_wait3A_117 : memref<8x128xf32, #tpu.memory_space<hbm>>) dst(%dma_wait3A_114 : memref<8x128xf32, #tpu.memory_space<vmem>>)
    %dma_wait3A_118 = arith.constant 1 : i32
    %dma_wait3A_119 = arith.constant 5 : i32
    %dma_wait3A_120 = arith.constant 0 : i32
    %dma_wait3A_121 = arith.constant 0 : i32
    %dma_wait3A_122 = tpu.memref_slice %arg6[%dma_wait3A_118, %dma_wait3A_119, %dma_wait3A_120, %dma_wait3A_121] : memref<2x32x8x128xf32, #tpu.memory_space<vmem>> -> memref<1x1x8x128xf32, #tpu.memory_space<vmem>>
    %dma_wait3A_123 = tpu.memref_squeeze %dma_wait3A_122 : memref<1x1x8x128xf32, #tpu.memory_space<vmem>> -> memref<8x128xf32, #tpu.memory_space<vmem>>
    %dma_wait3A_124 = arith.constant 0 : i32
    %dma_wait3A_125 = arith.constant 0 : i32
    %dma_wait3A_126 = tpu.memref_slice %arg3[%dma_wait3A_124, %dma_wait3A_125] : memref<32x1000001xf32, #tpu.memory_space<hbm>> -> memref<8x128xf32, #tpu.memory_space<hbm>>
    %dma_wait3A_127 = arith.constant 0 : i32
    %dma_wait3A_128 = arith.constant 0 : i32
    %dma_wait3A_129 = tpu.memref_slice %arg6[%dma_wait3A_118, %dma_wait3A_119, %dma_wait3A_127, %dma_wait3A_128] : memref<2x32x8x128xf32, #tpu.memory_space<vmem>> -> memref<1x1x8x128xf32, #tpu.memory_space<vmem>>
    %dma_wait3A_130 = tpu.memref_squeeze %dma_wait3A_129 : memref<1x1x8x128xf32, #tpu.memory_space<vmem>> -> memref<8x128xf32, #tpu.memory_space<vmem>>
    %dma_wait3A_131 = arith.constant 0 : i32
    %dma_wait3A_132 = arith.constant 0 : i32
    %dma_wait3A_133 = tpu.memref_slice %arg3[%dma_wait3A_131, %dma_wait3A_132] : memref<32x1000001xf32, #tpu.memory_space<hbm>> -> memref<8x128xf32, #tpu.memory_space<hbm>>
    tpu.wait_dma2 semaphore(%arg8 : memref<!tpu.dma_semaphore, #tpu.memory_space<semaphore_mem>>) src(%dma_wait3A_133 : memref<8x128xf32, #tpu.memory_space<hbm>>) dst(%dma_wait3A_130 : memref<8x128xf32, #tpu.memory_space<vmem>>)
    %dma_wait3A_134 = arith.constant 1 : i32
    %dma_wait3A_135 = arith.constant 6 : i32
    %dma_wait3A_136 = arith.constant 0 : i32
    %dma_wait3A_137 = arith.constant 0 : i32
    %dma_wait3A_138 = tpu.memref_slice %arg6[%dma_wait3A_134, %dma_wait3A_135, %dma_wait3A_136, %dma_wait3A_137] : memref<2x32x8x128xf32, #tpu.memory_space<vmem>> -> memref<1x1x8x128xf32, #tpu.memory_space<vmem>>
    %dma_wait3A_139 = tpu.memref_squeeze %dma_wait3A_138 : memref<1x1x8x128xf32, #tpu.memory_space<vmem>> -> memref<8x128xf32, #tpu.memory_space<vmem>>
    %dma_wait3A_140 = arith.constant 0 : i32
    %dma_wait3A_141 = arith.constant 0 : i32
    %dma_wait3A_142 = tpu.memref_slice %arg3[%dma_wait3A_140, %dma_wait3A_141] : memref<32x1000001xf32, #tpu.memory_space<hbm>> -> memref<8x128xf32, #tpu.memory_space<hbm>>
    %dma_wait3A_143 = arith.constant 0 : i32
    %dma_wait3A_144 = arith.constant 0 : i32
    %dma_wait3A_145 = tpu.memref_slice %arg6[%dma_wait3A_134, %dma_wait3A_135, %dma_wait3A_143, %dma_wait3A_144] : memref<2x32x8x128xf32, #tpu.memory_space<vmem>> -> memref<1x1x8x128xf32, #tpu.memory_space<vmem>>
    %dma_wait3A_146 = tpu.memref_squeeze %dma_wait3A_145 : memref<1x1x8x128xf32, #tpu.memory_space<vmem>> -> memref<8x128xf32, #tpu.memory_space<vmem>>
    %dma_wait3A_147 = arith.constant 0 : i32
    %dma_wait3A_148 = arith.constant 0 : i32
    %dma_wait3A_149 = tpu.memref_slice %arg3[%dma_wait3A_147, %dma_wait3A_148] : memref<32x1000001xf32, #tpu.memory_space<hbm>> -> memref<8x128xf32, #tpu.memory_space<hbm>>
    tpu.wait_dma2 semaphore(%arg8 : memref<!tpu.dma_semaphore, #tpu.memory_space<semaphore_mem>>) src(%dma_wait3A_149 : memref<8x128xf32, #tpu.memory_space<hbm>>) dst(%dma_wait3A_146 : memref<8x128xf32, #tpu.memory_space<vmem>>)
    %dma_wait3A_150 = arith.constant 1 : i32
    %dma_wait3A_151 = arith.constant 7 : i32
    %dma_wait3A_152 = arith.constant 0 : i32
    %dma_wait3A_153 = arith.constant 0 : i32
    %dma_wait3A_154 = tpu.memref_slice %arg6[%dma_wait3A_150, %dma_wait3A_151, %dma_wait3A_152, %dma_wait3A_153] : memref<2x32x8x128xf32, #tpu.memory_space<vmem>> -> memref<1x1x8x128xf32, #tpu.memory_space<vmem>>
    %dma_wait3A_155 = tpu.memref_squeeze %dma_wait3A_154 : memref<1x1x8x128xf32, #tpu.memory_space<vmem>> -> memref<8x128xf32, #tpu.memory_space<vmem>>
    %dma_wait3A_156 = arith.constant 0 : i32
    %dma_wait3A_157 = arith.constant 0 : i32
    %dma_wait3A_158 = tpu.memref_slice %arg3[%dma_wait3A_156, %dma_wait3A_157] : memref<32x1000001xf32, #tpu.memory_space<hbm>> -> memref<8x128xf32, #tpu.memory_space<hbm>>
    %dma_wait3A_159 = arith.constant 0 : i32
    %dma_wait3A_160 = arith.constant 0 : i32
    %dma_wait3A_161 = tpu.memref_slice %arg6[%dma_wait3A_150, %dma_wait3A_151, %dma_wait3A_159, %dma_wait3A_160] : memref<2x32x8x128xf32, #tpu.memory_space<vmem>> -> memref<1x1x8x128xf32, #tpu.memory_space<vmem>>
    %dma_wait3A_162 = tpu.memref_squeeze %dma_wait3A_161 : memref<1x1x8x128xf32, #tpu.memory_space<vmem>> -> memref<8x128xf32, #tpu.memory_space<vmem>>
    %dma_wait3A_163 = arith.constant 0 : i32
    %dma_wait3A_164 = arith.constant 0 : i32
    %dma_wait3A_165 = tpu.memref_slice %arg3[%dma_wait3A_163, %dma_wait3A_164] : memref<32x1000001xf32, #tpu.memory_space<hbm>> -> memref<8x128xf32, #tpu.memory_space<hbm>>
    tpu.wait_dma2 semaphore(%arg8 : memref<!tpu.dma_semaphore, #tpu.memory_space<semaphore_mem>>) src(%dma_wait3A_165 : memref<8x128xf32, #tpu.memory_space<hbm>>) dst(%dma_wait3A_162 : memref<8x128xf32, #tpu.memory_space<vmem>>)
    %dma_wait3A_166 = arith.constant 1 : i32
    %dma_wait3A_167 = arith.constant 8 : i32
    %dma_wait3A_168 = arith.constant 0 : i32
    %dma_wait3A_169 = arith.constant 0 : i32
    %dma_wait3A_170 = tpu.memref_slice %arg6[%dma_wait3A_166, %dma_wait3A_167, %dma_wait3A_168, %dma_wait3A_169] : memref<2x32x8x128xf32, #tpu.memory_space<vmem>> -> memref<1x1x8x128xf32, #tpu.memory_space<vmem>>
    %dma_wait3A_171 = tpu.memref_squeeze %dma_wait3A_170 : memref<1x1x8x128xf32, #tpu.memory_space<vmem>> -> memref<8x128xf32, #tpu.memory_space<vmem>>
    %dma_wait3A_172 = arith.constant 0 : i32
    %dma_wait3A_173 = arith.constant 0 : i32
    %dma_wait3A_174 = tpu.memref_slice %arg3[%dma_wait3A_172, %dma_wait3A_173] : memref<32x1000001xf32, #tpu.memory_space<hbm>> -> memref<8x128xf32, #tpu.memory_space<hbm>>
    %dma_wait3A_175 = arith.constant 0 : i32
    %dma_wait3A_176 = arith.constant 0 : i32
    %dma_wait3A_177 = tpu.memref_slice %arg6[%dma_wait3A_166, %dma_wait3A_167, %dma_wait3A_175, %dma_wait3A_176] : memref<2x32x8x128xf32, #tpu.memory_space<vmem>> -> memref<1x1x8x128xf32, #tpu.memory_space<vmem>>
    %dma_wait3A_178 = tpu.memref_squeeze %dma_wait3A_177 : memref<1x1x8x128xf32, #tpu.memory_space<vmem>> -> memref<8x128xf32, #tpu.memory_space<vmem>>
    %dma_wait3A_179 = arith.constant 0 : i32
    %dma_wait3A_180 = arith.constant 0 : i32
    %dma_wait3A_181 = tpu.memref_slice %arg3[%dma_wait3A_179, %dma_wait3A_180] : memref<32x1000001xf32, #tpu.memory_space<hbm>> -> memref<8x128xf32, #tpu.memory_space<hbm>>
    tpu.wait_dma2 semaphore(%arg8 : memref<!tpu.dma_semaphore, #tpu.memory_space<semaphore_mem>>) src(%dma_wait3A_181 : memref<8x128xf32, #tpu.memory_space<hbm>>) dst(%dma_wait3A_178 : memref<8x128xf32, #tpu.memory_space<vmem>>)
    %dma_wait3A_182 = arith.constant 1 : i32
    %dma_wait3A_183 = arith.constant 9 : i32
    %dma_wait3A_184 = arith.constant 0 : i32
    %dma_wait3A_185 = arith.constant 0 : i32
    %dma_wait3A_186 = tpu.memref_slice %arg6[%dma_wait3A_182, %dma_wait3A_183, %dma_wait3A_184, %dma_wait3A_185] : memref<2x32x8x128xf32, #tpu.memory_space<vmem>> -> memref<1x1x8x128xf32, #tpu.memory_space<vmem>>
    %dma_wait3A_187 = tpu.memref_squeeze %dma_wait3A_186 : memref<1x1x8x128xf32, #tpu.memory_space<vmem>> -> memref<8x128xf32, #tpu.memory_space<vmem>>
    %dma_wait3A_188 = arith.constant 0 : i32
    %dma_wait3A_189 = arith.constant 0 : i32
    %dma_wait3A_190 = tpu.memref_slice %arg3[%dma_wait3A_188, %dma_wait3A_189] : memref<32x1000001xf32, #tpu.memory_space<hbm>> -> memref<8x128xf32, #tpu.memory_space<hbm>>
    %dma_wait3A_191 = arith.constant 0 : i32
    %dma_wait3A_192 = arith.constant 0 : i32
    %dma_wait3A_193 = tpu.memref_slice %arg6[%dma_wait3A_182, %dma_wait3A_183, %dma_wait3A_191, %dma_wait3A_192] : memref<2x32x8x128xf32, #tpu.memory_space<vmem>> -> memref<1x1x8x128xf32, #tpu.memory_space<vmem>>
    %dma_wait3A_194 = tpu.memref_squeeze %dma_wait3A_193 : memref<1x1x8x128xf32, #tpu.memory_space<vmem>> -> memref<8x128xf32, #tpu.memory_space<vmem>>
    %dma_wait3A_195 = arith.constant 0 : i32
    %dma_wait3A_196 = arith.constant 0 : i32
    %dma_wait3A_197 = tpu.memref_slice %arg3[%dma_wait3A_195, %dma_wait3A_196] : memref<32x1000001xf32, #tpu.memory_space<hbm>> -> memref<8x128xf32, #tpu.memory_space<hbm>>
    tpu.wait_dma2 semaphore(%arg8 : memref<!tpu.dma_semaphore, #tpu.memory_space<semaphore_mem>>) src(%dma_wait3A_197 : memref<8x128xf32, #tpu.memory_space<hbm>>) dst(%dma_wait3A_194 : memref<8x128xf32, #tpu.memory_space<vmem>>)
    %dma_wait3A_198 = arith.constant 1 : i32
    %dma_wait3A_199 = arith.constant 10 : i32
    %dma_wait3A_200 = arith.constant 0 : i32
    %dma_wait3A_201 = arith.constant 0 : i32
    %dma_wait3A_202 = tpu.memref_slice %arg6[%dma_wait3A_198, %dma_wait3A_199, %dma_wait3A_200, %dma_wait3A_201] : memref<2x32x8x128xf32, #tpu.memory_space<vmem>> -> memref<1x1x8x128xf32, #tpu.memory_space<vmem>>
    %dma_wait3A_203 = tpu.memref_squeeze %dma_wait3A_202 : memref<1x1x8x128xf32, #tpu.memory_space<vmem>> -> memref<8x128xf32, #tpu.memory_space<vmem>>
    %dma_wait3A_204 = arith.constant 0 : i32
    %dma_wait3A_205 = arith.constant 0 : i32
    %dma_wait3A_206 = tpu.memref_slice %arg3[%dma_wait3A_204, %dma_wait3A_205] : memref<32x1000001xf32, #tpu.memory_space<hbm>> -> memref<8x128xf32, #tpu.memory_space<hbm>>
    %dma_wait3A_207 = arith.constant 0 : i32
    %dma_wait3A_208 = arith.constant 0 : i32
    %dma_wait3A_209 = tpu.memref_slice %arg6[%dma_wait3A_198, %dma_wait3A_199, %dma_wait3A_207, %dma_wait3A_208] : memref<2x32x8x128xf32, #tpu.memory_space<vmem>> -> memref<1x1x8x128xf32, #tpu.memory_space<vmem>>
    %dma_wait3A_210 = tpu.memref_squeeze %dma_wait3A_209 : memref<1x1x8x128xf32, #tpu.memory_space<vmem>> -> memref<8x128xf32, #tpu.memory_space<vmem>>
    %dma_wait3A_211 = arith.constant 0 : i32
    %dma_wait3A_212 = arith.constant 0 : i32
    %dma_wait3A_213 = tpu.memref_slice %arg3[%dma_wait3A_211, %dma_wait3A_212] : memref<32x1000001xf32, #tpu.memory_space<hbm>> -> memref<8x128xf32, #tpu.memory_space<hbm>>
    tpu.wait_dma2 semaphore(%arg8 : memref<!tpu.dma_semaphore, #tpu.memory_space<semaphore_mem>>) src(%dma_wait3A_213 : memref<8x128xf32, #tpu.memory_space<hbm>>) dst(%dma_wait3A_210 : memref<8x128xf32, #tpu.memory_space<vmem>>)
    %dma_wait3A_214 = arith.constant 1 : i32
    %dma_wait3A_215 = arith.constant 11 : i32
    %dma_wait3A_216 = arith.constant 0 : i32
    %dma_wait3A_217 = arith.constant 0 : i32
    %dma_wait3A_218 = tpu.memref_slice %arg6[%dma_wait3A_214, %dma_wait3A_215, %dma_wait3A_216, %dma_wait3A_217] : memref<2x32x8x128xf32, #tpu.memory_space<vmem>> -> memref<1x1x8x128xf32, #tpu.memory_space<vmem>>
    %dma_wait3A_219 = tpu.memref_squeeze %dma_wait3A_218 : memref<1x1x8x128xf32, #tpu.memory_space<vmem>> -> memref<8x128xf32, #tpu.memory_space<vmem>>
    %dma_wait3A_220 = arith.constant 0 : i32
    %dma_wait3A_221 = arith.constant 0 : i32
    %dma_wait3A_222 = tpu.memref_slice %arg3[%dma_wait3A_220, %dma_wait3A_221] : memref<32x1000001xf32, #tpu.memory_space<hbm>> -> memref<8x128xf32, #tpu.memory_space<hbm>>
    %dma_wait3A_223 = arith.constant 0 : i32
    %dma_wait3A_224 = arith.constant 0 : i32
    %dma_wait3A_225 = tpu.memref_slice %arg6[%dma_wait3A_214, %dma_wait3A_215, %dma_wait3A_223, %dma_wait3A_224] : memref<2x32x8x128xf32, #tpu.memory_space<vmem>> -> memref<1x1x8x128xf32, #tpu.memory_space<vmem>>
    %dma_wait3A_226 = tpu.memref_squeeze %dma_wait3A_225 : memref<1x1x8x128xf32, #tpu.memory_space<vmem>> -> memref<8x128xf32, #tpu.memory_space<vmem>>
    %dma_wait3A_227 = arith.constant 0 : i32
    %dma_wait3A_228 = arith.constant 0 : i32
    %dma_wait3A_229 = tpu.memref_slice %arg3[%dma_wait3A_227, %dma_wait3A_228] : memref<32x1000001xf32, #tpu.memory_space<hbm>> -> memref<8x128xf32, #tpu.memory_space<hbm>>
    tpu.wait_dma2 semaphore(%arg8 : memref<!tpu.dma_semaphore, #tpu.memory_space<semaphore_mem>>) src(%dma_wait3A_229 : memref<8x128xf32, #tpu.memory_space<hbm>>) dst(%dma_wait3A_226 : memref<8x128xf32, #tpu.memory_space<vmem>>)
    %dma_wait3A_230 = arith.constant 1 : i32
    %dma_wait3A_231 = arith.constant 12 : i32
    %dma_wait3A_232 = arith.constant 0 : i32
    %dma_wait3A_233 = arith.constant 0 : i32
    %dma_wait3A_234 = tpu.memref_slice %arg6[%dma_wait3A_230, %dma_wait3A_231, %dma_wait3A_232, %dma_wait3A_233] : memref<2x32x8x128xf32, #tpu.memory_space<vmem>> -> memref<1x1x8x128xf32, #tpu.memory_space<vmem>>
    %dma_wait3A_235 = tpu.memref_squeeze %dma_wait3A_234 : memref<1x1x8x128xf32, #tpu.memory_space<vmem>> -> memref<8x128xf32, #tpu.memory_space<vmem>>
    %dma_wait3A_236 = arith.constant 0 : i32
    %dma_wait3A_237 = arith.constant 0 : i32
    %dma_wait3A_238 = tpu.memref_slice %arg3[%dma_wait3A_236, %dma_wait3A_237] : memref<32x1000001xf32, #tpu.memory_space<hbm>> -> memref<8x128xf32, #tpu.memory_space<hbm>>
    %dma_wait3A_239 = arith.constant 0 : i32
    %dma_wait3A_240 = arith.constant 0 : i32
    %dma_wait3A_241 = tpu.memref_slice %arg6[%dma_wait3A_230, %dma_wait3A_231, %dma_wait3A_239, %dma_wait3A_240] : memref<2x32x8x128xf32, #tpu.memory_space<vmem>> -> memref<1x1x8x128xf32, #tpu.memory_space<vmem>>
    %dma_wait3A_242 = tpu.memref_squeeze %dma_wait3A_241 : memref<1x1x8x128xf32, #tpu.memory_space<vmem>> -> memref<8x128xf32, #tpu.memory_space<vmem>>
    %dma_wait3A_243 = arith.constant 0 : i32
    %dma_wait3A_244 = arith.constant 0 : i32
    %dma_wait3A_245 = tpu.memref_slice %arg3[%dma_wait3A_243, %dma_wait3A_244] : memref<32x1000001xf32, #tpu.memory_space<hbm>> -> memref<8x128xf32, #tpu.memory_space<hbm>>
    tpu.wait_dma2 semaphore(%arg8 : memref<!tpu.dma_semaphore, #tpu.memory_space<semaphore_mem>>) src(%dma_wait3A_245 : memref<8x128xf32, #tpu.memory_space<hbm>>) dst(%dma_wait3A_242 : memref<8x128xf32, #tpu.memory_space<vmem>>)
    %dma_wait3A_246 = arith.constant 1 : i32
    %dma_wait3A_247 = arith.constant 13 : i32
    %dma_wait3A_248 = arith.constant 0 : i32
    %dma_wait3A_249 = arith.constant 0 : i32
    %dma_wait3A_250 = tpu.memref_slice %arg6[%dma_wait3A_246, %dma_wait3A_247, %dma_wait3A_248, %dma_wait3A_249] : memref<2x32x8x128xf32, #tpu.memory_space<vmem>> -> memref<1x1x8x128xf32, #tpu.memory_space<vmem>>
    %dma_wait3A_251 = tpu.memref_squeeze %dma_wait3A_250 : memref<1x1x8x128xf32, #tpu.memory_space<vmem>> -> memref<8x128xf32, #tpu.memory_space<vmem>>
    %dma_wait3A_252 = arith.constant 0 : i32
    %dma_wait3A_253 = arith.constant 0 : i32
    %dma_wait3A_254 = tpu.memref_slice %arg3[%dma_wait3A_252, %dma_wait3A_253] : memref<32x1000001xf32, #tpu.memory_space<hbm>> -> memref<8x128xf32, #tpu.memory_space<hbm>>
    %dma_wait3A_255 = arith.constant 0 : i32
    %dma_wait3A_256 = arith.constant 0 : i32
    %dma_wait3A_257 = tpu.memref_slice %arg6[%dma_wait3A_246, %dma_wait3A_247, %dma_wait3A_255, %dma_wait3A_256] : memref<2x32x8x128xf32, #tpu.memory_space<vmem>> -> memref<1x1x8x128xf32, #tpu.memory_space<vmem>>
    %dma_wait3A_258 = tpu.memref_squeeze %dma_wait3A_257 : memref<1x1x8x128xf32, #tpu.memory_space<vmem>> -> memref<8x128xf32, #tpu.memory_space<vmem>>
    %dma_wait3A_259 = arith.constant 0 : i32
    %dma_wait3A_260 = arith.constant 0 : i32
    %dma_wait3A_261 = tpu.memref_slice %arg3[%dma_wait3A_259, %dma_wait3A_260] : memref<32x1000001xf32, #tpu.memory_space<hbm>> -> memref<8x128xf32, #tpu.memory_space<hbm>>
    tpu.wait_dma2 semaphore(%arg8 : memref<!tpu.dma_semaphore, #tpu.memory_space<semaphore_mem>>) src(%dma_wait3A_261 : memref<8x128xf32, #tpu.memory_space<hbm>>) dst(%dma_wait3A_258 : memref<8x128xf32, #tpu.memory_space<vmem>>)
    %dma_wait3A_262 = arith.constant 1 : i32
    %dma_wait3A_263 = arith.constant 14 : i32
    %dma_wait3A_264 = arith.constant 0 : i32
    %dma_wait3A_265 = arith.constant 0 : i32
    %dma_wait3A_266 = tpu.memref_slice %arg6[%dma_wait3A_262, %dma_wait3A_263, %dma_wait3A_264, %dma_wait3A_265] : memref<2x32x8x128xf32, #tpu.memory_space<vmem>> -> memref<1x1x8x128xf32, #tpu.memory_space<vmem>>
    %dma_wait3A_267 = tpu.memref_squeeze %dma_wait3A_266 : memref<1x1x8x128xf32, #tpu.memory_space<vmem>> -> memref<8x128xf32, #tpu.memory_space<vmem>>
    %dma_wait3A_268 = arith.constant 0 : i32
    %dma_wait3A_269 = arith.constant 0 : i32
    %dma_wait3A_270 = tpu.memref_slice %arg3[%dma_wait3A_268, %dma_wait3A_269] : memref<32x1000001xf32, #tpu.memory_space<hbm>> -> memref<8x128xf32, #tpu.memory_space<hbm>>
    %dma_wait3A_271 = arith.constant 0 : i32
    %dma_wait3A_272 = arith.constant 0 : i32
    %dma_wait3A_273 = tpu.memref_slice %arg6[%dma_wait3A_262, %dma_wait3A_263, %dma_wait3A_271, %dma_wait3A_272] : memref<2x32x8x128xf32, #tpu.memory_space<vmem>> -> memref<1x1x8x128xf32, #tpu.memory_space<vmem>>
    %dma_wait3A_274 = tpu.memref_squeeze %dma_wait3A_273 : memref<1x1x8x128xf32, #tpu.memory_space<vmem>> -> memref<8x128xf32, #tpu.memory_space<vmem>>
    %dma_wait3A_275 = arith.constant 0 : i32
    %dma_wait3A_276 = arith.constant 0 : i32
    %dma_wait3A_277 = tpu.memref_slice %arg3[%dma_wait3A_275, %dma_wait3A_276] : memref<32x1000001xf32, #tpu.memory_space<hbm>> -> memref<8x128xf32, #tpu.memory_space<hbm>>
    tpu.wait_dma2 semaphore(%arg8 : memref<!tpu.dma_semaphore, #tpu.memory_space<semaphore_mem>>) src(%dma_wait3A_277 : memref<8x128xf32, #tpu.memory_space<hbm>>) dst(%dma_wait3A_274 : memref<8x128xf32, #tpu.memory_space<vmem>>)
    %dma_wait3A_278 = arith.constant 1 : i32
    %dma_wait3A_279 = arith.constant 15 : i32
    %dma_wait3A_280 = arith.constant 0 : i32
    %dma_wait3A_281 = arith.constant 0 : i32
    %dma_wait3A_282 = tpu.memref_slice %arg6[%dma_wait3A_278, %dma_wait3A_279, %dma_wait3A_280, %dma_wait3A_281] : memref<2x32x8x128xf32, #tpu.memory_space<vmem>> -> memref<1x1x8x128xf32, #tpu.memory_space<vmem>>
    %dma_wait3A_283 = tpu.memref_squeeze %dma_wait3A_282 : memref<1x1x8x128xf32, #tpu.memory_space<vmem>> -> memref<8x128xf32, #tpu.memory_space<vmem>>
    %dma_wait3A_284 = arith.constant 0 : i32
    %dma_wait3A_285 = arith.constant 0 : i32
    %dma_wait3A_286 = tpu.memref_slice %arg3[%dma_wait3A_284, %dma_wait3A_285] : memref<32x1000001xf32, #tpu.memory_space<hbm>> -> memref<8x128xf32, #tpu.memory_space<hbm>>
    %dma_wait3A_287 = arith.constant 0 : i32
    %dma_wait3A_288 = arith.constant 0 : i32
    %dma_wait3A_289 = tpu.memref_slice %arg6[%dma_wait3A_278, %dma_wait3A_279, %dma_wait3A_287, %dma_wait3A_288] : memref<2x32x8x128xf32, #tpu.memory_space<vmem>> -> memref<1x1x8x128xf32, #tpu.memory_space<vmem>>
    %dma_wait3A_290 = tpu.memref_squeeze %dma_wait3A_289 : memref<1x1x8x128xf32, #tpu.memory_space<vmem>> -> memref<8x128xf32, #tpu.memory_space<vmem>>
    %dma_wait3A_291 = arith.constant 0 : i32
    %dma_wait3A_292 = arith.constant 0 : i32
    %dma_wait3A_293 = tpu.memref_slice %arg3[%dma_wait3A_291, %dma_wait3A_292] : memref<32x1000001xf32, #tpu.memory_space<hbm>> -> memref<8x128xf32, #tpu.memory_space<hbm>>
    tpu.wait_dma2 semaphore(%arg8 : memref<!tpu.dma_semaphore, #tpu.memory_space<semaphore_mem>>) src(%dma_wait3A_293 : memref<8x128xf32, #tpu.memory_space<hbm>>) dst(%dma_wait3A_290 : memref<8x128xf32, #tpu.memory_space<vmem>>)
    %dma_wait3A_294 = arith.constant 1 : i32
    %dma_wait3A_295 = arith.constant 16 : i32
    %dma_wait3A_296 = arith.constant 0 : i32
    %dma_wait3A_297 = arith.constant 0 : i32
    %dma_wait3A_298 = tpu.memref_slice %arg6[%dma_wait3A_294, %dma_wait3A_295, %dma_wait3A_296, %dma_wait3A_297] : memref<2x32x8x128xf32, #tpu.memory_space<vmem>> -> memref<1x1x8x128xf32, #tpu.memory_space<vmem>>
    %dma_wait3A_299 = tpu.memref_squeeze %dma_wait3A_298 : memref<1x1x8x128xf32, #tpu.memory_space<vmem>> -> memref<8x128xf32, #tpu.memory_space<vmem>>
    %dma_wait3A_300 = arith.constant 0 : i32
    %dma_wait3A_301 = arith.constant 0 : i32
    %dma_wait3A_302 = tpu.memref_slice %arg3[%dma_wait3A_300, %dma_wait3A_301] : memref<32x1000001xf32, #tpu.memory_space<hbm>> -> memref<8x128xf32, #tpu.memory_space<hbm>>
    %dma_wait3A_303 = arith.constant 0 : i32
    %dma_wait3A_304 = arith.constant 0 : i32
    %dma_wait3A_305 = tpu.memref_slice %arg6[%dma_wait3A_294, %dma_wait3A_295, %dma_wait3A_303, %dma_wait3A_304] : memref<2x32x8x128xf32, #tpu.memory_space<vmem>> -> memref<1x1x8x128xf32, #tpu.memory_space<vmem>>
    %dma_wait3A_306 = tpu.memref_squeeze %dma_wait3A_305 : memref<1x1x8x128xf32, #tpu.memory_space<vmem>> -> memref<8x128xf32, #tpu.memory_space<vmem>>
    %dma_wait3A_307 = arith.constant 0 : i32
    %dma_wait3A_308 = arith.constant 0 : i32
    %dma_wait3A_309 = tpu.memref_slice %arg3[%dma_wait3A_307, %dma_wait3A_308] : memref<32x1000001xf32, #tpu.memory_space<hbm>> -> memref<8x128xf32, #tpu.memory_space<hbm>>
    tpu.wait_dma2 semaphore(%arg8 : memref<!tpu.dma_semaphore, #tpu.memory_space<semaphore_mem>>) src(%dma_wait3A_309 : memref<8x128xf32, #tpu.memory_space<hbm>>) dst(%dma_wait3A_306 : memref<8x128xf32, #tpu.memory_space<vmem>>)
    %dma_wait3A_310 = arith.constant 1 : i32
    %dma_wait3A_311 = arith.constant 17 : i32
    %dma_wait3A_312 = arith.constant 0 : i32
    %dma_wait3A_313 = arith.constant 0 : i32
    %dma_wait3A_314 = tpu.memref_slice %arg6[%dma_wait3A_310, %dma_wait3A_311, %dma_wait3A_312, %dma_wait3A_313] : memref<2x32x8x128xf32, #tpu.memory_space<vmem>> -> memref<1x1x8x128xf32, #tpu.memory_space<vmem>>
    %dma_wait3A_315 = tpu.memref_squeeze %dma_wait3A_314 : memref<1x1x8x128xf32, #tpu.memory_space<vmem>> -> memref<8x128xf32, #tpu.memory_space<vmem>>
    %dma_wait3A_316 = arith.constant 0 : i32
    %dma_wait3A_317 = arith.constant 0 : i32
    %dma_wait3A_318 = tpu.memref_slice %arg3[%dma_wait3A_316, %dma_wait3A_317] : memref<32x1000001xf32, #tpu.memory_space<hbm>> -> memref<8x128xf32, #tpu.memory_space<hbm>>
    %dma_wait3A_319 = arith.constant 0 : i32
    %dma_wait3A_320 = arith.constant 0 : i32
    %dma_wait3A_321 = tpu.memref_slice %arg6[%dma_wait3A_310, %dma_wait3A_311, %dma_wait3A_319, %dma_wait3A_320] : memref<2x32x8x128xf32, #tpu.memory_space<vmem>> -> memref<1x1x8x128xf32, #tpu.memory_space<vmem>>
    %dma_wait3A_322 = tpu.memref_squeeze %dma_wait3A_321 : memref<1x1x8x128xf32, #tpu.memory_space<vmem>> -> memref<8x128xf32, #tpu.memory_space<vmem>>
    %dma_wait3A_323 = arith.constant 0 : i32
    %dma_wait3A_324 = arith.constant 0 : i32
    %dma_wait3A_325 = tpu.memref_slice %arg3[%dma_wait3A_323, %dma_wait3A_324] : memref<32x1000001xf32, #tpu.memory_space<hbm>> -> memref<8x128xf32, #tpu.memory_space<hbm>>
    tpu.wait_dma2 semaphore(%arg8 : memref<!tpu.dma_semaphore, #tpu.memory_space<semaphore_mem>>) src(%dma_wait3A_325 : memref<8x128xf32, #tpu.memory_space<hbm>>) dst(%dma_wait3A_322 : memref<8x128xf32, #tpu.memory_space<vmem>>)
    %dma_wait3A_326 = arith.constant 1 : i32
    %dma_wait3A_327 = arith.constant 18 : i32
    %dma_wait3A_328 = arith.constant 0 : i32
    %dma_wait3A_329 = arith.constant 0 : i32
    %dma_wait3A_330 = tpu.memref_slice %arg6[%dma_wait3A_326, %dma_wait3A_327, %dma_wait3A_328, %dma_wait3A_329] : memref<2x32x8x128xf32, #tpu.memory_space<vmem>> -> memref<1x1x8x128xf32, #tpu.memory_space<vmem>>
    %dma_wait3A_331 = tpu.memref_squeeze %dma_wait3A_330 : memref<1x1x8x128xf32, #tpu.memory_space<vmem>> -> memref<8x128xf32, #tpu.memory_space<vmem>>
    %dma_wait3A_332 = arith.constant 0 : i32
    %dma_wait3A_333 = arith.constant 0 : i32
    %dma_wait3A_334 = tpu.memref_slice %arg3[%dma_wait3A_332, %dma_wait3A_333] : memref<32x1000001xf32, #tpu.memory_space<hbm>> -> memref<8x128xf32, #tpu.memory_space<hbm>>
    %dma_wait3A_335 = arith.constant 0 : i32
    %dma_wait3A_336 = arith.constant 0 : i32
    %dma_wait3A_337 = tpu.memref_slice %arg6[%dma_wait3A_326, %dma_wait3A_327, %dma_wait3A_335, %dma_wait3A_336] : memref<2x32x8x128xf32, #tpu.memory_space<vmem>> -> memref<1x1x8x128xf32, #tpu.memory_space<vmem>>
    %dma_wait3A_338 = tpu.memref_squeeze %dma_wait3A_337 : memref<1x1x8x128xf32, #tpu.memory_space<vmem>> -> memref<8x128xf32, #tpu.memory_space<vmem>>
    %dma_wait3A_339 = arith.constant 0 : i32
    %dma_wait3A_340 = arith.constant 0 : i32
    %dma_wait3A_341 = tpu.memref_slice %arg3[%dma_wait3A_339, %dma_wait3A_340] : memref<32x1000001xf32, #tpu.memory_space<hbm>> -> memref<8x128xf32, #tpu.memory_space<hbm>>
    tpu.wait_dma2 semaphore(%arg8 : memref<!tpu.dma_semaphore, #tpu.memory_space<semaphore_mem>>) src(%dma_wait3A_341 : memref<8x128xf32, #tpu.memory_space<hbm>>) dst(%dma_wait3A_338 : memref<8x128xf32, #tpu.memory_space<vmem>>)
    %dma_wait3A_342 = arith.constant 1 : i32
    %dma_wait3A_343 = arith.constant 19 : i32
    %dma_wait3A_344 = arith.constant 0 : i32
    %dma_wait3A_345 = arith.constant 0 : i32
    %dma_wait3A_346 = tpu.memref_slice %arg6[%dma_wait3A_342, %dma_wait3A_343, %dma_wait3A_344, %dma_wait3A_345] : memref<2x32x8x128xf32, #tpu.memory_space<vmem>> -> memref<1x1x8x128xf32, #tpu.memory_space<vmem>>
    %dma_wait3A_347 = tpu.memref_squeeze %dma_wait3A_346 : memref<1x1x8x128xf32, #tpu.memory_space<vmem>> -> memref<8x128xf32, #tpu.memory_space<vmem>>
    %dma_wait3A_348 = arith.constant 0 : i32
    %dma_wait3A_349 = arith.constant 0 : i32
    %dma_wait3A_350 = tpu.memref_slice %arg3[%dma_wait3A_348, %dma_wait3A_349] : memref<32x1000001xf32, #tpu.memory_space<hbm>> -> memref<8x128xf32, #tpu.memory_space<hbm>>
    %dma_wait3A_351 = arith.constant 0 : i32
    %dma_wait3A_352 = arith.constant 0 : i32
    %dma_wait3A_353 = tpu.memref_slice %arg6[%dma_wait3A_342, %dma_wait3A_343, %dma_wait3A_351, %dma_wait3A_352] : memref<2x32x8x128xf32, #tpu.memory_space<vmem>> -> memref<1x1x8x128xf32, #tpu.memory_space<vmem>>
    %dma_wait3A_354 = tpu.memref_squeeze %dma_wait3A_353 : memref<1x1x8x128xf32, #tpu.memory_space<vmem>> -> memref<8x128xf32, #tpu.memory_space<vmem>>
    %dma_wait3A_355 = arith.constant 0 : i32
    %dma_wait3A_356 = arith.constant 0 : i32
    %dma_wait3A_357 = tpu.memref_slice %arg3[%dma_wait3A_355, %dma_wait3A_356] : memref<32x1000001xf32, #tpu.memory_space<hbm>> -> memref<8x128xf32, #tpu.memory_space<hbm>>
    tpu.wait_dma2 semaphore(%arg8 : memref<!tpu.dma_semaphore, #tpu.memory_space<semaphore_mem>>) src(%dma_wait3A_357 : memref<8x128xf32, #tpu.memory_space<hbm>>) dst(%dma_wait3A_354 : memref<8x128xf32, #tpu.memory_space<vmem>>)
    %dma_wait3A_358 = arith.constant 1 : i32
    %dma_wait3A_359 = arith.constant 20 : i32
    %dma_wait3A_360 = arith.constant 0 : i32
    %dma_wait3A_361 = arith.constant 0 : i32
    %dma_wait3A_362 = tpu.memref_slice %arg6[%dma_wait3A_358, %dma_wait3A_359, %dma_wait3A_360, %dma_wait3A_361] : memref<2x32x8x128xf32, #tpu.memory_space<vmem>> -> memref<1x1x8x128xf32, #tpu.memory_space<vmem>>
    %dma_wait3A_363 = tpu.memref_squeeze %dma_wait3A_362 : memref<1x1x8x128xf32, #tpu.memory_space<vmem>> -> memref<8x128xf32, #tpu.memory_space<vmem>>
    %dma_wait3A_364 = arith.constant 0 : i32
    %dma_wait3A_365 = arith.constant 0 : i32
    %dma_wait3A_366 = tpu.memref_slice %arg3[%dma_wait3A_364, %dma_wait3A_365] : memref<32x1000001xf32, #tpu.memory_space<hbm>> -> memref<8x128xf32, #tpu.memory_space<hbm>>
    %dma_wait3A_367 = arith.constant 0 : i32
    %dma_wait3A_368 = arith.constant 0 : i32
    %dma_wait3A_369 = tpu.memref_slice %arg6[%dma_wait3A_358, %dma_wait3A_359, %dma_wait3A_367, %dma_wait3A_368] : memref<2x32x8x128xf32, #tpu.memory_space<vmem>> -> memref<1x1x8x128xf32, #tpu.memory_space<vmem>>
    %dma_wait3A_370 = tpu.memref_squeeze %dma_wait3A_369 : memref<1x1x8x128xf32, #tpu.memory_space<vmem>> -> memref<8x128xf32, #tpu.memory_space<vmem>>
    %dma_wait3A_371 = arith.constant 0 : i32
    %dma_wait3A_372 = arith.constant 0 : i32
    %dma_wait3A_373 = tpu.memref_slice %arg3[%dma_wait3A_371, %dma_wait3A_372] : memref<32x1000001xf32, #tpu.memory_space<hbm>> -> memref<8x128xf32, #tpu.memory_space<hbm>>
    tpu.wait_dma2 semaphore(%arg8 : memref<!tpu.dma_semaphore, #tpu.memory_space<semaphore_mem>>) src(%dma_wait3A_373 : memref<8x128xf32, #tpu.memory_space<hbm>>) dst(%dma_wait3A_370 : memref<8x128xf32, #tpu.memory_space<vmem>>)
    %dma_wait3A_374 = arith.constant 1 : i32
    %dma_wait3A_375 = arith.constant 21 : i32
    %dma_wait3A_376 = arith.constant 0 : i32
    %dma_wait3A_377 = arith.constant 0 : i32
    %dma_wait3A_378 = tpu.memref_slice %arg6[%dma_wait3A_374, %dma_wait3A_375, %dma_wait3A_376, %dma_wait3A_377] : memref<2x32x8x128xf32, #tpu.memory_space<vmem>> -> memref<1x1x8x128xf32, #tpu.memory_space<vmem>>
    %dma_wait3A_379 = tpu.memref_squeeze %dma_wait3A_378 : memref<1x1x8x128xf32, #tpu.memory_space<vmem>> -> memref<8x128xf32, #tpu.memory_space<vmem>>
    %dma_wait3A_380 = arith.constant 0 : i32
    %dma_wait3A_381 = arith.constant 0 : i32
    %dma_wait3A_382 = tpu.memref_slice %arg3[%dma_wait3A_380, %dma_wait3A_381] : memref<32x1000001xf32, #tpu.memory_space<hbm>> -> memref<8x128xf32, #tpu.memory_space<hbm>>
    %dma_wait3A_383 = arith.constant 0 : i32
    %dma_wait3A_384 = arith.constant 0 : i32
    %dma_wait3A_385 = tpu.memref_slice %arg6[%dma_wait3A_374, %dma_wait3A_375, %dma_wait3A_383, %dma_wait3A_384] : memref<2x32x8x128xf32, #tpu.memory_space<vmem>> -> memref<1x1x8x128xf32, #tpu.memory_space<vmem>>
    %dma_wait3A_386 = tpu.memref_squeeze %dma_wait3A_385 : memref<1x1x8x128xf32, #tpu.memory_space<vmem>> -> memref<8x128xf32, #tpu.memory_space<vmem>>
    %dma_wait3A_387 = arith.constant 0 : i32
    %dma_wait3A_388 = arith.constant 0 : i32
    %dma_wait3A_389 = tpu.memref_slice %arg3[%dma_wait3A_387, %dma_wait3A_388] : memref<32x1000001xf32, #tpu.memory_space<hbm>> -> memref<8x128xf32, #tpu.memory_space<hbm>>
    tpu.wait_dma2 semaphore(%arg8 : memref<!tpu.dma_semaphore, #tpu.memory_space<semaphore_mem>>) src(%dma_wait3A_389 : memref<8x128xf32, #tpu.memory_space<hbm>>) dst(%dma_wait3A_386 : memref<8x128xf32, #tpu.memory_space<vmem>>)
    %dma_wait3A_390 = arith.constant 1 : i32
    %dma_wait3A_391 = arith.constant 22 : i32
    %dma_wait3A_392 = arith.constant 0 : i32
    %dma_wait3A_393 = arith.constant 0 : i32
    %dma_wait3A_394 = tpu.memref_slice %arg6[%dma_wait3A_390, %dma_wait3A_391, %dma_wait3A_392, %dma_wait3A_393] : memref<2x32x8x128xf32, #tpu.memory_space<vmem>> -> memref<1x1x8x128xf32, #tpu.memory_space<vmem>>
    %dma_wait3A_395 = tpu.memref_squeeze %dma_wait3A_394 : memref<1x1x8x128xf32, #tpu.memory_space<vmem>> -> memref<8x128xf32, #tpu.memory_space<vmem>>
    %dma_wait3A_396 = arith.constant 0 : i32
    %dma_wait3A_397 = arith.constant 0 : i32
    %dma_wait3A_398 = tpu.memref_slice %arg3[%dma_wait3A_396, %dma_wait3A_397] : memref<32x1000001xf32, #tpu.memory_space<hbm>> -> memref<8x128xf32, #tpu.memory_space<hbm>>
    %dma_wait3A_399 = arith.constant 0 : i32
    %dma_wait3A_400 = arith.constant 0 : i32
    %dma_wait3A_401 = tpu.memref_slice %arg6[%dma_wait3A_390, %dma_wait3A_391, %dma_wait3A_399, %dma_wait3A_400] : memref<2x32x8x128xf32, #tpu.memory_space<vmem>> -> memref<1x1x8x128xf32, #tpu.memory_space<vmem>>
    %dma_wait3A_402 = tpu.memref_squeeze %dma_wait3A_401 : memref<1x1x8x128xf32, #tpu.memory_space<vmem>> -> memref<8x128xf32, #tpu.memory_space<vmem>>
    %dma_wait3A_403 = arith.constant 0 : i32
    %dma_wait3A_404 = arith.constant 0 : i32
    %dma_wait3A_405 = tpu.memref_slice %arg3[%dma_wait3A_403, %dma_wait3A_404] : memref<32x1000001xf32, #tpu.memory_space<hbm>> -> memref<8x128xf32, #tpu.memory_space<hbm>>
    tpu.wait_dma2 semaphore(%arg8 : memref<!tpu.dma_semaphore, #tpu.memory_space<semaphore_mem>>) src(%dma_wait3A_405 : memref<8x128xf32, #tpu.memory_space<hbm>>) dst(%dma_wait3A_402 : memref<8x128xf32, #tpu.memory_space<vmem>>)
    %dma_wait3A_406 = arith.constant 1 : i32
    %dma_wait3A_407 = arith.constant 23 : i32
    %dma_wait3A_408 = arith.constant 0 : i32
    %dma_wait3A_409 = arith.constant 0 : i32
    %dma_wait3A_410 = tpu.memref_slice %arg6[%dma_wait3A_406, %dma_wait3A_407, %dma_wait3A_408, %dma_wait3A_409] : memref<2x32x8x128xf32, #tpu.memory_space<vmem>> -> memref<1x1x8x128xf32, #tpu.memory_space<vmem>>
    %dma_wait3A_411 = tpu.memref_squeeze %dma_wait3A_410 : memref<1x1x8x128xf32, #tpu.memory_space<vmem>> -> memref<8x128xf32, #tpu.memory_space<vmem>>
    %dma_wait3A_412 = arith.constant 0 : i32
    %dma_wait3A_413 = arith.constant 0 : i32
    %dma_wait3A_414 = tpu.memref_slice %arg3[%dma_wait3A_412, %dma_wait3A_413] : memref<32x1000001xf32, #tpu.memory_space<hbm>> -> memref<8x128xf32, #tpu.memory_space<hbm>>
    %dma_wait3A_415 = arith.constant 0 : i32
    %dma_wait3A_416 = arith.constant 0 : i32
    %dma_wait3A_417 = tpu.memref_slice %arg6[%dma_wait3A_406, %dma_wait3A_407, %dma_wait3A_415, %dma_wait3A_416] : memref<2x32x8x128xf32, #tpu.memory_space<vmem>> -> memref<1x1x8x128xf32, #tpu.memory_space<vmem>>
    %dma_wait3A_418 = tpu.memref_squeeze %dma_wait3A_417 : memref<1x1x8x128xf32, #tpu.memory_space<vmem>> -> memref<8x128xf32, #tpu.memory_space<vmem>>
    %dma_wait3A_419 = arith.constant 0 : i32
    %dma_wait3A_420 = arith.constant 0 : i32
    %dma_wait3A_421 = tpu.memref_slice %arg3[%dma_wait3A_419, %dma_wait3A_420] : memref<32x1000001xf32, #tpu.memory_space<hbm>> -> memref<8x128xf32, #tpu.memory_space<hbm>>
    tpu.wait_dma2 semaphore(%arg8 : memref<!tpu.dma_semaphore, #tpu.memory_space<semaphore_mem>>) src(%dma_wait3A_421 : memref<8x128xf32, #tpu.memory_space<hbm>>) dst(%dma_wait3A_418 : memref<8x128xf32, #tpu.memory_space<vmem>>)
    %dma_wait3A_422 = arith.constant 1 : i32
    %dma_wait3A_423 = arith.constant 24 : i32
    %dma_wait3A_424 = arith.constant 0 : i32
    %dma_wait3A_425 = arith.constant 0 : i32
    %dma_wait3A_426 = tpu.memref_slice %arg6[%dma_wait3A_422, %dma_wait3A_423, %dma_wait3A_424, %dma_wait3A_425] : memref<2x32x8x128xf32, #tpu.memory_space<vmem>> -> memref<1x1x8x128xf32, #tpu.memory_space<vmem>>
    %dma_wait3A_427 = tpu.memref_squeeze %dma_wait3A_426 : memref<1x1x8x128xf32, #tpu.memory_space<vmem>> -> memref<8x128xf32, #tpu.memory_space<vmem>>
    %dma_wait3A_428 = arith.constant 0 : i32
    %dma_wait3A_429 = arith.constant 0 : i32
    %dma_wait3A_430 = tpu.memref_slice %arg3[%dma_wait3A_428, %dma_wait3A_429] : memref<32x1000001xf32, #tpu.memory_space<hbm>> -> memref<8x128xf32, #tpu.memory_space<hbm>>
    %dma_wait3A_431 = arith.constant 0 : i32
    %dma_wait3A_432 = arith.constant 0 : i32
    %dma_wait3A_433 = tpu.memref_slice %arg6[%dma_wait3A_422, %dma_wait3A_423, %dma_wait3A_431, %dma_wait3A_432] : memref<2x32x8x128xf32, #tpu.memory_space<vmem>> -> memref<1x1x8x128xf32, #tpu.memory_space<vmem>>
    %dma_wait3A_434 = tpu.memref_squeeze %dma_wait3A_433 : memref<1x1x8x128xf32, #tpu.memory_space<vmem>> -> memref<8x128xf32, #tpu.memory_space<vmem>>
    %dma_wait3A_435 = arith.constant 0 : i32
    %dma_wait3A_436 = arith.constant 0 : i32
    %dma_wait3A_437 = tpu.memref_slice %arg3[%dma_wait3A_435, %dma_wait3A_436] : memref<32x1000001xf32, #tpu.memory_space<hbm>> -> memref<8x128xf32, #tpu.memory_space<hbm>>
    tpu.wait_dma2 semaphore(%arg8 : memref<!tpu.dma_semaphore, #tpu.memory_space<semaphore_mem>>) src(%dma_wait3A_437 : memref<8x128xf32, #tpu.memory_space<hbm>>) dst(%dma_wait3A_434 : memref<8x128xf32, #tpu.memory_space<vmem>>)
    %dma_wait3A_438 = arith.constant 1 : i32
    %dma_wait3A_439 = arith.constant 25 : i32
    %dma_wait3A_440 = arith.constant 0 : i32
    %dma_wait3A_441 = arith.constant 0 : i32
    %dma_wait3A_442 = tpu.memref_slice %arg6[%dma_wait3A_438, %dma_wait3A_439, %dma_wait3A_440, %dma_wait3A_441] : memref<2x32x8x128xf32, #tpu.memory_space<vmem>> -> memref<1x1x8x128xf32, #tpu.memory_space<vmem>>
    %dma_wait3A_443 = tpu.memref_squeeze %dma_wait3A_442 : memref<1x1x8x128xf32, #tpu.memory_space<vmem>> -> memref<8x128xf32, #tpu.memory_space<vmem>>
    %dma_wait3A_444 = arith.constant 0 : i32
    %dma_wait3A_445 = arith.constant 0 : i32
    %dma_wait3A_446 = tpu.memref_slice %arg3[%dma_wait3A_444, %dma_wait3A_445] : memref<32x1000001xf32, #tpu.memory_space<hbm>> -> memref<8x128xf32, #tpu.memory_space<hbm>>
    %dma_wait3A_447 = arith.constant 0 : i32
    %dma_wait3A_448 = arith.constant 0 : i32
    %dma_wait3A_449 = tpu.memref_slice %arg6[%dma_wait3A_438, %dma_wait3A_439, %dma_wait3A_447, %dma_wait3A_448] : memref<2x32x8x128xf32, #tpu.memory_space<vmem>> -> memref<1x1x8x128xf32, #tpu.memory_space<vmem>>
    %dma_wait3A_450 = tpu.memref_squeeze %dma_wait3A_449 : memref<1x1x8x128xf32, #tpu.memory_space<vmem>> -> memref<8x128xf32, #tpu.memory_space<vmem>>
    %dma_wait3A_451 = arith.constant 0 : i32
    %dma_wait3A_452 = arith.constant 0 : i32
    %dma_wait3A_453 = tpu.memref_slice %arg3[%dma_wait3A_451, %dma_wait3A_452] : memref<32x1000001xf32, #tpu.memory_space<hbm>> -> memref<8x128xf32, #tpu.memory_space<hbm>>
    tpu.wait_dma2 semaphore(%arg8 : memref<!tpu.dma_semaphore, #tpu.memory_space<semaphore_mem>>) src(%dma_wait3A_453 : memref<8x128xf32, #tpu.memory_space<hbm>>) dst(%dma_wait3A_450 : memref<8x128xf32, #tpu.memory_space<vmem>>)
    %dma_wait3A_454 = arith.constant 1 : i32
    %dma_wait3A_455 = arith.constant 26 : i32
    %dma_wait3A_456 = arith.constant 0 : i32
    %dma_wait3A_457 = arith.constant 0 : i32
    %dma_wait3A_458 = tpu.memref_slice %arg6[%dma_wait3A_454, %dma_wait3A_455, %dma_wait3A_456, %dma_wait3A_457] : memref<2x32x8x128xf32, #tpu.memory_space<vmem>> -> memref<1x1x8x128xf32, #tpu.memory_space<vmem>>
    %dma_wait3A_459 = tpu.memref_squeeze %dma_wait3A_458 : memref<1x1x8x128xf32, #tpu.memory_space<vmem>> -> memref<8x128xf32, #tpu.memory_space<vmem>>
    %dma_wait3A_460 = arith.constant 0 : i32
    %dma_wait3A_461 = arith.constant 0 : i32
    %dma_wait3A_462 = tpu.memref_slice %arg3[%dma_wait3A_460, %dma_wait3A_461] : memref<32x1000001xf32, #tpu.memory_space<hbm>> -> memref<8x128xf32, #tpu.memory_space<hbm>>
    %dma_wait3A_463 = arith.constant 0 : i32
    %dma_wait3A_464 = arith.constant 0 : i32
    %dma_wait3A_465 = tpu.memref_slice %arg6[%dma_wait3A_454, %dma_wait3A_455, %dma_wait3A_463, %dma_wait3A_464] : memref<2x32x8x128xf32, #tpu.memory_space<vmem>> -> memref<1x1x8x128xf32, #tpu.memory_space<vmem>>
    %dma_wait3A_466 = tpu.memref_squeeze %dma_wait3A_465 : memref<1x1x8x128xf32, #tpu.memory_space<vmem>> -> memref<8x128xf32, #tpu.memory_space<vmem>>
    %dma_wait3A_467 = arith.constant 0 : i32
    %dma_wait3A_468 = arith.constant 0 : i32
    %dma_wait3A_469 = tpu.memref_slice %arg3[%dma_wait3A_467, %dma_wait3A_468] : memref<32x1000001xf32, #tpu.memory_space<hbm>> -> memref<8x128xf32, #tpu.memory_space<hbm>>
    tpu.wait_dma2 semaphore(%arg8 : memref<!tpu.dma_semaphore, #tpu.memory_space<semaphore_mem>>) src(%dma_wait3A_469 : memref<8x128xf32, #tpu.memory_space<hbm>>) dst(%dma_wait3A_466 : memref<8x128xf32, #tpu.memory_space<vmem>>)
    %dma_wait3A_470 = arith.constant 1 : i32
    %dma_wait3A_471 = arith.constant 27 : i32
    %dma_wait3A_472 = arith.constant 0 : i32
    %dma_wait3A_473 = arith.constant 0 : i32
    %dma_wait3A_474 = tpu.memref_slice %arg6[%dma_wait3A_470, %dma_wait3A_471, %dma_wait3A_472, %dma_wait3A_473] : memref<2x32x8x128xf32, #tpu.memory_space<vmem>> -> memref<1x1x8x128xf32, #tpu.memory_space<vmem>>
    %dma_wait3A_475 = tpu.memref_squeeze %dma_wait3A_474 : memref<1x1x8x128xf32, #tpu.memory_space<vmem>> -> memref<8x128xf32, #tpu.memory_space<vmem>>
    %dma_wait3A_476 = arith.constant 0 : i32
    %dma_wait3A_477 = arith.constant 0 : i32
    %dma_wait3A_478 = tpu.memref_slice %arg3[%dma_wait3A_476, %dma_wait3A_477] : memref<32x1000001xf32, #tpu.memory_space<hbm>> -> memref<8x128xf32, #tpu.memory_space<hbm>>
    %dma_wait3A_479 = arith.constant 0 : i32
    %dma_wait3A_480 = arith.constant 0 : i32
    %dma_wait3A_481 = tpu.memref_slice %arg6[%dma_wait3A_470, %dma_wait3A_471, %dma_wait3A_479, %dma_wait3A_480] : memref<2x32x8x128xf32, #tpu.memory_space<vmem>> -> memref<1x1x8x128xf32, #tpu.memory_space<vmem>>
    %dma_wait3A_482 = tpu.memref_squeeze %dma_wait3A_481 : memref<1x1x8x128xf32, #tpu.memory_space<vmem>> -> memref<8x128xf32, #tpu.memory_space<vmem>>
    %dma_wait3A_483 = arith.constant 0 : i32
    %dma_wait3A_484 = arith.constant 0 : i32
    %dma_wait3A_485 = tpu.memref_slice %arg3[%dma_wait3A_483, %dma_wait3A_484] : memref<32x1000001xf32, #tpu.memory_space<hbm>> -> memref<8x128xf32, #tpu.memory_space<hbm>>
    tpu.wait_dma2 semaphore(%arg8 : memref<!tpu.dma_semaphore, #tpu.memory_space<semaphore_mem>>) src(%dma_wait3A_485 : memref<8x128xf32, #tpu.memory_space<hbm>>) dst(%dma_wait3A_482 : memref<8x128xf32, #tpu.memory_space<vmem>>)
    %dma_wait3A_486 = arith.constant 1 : i32
    %dma_wait3A_487 = arith.constant 28 : i32
    %dma_wait3A_488 = arith.constant 0 : i32
    %dma_wait3A_489 = arith.constant 0 : i32
    %dma_wait3A_490 = tpu.memref_slice %arg6[%dma_wait3A_486, %dma_wait3A_487, %dma_wait3A_488, %dma_wait3A_489] : memref<2x32x8x128xf32, #tpu.memory_space<vmem>> -> memref<1x1x8x128xf32, #tpu.memory_space<vmem>>
    %dma_wait3A_491 = tpu.memref_squeeze %dma_wait3A_490 : memref<1x1x8x128xf32, #tpu.memory_space<vmem>> -> memref<8x128xf32, #tpu.memory_space<vmem>>
    %dma_wait3A_492 = arith.constant 0 : i32
    %dma_wait3A_493 = arith.constant 0 : i32
    %dma_wait3A_494 = tpu.memref_slice %arg3[%dma_wait3A_492, %dma_wait3A_493] : memref<32x1000001xf32, #tpu.memory_space<hbm>> -> memref<8x128xf32, #tpu.memory_space<hbm>>
    %dma_wait3A_495 = arith.constant 0 : i32
    %dma_wait3A_496 = arith.constant 0 : i32
    %dma_wait3A_497 = tpu.memref_slice %arg6[%dma_wait3A_486, %dma_wait3A_487, %dma_wait3A_495, %dma_wait3A_496] : memref<2x32x8x128xf32, #tpu.memory_space<vmem>> -> memref<1x1x8x128xf32, #tpu.memory_space<vmem>>
    %dma_wait3A_498 = tpu.memref_squeeze %dma_wait3A_497 : memref<1x1x8x128xf32, #tpu.memory_space<vmem>> -> memref<8x128xf32, #tpu.memory_space<vmem>>
    %dma_wait3A_499 = arith.constant 0 : i32
    %dma_wait3A_500 = arith.constant 0 : i32
    %dma_wait3A_501 = tpu.memref_slice %arg3[%dma_wait3A_499, %dma_wait3A_500] : memref<32x1000001xf32, #tpu.memory_space<hbm>> -> memref<8x128xf32, #tpu.memory_space<hbm>>
    tpu.wait_dma2 semaphore(%arg8 : memref<!tpu.dma_semaphore, #tpu.memory_space<semaphore_mem>>) src(%dma_wait3A_501 : memref<8x128xf32, #tpu.memory_space<hbm>>) dst(%dma_wait3A_498 : memref<8x128xf32, #tpu.memory_space<vmem>>)
    %dma_wait3A_502 = arith.constant 1 : i32
    %dma_wait3A_503 = arith.constant 29 : i32
    %dma_wait3A_504 = arith.constant 0 : i32
    %dma_wait3A_505 = arith.constant 0 : i32
    %dma_wait3A_506 = tpu.memref_slice %arg6[%dma_wait3A_502, %dma_wait3A_503, %dma_wait3A_504, %dma_wait3A_505] : memref<2x32x8x128xf32, #tpu.memory_space<vmem>> -> memref<1x1x8x128xf32, #tpu.memory_space<vmem>>
    %dma_wait3A_507 = tpu.memref_squeeze %dma_wait3A_506 : memref<1x1x8x128xf32, #tpu.memory_space<vmem>> -> memref<8x128xf32, #tpu.memory_space<vmem>>
    %dma_wait3A_508 = arith.constant 0 : i32
    %dma_wait3A_509 = arith.constant 0 : i32
    %dma_wait3A_510 = tpu.memref_slice %arg3[%dma_wait3A_508, %dma_wait3A_509] : memref<32x1000001xf32, #tpu.memory_space<hbm>> -> memref<8x128xf32, #tpu.memory_space<hbm>>
    %dma_wait3A_511 = arith.constant 0 : i32
    %dma_wait3A_512 = arith.constant 0 : i32
    %dma_wait3A_513 = tpu.memref_slice %arg6[%dma_wait3A_502, %dma_wait3A_503, %dma_wait3A_511, %dma_wait3A_512] : memref<2x32x8x128xf32, #tpu.memory_space<vmem>> -> memref<1x1x8x128xf32, #tpu.memory_space<vmem>>
    %dma_wait3A_514 = tpu.memref_squeeze %dma_wait3A_513 : memref<1x1x8x128xf32, #tpu.memory_space<vmem>> -> memref<8x128xf32, #tpu.memory_space<vmem>>
    %dma_wait3A_515 = arith.constant 0 : i32
    %dma_wait3A_516 = arith.constant 0 : i32
    %dma_wait3A_517 = tpu.memref_slice %arg3[%dma_wait3A_515, %dma_wait3A_516] : memref<32x1000001xf32, #tpu.memory_space<hbm>> -> memref<8x128xf32, #tpu.memory_space<hbm>>
    tpu.wait_dma2 semaphore(%arg8 : memref<!tpu.dma_semaphore, #tpu.memory_space<semaphore_mem>>) src(%dma_wait3A_517 : memref<8x128xf32, #tpu.memory_space<hbm>>) dst(%dma_wait3A_514 : memref<8x128xf32, #tpu.memory_space<vmem>>)
    %dma_wait3A_518 = arith.constant 1 : i32
    %dma_wait3A_519 = arith.constant 30 : i32
    %dma_wait3A_520 = arith.constant 0 : i32
    %dma_wait3A_521 = arith.constant 0 : i32
    %dma_wait3A_522 = tpu.memref_slice %arg6[%dma_wait3A_518, %dma_wait3A_519, %dma_wait3A_520, %dma_wait3A_521] : memref<2x32x8x128xf32, #tpu.memory_space<vmem>> -> memref<1x1x8x128xf32, #tpu.memory_space<vmem>>
    %dma_wait3A_523 = tpu.memref_squeeze %dma_wait3A_522 : memref<1x1x8x128xf32, #tpu.memory_space<vmem>> -> memref<8x128xf32, #tpu.memory_space<vmem>>
    %dma_wait3A_524 = arith.constant 0 : i32
    %dma_wait3A_525 = arith.constant 0 : i32
    %dma_wait3A_526 = tpu.memref_slice %arg3[%dma_wait3A_524, %dma_wait3A_525] : memref<32x1000001xf32, #tpu.memory_space<hbm>> -> memref<8x128xf32, #tpu.memory_space<hbm>>
    %dma_wait3A_527 = arith.constant 0 : i32
    %dma_wait3A_528 = arith.constant 0 : i32
    %dma_wait3A_529 = tpu.memref_slice %arg6[%dma_wait3A_518, %dma_wait3A_519, %dma_wait3A_527, %dma_wait3A_528] : memref<2x32x8x128xf32, #tpu.memory_space<vmem>> -> memref<1x1x8x128xf32, #tpu.memory_space<vmem>>
    %dma_wait3A_530 = tpu.memref_squeeze %dma_wait3A_529 : memref<1x1x8x128xf32, #tpu.memory_space<vmem>> -> memref<8x128xf32, #tpu.memory_space<vmem>>
    %dma_wait3A_531 = arith.constant 0 : i32
    %dma_wait3A_532 = arith.constant 0 : i32
    %dma_wait3A_533 = tpu.memref_slice %arg3[%dma_wait3A_531, %dma_wait3A_532] : memref<32x1000001xf32, #tpu.memory_space<hbm>> -> memref<8x128xf32, #tpu.memory_space<hbm>>
    tpu.wait_dma2 semaphore(%arg8 : memref<!tpu.dma_semaphore, #tpu.memory_space<semaphore_mem>>) src(%dma_wait3A_533 : memref<8x128xf32, #tpu.memory_space<hbm>>) dst(%dma_wait3A_530 : memref<8x128xf32, #tpu.memory_space<vmem>>)
    %dma_wait3A_534 = arith.constant 1 : i32
    %dma_wait3A_535 = arith.constant 31 : i32
    %dma_wait3A_536 = arith.constant 0 : i32
    %dma_wait3A_537 = arith.constant 0 : i32
    %dma_wait3A_538 = tpu.memref_slice %arg6[%dma_wait3A_534, %dma_wait3A_535, %dma_wait3A_536, %dma_wait3A_537] : memref<2x32x8x128xf32, #tpu.memory_space<vmem>> -> memref<1x1x8x128xf32, #tpu.memory_space<vmem>>
    %dma_wait3A_539 = tpu.memref_squeeze %dma_wait3A_538 : memref<1x1x8x128xf32, #tpu.memory_space<vmem>> -> memref<8x128xf32, #tpu.memory_space<vmem>>
    %dma_wait3A_540 = arith.constant 0 : i32
    %dma_wait3A_541 = arith.constant 0 : i32
    %dma_wait3A_542 = tpu.memref_slice %arg3[%dma_wait3A_540, %dma_wait3A_541] : memref<32x1000001xf32, #tpu.memory_space<hbm>> -> memref<8x128xf32, #tpu.memory_space<hbm>>
    %dma_wait3A_543 = arith.constant 0 : i32
    %dma_wait3A_544 = arith.constant 0 : i32
    %dma_wait3A_545 = tpu.memref_slice %arg6[%dma_wait3A_534, %dma_wait3A_535, %dma_wait3A_543, %dma_wait3A_544] : memref<2x32x8x128xf32, #tpu.memory_space<vmem>> -> memref<1x1x8x128xf32, #tpu.memory_space<vmem>>
    %dma_wait3A_546 = tpu.memref_squeeze %dma_wait3A_545 : memref<1x1x8x128xf32, #tpu.memory_space<vmem>> -> memref<8x128xf32, #tpu.memory_space<vmem>>
    %dma_wait3A_547 = arith.constant 0 : i32
    %dma_wait3A_548 = arith.constant 0 : i32
    %dma_wait3A_549 = tpu.memref_slice %arg3[%dma_wait3A_547, %dma_wait3A_548] : memref<32x1000001xf32, #tpu.memory_space<hbm>> -> memref<8x128xf32, #tpu.memory_space<hbm>>
    tpu.wait_dma2 semaphore(%arg8 : memref<!tpu.dma_semaphore, #tpu.memory_space<semaphore_mem>>) src(%dma_wait3A_549 : memref<8x128xf32, #tpu.memory_space<hbm>>) dst(%dma_wait3A_546 : memref<8x128xf32, #tpu.memory_space<vmem>>)
    %broadcast_in_dim3A = arith.constant 0 : i32
    %broadcast_in_dim3A_550 = vector.broadcast %broadcast_in_dim3A : i32 to vector<16xi32>
    %add3A_551 = arith.constant 1 : i32
    %add3A_552 = vector.broadcast %add3A_551 : i32 to vector<16xi32>
    %add3A_553 = arith.addi %broadcast_in_dim3A_550, %add3A_552 : vector<16xi32>
    %get3A = arith.constant 2016 : index
    %get3A_554 = tpu.vector_load %arg5[%get3A] {strides = array<i32>} : memref<2048xi32, #tpu.memory_space<vmem>>, vector<16xi32>,
    %and3A_555 = arith.constant 127 : i32
    %and3A_556 = vector.broadcast %and3A_555 : i32 to vector<16xi32>
    %and3A_557 = arith.andi %get3A_554, %and3A_556 : vector<16xi32>
    %iota3A = tpu.iota {dimensions = array<i32: 0>} : vector<16xi32>
    %add3A_558 = arith.constant 0 : i32
    %add3A_559 = vector.broadcast %add3A_558 : i32 to vector<16xi32>
    %add3A_560 = arith.addi %iota3A, %add3A_559 : vector<16xi32>
    %broadcast_in_dim3A_561 = arith.constant 0 : i32
    %broadcast_in_dim3A_562 = vector.broadcast %broadcast_in_dim3A_561 : i32 to vector<16xi32>
    %gather3A = tpu.vector_load_idx %arg6[%add3A_553, %add3A_560, %broadcast_in_dim3A_562, %and3A_557] : memref<2x32x8x128xf32, #tpu.memory_space<vmem>>[vector<16xi32>, vector<16xi32>, vector<16xi32>, vector<16xi32>], vector<16xf32>,
    %swap3A = arith.constant 0 : i32
    %swap3A_563 = arith.index_cast %swap3A : i32 to index
    %swap3A_564 = arith.constant 2016 : index
    %swap3A_565 = tpu.vector_load %arg7[%swap3A_563, %swap3A_564] {strides = array<i32>} : memref<8x2048xf32, #tpu.memory_space<vmem>>, vector<16xf32>,
    tpu.vector_store %arg7[%swap3A_563, %swap3A_564], %gather3A {strides = array<i32>} : memref<8x2048xf32, #tpu.memory_space<vmem>>, vector<16xf32>,
    %broadcast_in_dim3A_566 = arith.constant 1 : i32
    %broadcast_in_dim3A_567 = vector.broadcast %broadcast_in_dim3A_566 : i32 to vector<16xi32>
    %gather3A_568 = tpu.vector_load_idx %arg6[%add3A_553, %add3A_560, %broadcast_in_dim3A_567, %and3A_557] : memref<2x32x8x128xf32, #tpu.memory_space<vmem>>[vector<16xi32>, vector<16xi32>, vector<16xi32>, vector<16xi32>], vector<16xf32>,
    %swap3A_569 = arith.constant 1 : i32
    %swap3A_570 = arith.index_cast %swap3A_569 : i32 to index
    %swap3A_571 = arith.constant 2016 : index
    %swap3A_572 = tpu.vector_load %arg7[%swap3A_570, %swap3A_571] {strides = array<i32>} : memref<8x2048xf32, #tpu.memory_space<vmem>>, vector<16xf32>,
    tpu.vector_store %arg7[%swap3A_570, %swap3A_571], %gather3A_568 {strides = array<i32>} : memref<8x2048xf32, #tpu.memory_space<vmem>>, vector<16xf32>,
    %broadcast_in_dim3A_573 = arith.constant 2 : i32
    %broadcast_in_dim3A_574 = vector.broadcast %broadcast_in_dim3A_573 : i32 to vector<16xi32>
    %gather3A_575 = tpu.vector_load_idx %arg6[%add3A_553, %add3A_560, %broadcast_in_dim3A_574, %and3A_557] : memref<2x32x8x128xf32, #tpu.memory_space<vmem>>[vector<16xi32>, vector<16xi32>, vector<16xi32>, vector<16xi32>], vector<16xf32>,
    %swap3A_576 = arith.constant 2 : i32
    %swap3A_577 = arith.index_cast %swap3A_576 : i32 to index
    %swap3A_578 = arith.constant 2016 : index
    %swap3A_579 = tpu.vector_load %arg7[%swap3A_577, %swap3A_578] {strides = array<i32>} : memref<8x2048xf32, #tpu.memory_space<vmem>>, vector<16xf32>,
    tpu.vector_store %arg7[%swap3A_577, %swap3A_578], %gather3A_575 {strides = array<i32>} : memref<8x2048xf32, #tpu.memory_space<vmem>>, vector<16xf32>,
    %broadcast_in_dim3A_580 = arith.constant 3 : i32
    %broadcast_in_dim3A_581 = vector.broadcast %broadcast_in_dim3A_580 : i32 to vector<16xi32>
    %gather3A_582 = tpu.vector_load_idx %arg6[%add3A_553, %add3A_560, %broadcast_in_dim3A_581, %and3A_557] : memref<2x32x8x128xf32, #tpu.memory_space<vmem>>[vector<16xi32>, vector<16xi32>, vector<16xi32>, vector<16xi32>], vector<16xf32>,
    %swap3A_583 = arith.constant 3 : i32
    %swap3A_584 = arith.index_cast %swap3A_583 : i32 to index
    %swap3A_585 = arith.constant 2016 : index
    %swap3A_586 = tpu.vector_load %arg7[%swap3A_584, %swap3A_585] {strides = array<i32>} : memref<8x2048xf32, #tpu.memory_space<vmem>>, vector<16xf32>,
    tpu.vector_store %arg7[%swap3A_584, %swap3A_585], %gather3A_582 {strides = array<i32>} : memref<8x2048xf32, #tpu.memory_space<vmem>>, vector<16xf32>,
    %broadcast_in_dim3A_587 = arith.constant 4 : i32
    %broadcast_in_dim3A_588 = vector.broadcast %broadcast_in_dim3A_587 : i32 to vector<16xi32>
    %gather3A_589 = tpu.vector_load_idx %arg6[%add3A_553, %add3A_560, %broadcast_in_dim3A_588, %and3A_557] : memref<2x32x8x128xf32, #tpu.memory_space<vmem>>[vector<16xi32>, vector<16xi32>, vector<16xi32>, vector<16xi32>], vector<16xf32>,
    %swap3A_590 = arith.constant 4 : i32
    %swap3A_591 = arith.index_cast %swap3A_590 : i32 to index
    %swap3A_592 = arith.constant 2016 : index
    %swap3A_593 = tpu.vector_load %arg7[%swap3A_591, %swap3A_592] {strides = array<i32>} : memref<8x2048xf32, #tpu.memory_space<vmem>>, vector<16xf32>,
    tpu.vector_store %arg7[%swap3A_591, %swap3A_592], %gather3A_589 {strides = array<i32>} : memref<8x2048xf32, #tpu.memory_space<vmem>>, vector<16xf32>,
    %broadcast_in_dim3A_594 = arith.constant 5 : i32
    %broadcast_in_dim3A_595 = vector.broadcast %broadcast_in_dim3A_594 : i32 to vector<16xi32>
    %gather3A_596 = tpu.vector_load_idx %arg6[%add3A_553, %add3A_560, %broadcast_in_dim3A_595, %and3A_557] : memref<2x32x8x128xf32, #tpu.memory_space<vmem>>[vector<16xi32>, vector<16xi32>, vector<16xi32>, vector<16xi32>], vector<16xf32>,
    %swap3A_597 = arith.constant 5 : i32
    %swap3A_598 = arith.index_cast %swap3A_597 : i32 to index
    %swap3A_599 = arith.constant 2016 : index
    %swap3A_600 = tpu.vector_load %arg7[%swap3A_598, %swap3A_599] {strides = array<i32>} : memref<8x2048xf32, #tpu.memory_space<vmem>>, vector<16xf32>,
    tpu.vector_store %arg7[%swap3A_598, %swap3A_599], %gather3A_596 {strides = array<i32>} : memref<8x2048xf32, #tpu.memory_space<vmem>>, vector<16xf32>,
    %broadcast_in_dim3A_601 = arith.constant 6 : i32
    %broadcast_in_dim3A_602 = vector.broadcast %broadcast_in_dim3A_601 : i32 to vector<16xi32>
    %gather3A_603 = tpu.vector_load_idx %arg6[%add3A_553, %add3A_560, %broadcast_in_dim3A_602, %and3A_557] : memref<2x32x8x128xf32, #tpu.memory_space<vmem>>[vector<16xi32>, vector<16xi32>, vector<16xi32>, vector<16xi32>], vector<16xf32>,
    %swap3A_604 = arith.constant 6 : i32
    %swap3A_605 = arith.index_cast %swap3A_604 : i32 to index
    %swap3A_606 = arith.constant 2016 : index
    %swap3A_607 = tpu.vector_load %arg7[%swap3A_605, %swap3A_606] {strides = array<i32>} : memref<8x2048xf32, #tpu.memory_space<vmem>>, vector<16xf32>,
    tpu.vector_store %arg7[%swap3A_605, %swap3A_606], %gather3A_603 {strides = array<i32>} : memref<8x2048xf32, #tpu.memory_space<vmem>>, vector<16xf32>,
    %broadcast_in_dim3A_608 = arith.constant 7 : i32
    %broadcast_in_dim3A_609 = vector.broadcast %broadcast_in_dim3A_608 : i32 to vector<16xi32>
    %gather3A_610 = tpu.vector_load_idx %arg6[%add3A_553, %add3A_560, %broadcast_in_dim3A_609, %and3A_557] : memref<2x32x8x128xf32, #tpu.memory_space<vmem>>[vector<16xi32>, vector<16xi32>, vector<16xi32>, vector<16xi32>], vector<16xf32>,
    %swap3A_611 = arith.constant 7 : i32
    %swap3A_612 = arith.index_cast %swap3A_611 : i32 to index
    %swap3A_613 = arith.constant 2016 : index
    %swap3A_614 = tpu.vector_load %arg7[%swap3A_612, %swap3A_613] {strides = array<i32>} : memref<8x2048xf32, #tpu.memory_space<vmem>>, vector<16xf32>,
    tpu.vector_store %arg7[%swap3A_612, %swap3A_613], %gather3A_610 {strides = array<i32>} : memref<8x2048xf32, #tpu.memory_space<vmem>>, vector<16xf32>,
    %get3A_615 = arith.constant 2032 : index
    %get3A_616 = tpu.vector_load %arg5[%get3A_615] {strides = array<i32>} : memref<2048xi32, #tpu.memory_space<vmem>>, vector<16xi32>,
    %and3A_617 = arith.constant 127 : i32
    %and3A_618 = vector.broadcast %and3A_617 : i32 to vector<16xi32>
    %and3A_619 = arith.andi %get3A_616, %and3A_618 : vector<16xi32>
    %iota3A_620 = tpu.iota {dimensions = array<i32: 0>} : vector<16xi32>
    %add3A_621 = arith.constant 16 : i32
    %add3A_622 = vector.broadcast %add3A_621 : i32 to vector<16xi32>
    %add3A_623 = arith.addi %iota3A_620, %add3A_622 : vector<16xi32>
    %broadcast_in_dim3A_624 = arith.constant 0 : i32
    %broadcast_in_dim3A_625 = vector.broadcast %broadcast_in_dim3A_624 : i32 to vector<16xi32>
    %gather3A_626 = tpu.vector_load_idx %arg6[%add3A_553, %add3A_623, %broadcast_in_dim3A_625, %and3A_619] : memref<2x32x8x128xf32, #tpu.memory_space<vmem>>[vector<16xi32>, vector<16xi32>, vector<16xi32>, vector<16xi32>], vector<16xf32>,
    %swap3A_627 = arith.constant 0 : i32
    %swap3A_628 = arith.index_cast %swap3A_627 : i32 to index
    %swap3A_629 = arith.constant 2032 : index
    %swap3A_630 = tpu.vector_load %arg7[%swap3A_628, %swap3A_629] {strides = array<i32>} : memref<8x2048xf32, #tpu.memory_space<vmem>>, vector<16xf32>,
    tpu.vector_store %arg7[%swap3A_628, %swap3A_629], %gather3A_626 {strides = array<i32>} : memref<8x2048xf32, #tpu.memory_space<vmem>>, vector<16xf32>,
    %broadcast_in_dim3A_631 = arith.constant 1 : i32
    %broadcast_in_dim3A_632 = vector.broadcast %broadcast_in_dim3A_631 : i32 to vector<16xi32>
    %gather3A_633 = tpu.vector_load_idx %arg6[%add3A_553, %add3A_623, %broadcast_in_dim3A_632, %and3A_619] : memref<2x32x8x128xf32, #tpu.memory_space<vmem>>[vector<16xi32>, vector<16xi32>, vector<16xi32>, vector<16xi32>], vector<16xf32>,
    %swap3A_634 = arith.constant 1 : i32
    %swap3A_635 = arith.index_cast %swap3A_634 : i32 to index
    %swap3A_636 = arith.constant 2032 : index
    %swap3A_637 = tpu.vector_load %arg7[%swap3A_635, %swap3A_636] {strides = array<i32>} : memref<8x2048xf32, #tpu.memory_space<vmem>>, vector<16xf32>,
    tpu.vector_store %arg7[%swap3A_635, %swap3A_636], %gather3A_633 {strides = array<i32>} : memref<8x2048xf32, #tpu.memory_space<vmem>>, vector<16xf32>,
    %broadcast_in_dim3A_638 = arith.constant 2 : i32
    %broadcast_in_dim3A_639 = vector.broadcast %broadcast_in_dim3A_638 : i32 to vector<16xi32>
    %gather3A_640 = tpu.vector_load_idx %arg6[%add3A_553, %add3A_623, %broadcast_in_dim3A_639, %and3A_619] : memref<2x32x8x128xf32, #tpu.memory_space<vmem>>[vector<16xi32>, vector<16xi32>, vector<16xi32>, vector<16xi32>], vector<16xf32>,
    %swap3A_641 = arith.constant 2 : i32
    %swap3A_642 = arith.index_cast %swap3A_641 : i32 to index
    %swap3A_643 = arith.constant 2032 : index
    %swap3A_644 = tpu.vector_load %arg7[%swap3A_642, %swap3A_643] {strides = array<i32>} : memref<8x2048xf32, #tpu.memory_space<vmem>>, vector<16xf32>,
    tpu.vector_store %arg7[%swap3A_642, %swap3A_643], %gather3A_640 {strides = array<i32>} : memref<8x2048xf32, #tpu.memory_space<vmem>>, vector<16xf32>,
    %broadcast_in_dim3A_645 = arith.constant 3 : i32
    %broadcast_in_dim3A_646 = vector.broadcast %broadcast_in_dim3A_645 : i32 to vector<16xi32>
    %gather3A_647 = tpu.vector_load_idx %arg6[%add3A_553, %add3A_623, %broadcast_in_dim3A_646, %and3A_619] : memref<2x32x8x128xf32, #tpu.memory_space<vmem>>[vector<16xi32>, vector<16xi32>, vector<16xi32>, vector<16xi32>], vector<16xf32>,
    %swap3A_648 = arith.constant 3 : i32
    %swap3A_649 = arith.index_cast %swap3A_648 : i32 to index
    %swap3A_650 = arith.constant 2032 : index
    %swap3A_651 = tpu.vector_load %arg7[%swap3A_649, %swap3A_650] {strides = array<i32>} : memref<8x2048xf32, #tpu.memory_space<vmem>>, vector<16xf32>,
    tpu.vector_store %arg7[%swap3A_649, %swap3A_650], %gather3A_647 {strides = array<i32>} : memref<8x2048xf32, #tpu.memory_space<vmem>>, vector<16xf32>,
    %broadcast_in_dim3A_652 = arith.constant 4 : i32
    %broadcast_in_dim3A_653 = vector.broadcast %broadcast_in_dim3A_652 : i32 to vector<16xi32>
    %gather3A_654 = tpu.vector_load_idx %arg6[%add3A_553, %add3A_623, %broadcast_in_dim3A_653, %and3A_619] : memref<2x32x8x128xf32, #tpu.memory_space<vmem>>[vector<16xi32>, vector<16xi32>, vector<16xi32>, vector<16xi32>], vector<16xf32>,
    %swap3A_655 = arith.constant 4 : i32
    %swap3A_656 = arith.index_cast %swap3A_655 : i32 to index
    %swap3A_657 = arith.constant 2032 : index
    %swap3A_658 = tpu.vector_load %arg7[%swap3A_656, %swap3A_657] {strides = array<i32>} : memref<8x2048xf32, #tpu.memory_space<vmem>>, vector<16xf32>,
    tpu.vector_store %arg7[%swap3A_656, %swap3A_657], %gather3A_654 {strides = array<i32>} : memref<8x2048xf32, #tpu.memory_space<vmem>>, vector<16xf32>,
    %broadcast_in_dim3A_659 = arith.constant 5 : i32
    %broadcast_in_dim3A_660 = vector.broadcast %broadcast_in_dim3A_659 : i32 to vector<16xi32>
    %gather3A_661 = tpu.vector_load_idx %arg6[%add3A_553, %add3A_623, %broadcast_in_dim3A_660, %and3A_619] : memref<2x32x8x128xf32, #tpu.memory_space<vmem>>[vector<16xi32>, vector<16xi32>, vector<16xi32>, vector<16xi32>], vector<16xf32>,
    %swap3A_662 = arith.constant 5 : i32
    %swap3A_663 = arith.index_cast %swap3A_662 : i32 to index
    %swap3A_664 = arith.constant 2032 : index
    %swap3A_665 = tpu.vector_load %arg7[%swap3A_663, %swap3A_664] {strides = array<i32>} : memref<8x2048xf32, #tpu.memory_space<vmem>>, vector<16xf32>,
    tpu.vector_store %arg7[%swap3A_663, %swap3A_664], %gather3A_661 {strides = array<i32>} : memref<8x2048xf32, #tpu.memory_space<vmem>>, vector<16xf32>,
    %broadcast_in_dim3A_666 = arith.constant 6 : i32
    %broadcast_in_dim3A_667 = vector.broadcast %broadcast_in_dim3A_666 : i32 to vector<16xi32>
    %gather3A_668 = tpu.vector_load_idx %arg6[%add3A_553, %add3A_623, %broadcast_in_dim3A_667, %and3A_619] : memref<2x32x8x128xf32, #tpu.memory_space<vmem>>[vector<16xi32>, vector<16xi32>, vector<16xi32>, vector<16xi32>], vector<16xf32>,
    %swap3A_669 = arith.constant 6 : i32
    %swap3A_670 = arith.index_cast %swap3A_669 : i32 to index
    %swap3A_671 = arith.constant 2032 : index
    %swap3A_672 = tpu.vector_load %arg7[%swap3A_670, %swap3A_671] {strides = array<i32>} : memref<8x2048xf32, #tpu.memory_space<vmem>>, vector<16xf32>,
    tpu.vector_store %arg7[%swap3A_670, %swap3A_671], %gather3A_668 {strides = array<i32>} : memref<8x2048xf32, #tpu.memory_space<vmem>>, vector<16xf32>,
    %broadcast_in_dim3A_673 = arith.constant 7 : i32
    %broadcast_in_dim3A_674 = vector.broadcast %broadcast_in_dim3A_673 : i32 to vector<16xi32>
    %gather3A_675 = tpu.vector_load_idx %arg6[%add3A_553, %add3A_623, %broadcast_in_dim3A_674, %and3A_619] : memref<2x32x8x128xf32, #tpu.memory_space<vmem>>[vector<16xi32>, vector<16xi32>, vector<16xi32>, vector<16xi32>], vector<16xf32>,
    %swap3A_676 = arith.constant 7 : i32
    %swap3A_677 = arith.index_cast %swap3A_676 : i32 to index
    %swap3A_678 = arith.constant 2032 : index
    %swap3A_679 = tpu.vector_load %arg7[%swap3A_677, %swap3A_678] {strides = array<i32>} : memref<8x2048xf32, #tpu.memory_space<vmem>>, vector<16xf32>,
    tpu.vector_store %arg7[%swap3A_677, %swap3A_678], %gather3A_675 {strides = array<i32>} : memref<8x2048xf32, #tpu.memory_space<vmem>>, vector<16xf32>,
    "tpu.region"() ({
      %run_scoped3A = tpu.sem_alloc : memref<!tpu.dma_semaphore, #tpu.memory_space<semaphore_mem>>
      %dma_start3A = tpu.memref_slice %arg4[%multiple_of3A, %mul3A_34] : memref<32x16384xf32, #tpu.memory_space<hbm>> -> memref<8x2048xf32, #tpu.memory_space<hbm>>
      %dma_start3A_680 = tpu.memref_slice %arg4[%multiple_of3A, %mul3A_34] : memref<32x16384xf32, #tpu.memory_space<hbm>> -> memref<8x2048xf32, #tpu.memory_space<hbm>>
      tpu.enqueue_dma source(%arg7 : memref<8x2048xf32, #tpu.memory_space<vmem>>) target(%dma_start3A_680 : memref<8x2048xf32, #tpu.memory_space<hbm>>) target_semaphore(%run_scoped3A : memref<!tpu.dma_semaphore, #tpu.memory_space<semaphore_mem>>)
      %dma_wait3A_681 = tpu.memref_slice %arg4[%multiple_of3A, %mul3A_34] : memref<32x16384xf32, #tpu.memory_space<hbm>> -> memref<8x2048xf32, #tpu.memory_space<hbm>>
      %dma_wait3A_682 = tpu.memref_slice %arg4[%multiple_of3A, %mul3A_34] : memref<32x16384xf32, #tpu.memory_space<hbm>> -> memref<8x2048xf32, #tpu.memory_space<hbm>>
      tpu.wait_dma2 semaphore(%run_scoped3A : memref<!tpu.dma_semaphore, #tpu.memory_space<semaphore_mem>>) src(%arg7 : memref<8x2048xf32, #tpu.memory_space<vmem>>) dst(%dma_wait3A_682 : memref<8x2048xf32, #tpu.memory_space<hbm>>)
      tpu.yield
    }) : () -> ()
    return
  }
}

</mosaic_0001>

<sc_bundles>
// kernel: kernel.3.cloned.1.call-start
scs
__scs_entry_jumppad:
0x0: {  	(pc) =	sbr.rel $0x88, $3  }
0x1: {  	(tag) =	ssettag $0x0;
	lr =	simm.s32 $0x1  }
0x2: {  	[smem:$0x3F9F] =	sst lr;
	_ =	strace $0xD0000000  }
0x3: {  	_ = 	snop  }
0x4: {  	_ = 	snop  }
0x5: {  	_ = 	snop  }
0x6: {  	_ = 	snop  }
0x7: {  	_ = 	snop  }
__scs_overlays_trampoline_lowered:
0x8: {  	[smem:$0x3FAE] =	sst s0  }
0x9: {  	[smem:$0x3FAF] =	sst s1  }
0xa: {  	[smem:$0x3FB0] =	sst s2  }
0xb: {  	[smem:$0x3FB1] =	sst s3  }
0xc: {  	[smem:$0x3FB2] =	sst s4  }
0xd: {  	[smem:$0x3FB3] =	sst s5  }
0xe: {  	[smem:$0x3FB4] =	sst s6  }
0xf: {  	[smem:$0x3FB5] =	sst s7  }
0x10: {  	[smem:$0x3FB6] =	sst s8  }
0x11: {  	[smem:$0x3FB7] =	sst s9;
	s0 =	simm.s32 @!p0 $0x0  }
0x12: {  	s1 =	sld [smem:$0x3F9D];
	s0 =	simm.s32 @p0 $0x1  }
0x13: {  	[smem:$0x3FB8] =	sst s0;
	s0 =	simm.s32 @!p1 $0x0  }
0x14: {  	s2 =	sld [smem:$0x3F9C];
	s0 =	simm.s32 @p1 $0x1  }
0x15: {  	[smem:$0x3FB9] =	sst s0;
	s0 =	simm.s32 @!p2 $0x0  }
0x16: {  	s3 =	sld [smem:$0x3FDB];
	s0 =	simm.s32 @p2 $0x1  }
0x17: {  	s4 =	simm.s32 $0x1BF5;
	[smem:$0x3FBB] =	sst s0  }
0x18: {  	s0 =	sld [smem:$0x3F9E];
	_ =	swait.ge [sflag:s4], $0x0  }
0x19: {  	s7 =	sld [smem:$0x3F9F]  }
0x1a: {  	s8 =	sadd.s32 $0xFFFFE003, lr  }
0x1b: {  	s9 =	sadd.s32 $0xFFFFFEF7, lr;
	s5 =	simm.s32 $0xFFFFFFFF;
	p2 =	slt.u32 s8, $0xFFFFF086  }
0x1c: {  	p1 =	slt.u32 s9, $0xF7A;
	s5 =	simm.s32 @!p2 $0x0  }
0x1d: {  	s5 =	simm.s32 @p1 $0x1;
	p0 =	seq.s32 s7, s2  }
0x1e: {  	s7 =	smul.u32 @!p0 $0xF7A, s2;
	p2 =	seq.s32 @!p0 s5, $0x0  }
0x1f: {  	s9 =	smul.u32 $0xF7A, s1;
	s8 =	simm.s32 @!p0 $0x1BF5;
	p2 =	por !p2, p0  }
0x20: {  	[sflag:s8] =	ssyncset.s32 @!p0 $0xFFFFF086;
	s6 =	sadd.s32 @!p0 s3, s7;
	s7 =	simm.s32 @!p0 $0x108  }
0x21: {  	s3 =	sadd.s32 s3, s9;
	s6 =	sadd.s32 @!p0 $0x88, s6;
	s7 =	simm.s32 @p2 $0x1082  }
0x22: {  	[simem:s7], [sflag:s8] =	dma.local @!p0 [hbm:s6], $0xF7A  }
0x23: {  	s9 =	sor.u32 $0xD0000000, s2;
	s6 =	simm.s32 $0x108;
	_ =	swait.ge @!p0 [sflag:s8], $0x0  }
0x24: {  	s3 =	sadd.s32 $0x88, s3;
	s6 =	simm.s32 @!p1 $0x1082;
	[sflag:s4] =	ssyncset.s32 $0xFFFFF086  }
0x25: {  	[simem:s6], [sflag:s4] =	dma.local [hbm:s3], $0xF7A  }
0x26: {  	[smem:$0x3F9F] =	sst s1;
	(tag) =	ssettag s2;
	_ =	strace s9  }
0x27: {  	s1 =	sld [smem:$0x3FAF]  }
0x28: {  	s2 =	sld [smem:$0x3FB0]  }
0x29: {  	s4 =	sld [smem:$0x3FB2]  }
0x2a: {  	p0 =	seq.s32 s5, $0x0;
	s5 =	sld [smem:$0x3FB3]  }
0x2b: {  	s6 =	sld [smem:$0x3FB4]  }
0x2c: {  	s7 =	sld [smem:$0x3FB5]  }
0x2d: {  	s3 =	simm.s32 $0x108;
	s8 =	sld [smem:$0x3FB6]  }
0x2e: {  	s3 =	simm.s32 @!p0 $0x1082;
	s9 =	sld [smem:$0x3FB7]  }
0x2f: {  	lr =	sadd.s32 s0, s3;
	s0 =	sld [smem:$0x3FAE]  }
0x30: {  	s3 =	sld [smem:$0x3FB1]  }
0x31: {  	[smem:$0x3FBA] =	sst s10  }
0x32: {  	s10 =	sld [smem:$0x3FB8];
	_ =	sdelay $0x3  }
0x33: {  	p0 =	seq.s32 s10, $0x1;
	s10 =	sld [smem:$0x3FBA];
	_ =	sdelay $0x3  }
0x34: {  	[smem:$0x3FBA] =	sst s10  }
0x35: {  	s10 =	sld [smem:$0x3FB9];
	_ =	sdelay $0x3  }
0x36: {  	p1 =	seq.s32 s10, $0x1;
	s10 =	sld [smem:$0x3FBA];
	_ =	sdelay $0x3  }
0x37: {  	[smem:$0x3FBA] =	sst s10  }
0x38: {  	s10 =	sld [smem:$0x3FBB]  }
0x39: {  	_ = 	snop;
	(pc) =	sbr.ind lr, $3  }
0x3a: {  	_ = 	snop  }
0x3b: {  	_ = 	snop  }
0x3c: {  	p2 =	seq.s32 s10, $0x1;
	s10 =	sld [smem:$0x3FBA]  }
0x3d: {  	_ =	shalt  }
0x3e: {  	_ =	shalt  }
0x3f: {  	_ =	shalt  }
0x40: {  	_ =	shalt  }
0x41: {  	_ =	shalt  }
0x42: {  	_ =	shalt  }
0x43: {  	_ =	shalt  }
0x44: {  	_ =	shalt  }
0x45: {  	_ =	shalt  }
0x46: {  	_ =	shalt  }
0x47: {  	_ =	shalt  }
0x48: {  	_ =	shalt  }
0x49: {  	_ =	shalt  }
0x4a: {  	_ =	shalt  }
0x4b: {  	_ =	shalt  }
0x4c: {  	_ =	shalt  }
0x4d: {  	_ =	shalt  }
0x4e: {  	_ =	shalt  }
0x4f: {  	_ =	shalt  }
0x50: {  	_ =	shalt  }
0x51: {  	_ =	shalt  }
0x52: {  	_ =	shalt  }
0x53: {  	_ =	shalt  }
0x54: {  	_ =	shalt  }
0x55: {  	_ =	shalt  }
0x56: {  	_ =	shalt  }
0x57: {  	_ =	shalt  }
0x58: {  	_ =	shalt  }
0x59: {  	_ =	shalt  }
0x5a: {  	_ =	shalt  }
0x5b: {  	_ =	shalt  }
0x5c: {  	_ =	shalt  }
0x5d: {  	_ =	shalt  }
0x5e: {  	_ =	shalt  }
0x5f: {  	_ =	shalt  }
0x60: {  	_ =	shalt  }
0x61: {  	_ =	shalt  }
0x62: {  	_ =	shalt  }
0x63: {  	_ =	shalt  }
0x64: {  	_ =	shalt  }
0x65: {  	_ =	shalt  }
0x66: {  	_ =	shalt  }
0x67: {  	_ =	shalt  }
0x68: {  	_ =	shalt  }
0x69: {  	_ =	shalt  }
0x6a: {  	_ =	shalt  }
0x6b: {  	_ =	shalt  }
0x6c: {  	_ =	shalt  }
0x6d: {  	_ =	shalt  }
0x6e: {  	_ =	shalt  }
0x6f: {  	_ =	shalt  }
0x70: {  	_ =	shalt  }
0x71: {  	_ =	shalt  }
0x72: {  	_ =	shalt  }
0x73: {  	_ =	shalt  }
0x74: {  	_ =	shalt  }
0x75: {  	_ =	shalt  }
0x76: {  	_ =	shalt  }
0x77: {  	_ =	shalt  }
0x78: {  	_ =	shalt  }
0x79: {  	_ =	shalt  }
0x7a: {  	_ =	shalt  }
0x7b: {  	_ =	shalt  }
0x7c: {  	_ =	shalt  }
0x7d: {  	_ =	shalt  }
0x7e: {  	_ =	shalt  }
0x7f: {  	_ =	shalt  }
0x80: {  	_ =	shalt  }
0x81: {  	_ =	shalt  }
0x82: {  	_ =	shalt  }
0x83: {  	_ =	shalt  }
0x84: {  	_ =	shalt  }
0x85: {  	_ =	shalt  }
0x86: {  	_ =	shalt  }
0x87: {  	_ =	shalt  }
.Lfunc_end0:
.L_simem_size_0:
called_computation_lowered:
.L_overlay_start_0:
0x88: {  	s2 =	sld [smem:$0x3FD9]  }
0x89: {  	s3 =	sld [smem:$0x3FFE];
	_ =	sdelay $0x1  }
0x8a: {  	s1 =	srdreg.scid  }
0x8b: {  	s0 =	sand.u32 $0x1, s1  }
0x8c: {  	s18 =	sshll.u32 s0, $0xA;
	s2 =	sadd.s32 s3, s2  }
0x8d: {  	s2 =	sadd.s32 s2, s18  }
0x8e: {  	[smem:$0x3FC6] =	sst s2  }
0x8f: {  	_ = 	snop  }
0x90: {  	s2 =	sld [smem:$0x3FC9]  }
0x91: {  	s19 =	sld [smem:$0x3FC8]  }
0x92: {  	s4 =	sld [smem:$0x3FD0];
	(tm) =	ssettm $0x1  }
0x93: {  	s5 =	sld [smem:$0x3FFB];
	_ =	sdelay $0x3  }
0x94: {  	_ =	strace s5  }
0x95: {  	s5 =	sld [smem:$0x3FFC];
	_ =	sdelay $0x3  }
0x96: {  	_ =	strace s5  }
0x97: {  	s5 =	sld [smem:$0x3FFD];
	_ =	sdelay $0x3  }
0x98: {  	_ =	strace s5  }
0x99: {  	_ =	strace $0x8FFFFFFF  }
0x9a: {  	s20 =	sld [smem:$0x3FDB];
	_ =	sdelay $0x1  }
0x9b: {  	s6 =	simm.s32 $_scs_section_size  }
0x9c: {  	s7 =	simm.s32 $_size__tile_overlayer_lowered;
	s8 =	simm.s32 $_tile_overlayer_lowered  }
0x9d: {  	s23 =	simm.s32 $0x1BFF;
	s22 =	sshll.u32 s8, $0x1;
	s5 =	sadd.s32 s6, s20  }
0x9e: {  	s9 =	simm.s32 $0x0;
	s21 =	sshll.u32 s7, $0x1;
	s7 =	sadd.s32 s22, s5  }
0x9f: {  	[timem:s9], [sflag:s23] =	dma.local [hbm:s7], s21  }
0xa0: {  	_ =	swait.ge [sflag:s23], s21  }
0xa1: {  	s6 =	ssub.s32 $0x0, s21;
	[sflag:s23] =	ssyncset.done $0x0  }
0xa2: {  	[sflag:s23] =	ssyncadd.s32 s6;
	_ =	sdelay $0x1  }
0xa3: {  	s24 =	simm.s32 $0x1B8B  }
0xa4: {  	_ =	swait.ge [sflag:s24], $0x1  }
0xa5: {  	[sflag:s24] =	ssyncset.done $0x0  }
0xa6: {  	s25 =	simm.s32 $0x1B8E;
	[sflag:s24] =	ssyncadd.s32 $0xFFFFFFFF  }
0xa7: {  	s26 =	simm.s32 $execute0_lowered;
	[smem:$0x3FD2] =	sst s25  }
0xa8: {  	s6 =	sshll.u32 s26, $0x1;
	_ =	strace $0x80000046;
	[dreg:$0x1] =	wrdreg $0xFFFFFFFF  }
0xa9: {  	s28 =	simm.s32 $_size_execute0_lowered;
	s5 =	sadd.s32 s5, s6;
	[dreg:$0x0] =	wrdreg $0x0  }
0xaa: {  	s6 =	sshll.u32 s28, $0x1;
	[dreg:$0x2] =	wrdreg s5  }
0xab: {  	[dreg:$0x3] =	wrdreg s6  }
0xac: {  	[dreg:$0x4] =	wrdreg $0xC0  }
0xad: {  	_ =	task [dreg:s9], $0x5FFFF  }
0xae: {  	[dreg:$0x1] =	wrdreg $0xFFFFFFFF  }
0xaf: {  	[dreg:$0x0] =	wrdreg $0x60  }
0xb0: {  	[dreg:$0x2] =	wrdreg s2  }
0xb1: {  	[dreg:$0x3] =	wrdreg s19  }
0xb2: {  	[dreg:$0x4] =	wrdreg s4  }
0xb3: {  	[dreg:$0x5] =	wrdreg $0x9  }
0xb4: {  	_ =	task.clear_ibuf [dreg:s9], $0x6FFFF;
	_ =	strace $0x90000046  }
0xb5: {  	s29 =	simm.s32 $0x9;
	_ =	strace $0x80000048  }
0xb6: {  	_ =	swait.ge [sflag:s29], $0x1  }
0xb7: {  	[sflag:s29] =	ssyncadd.s32 $0xFFFFFFFF  }
0xb8: {  	_ =	strace $0x90000048  }
0xb9: {  	_ =	sfence  }
0xba: {  	s30 =	sld [smem:$0x0];
	_ =	sdelay $0x2  }
0xbb: {  	s31 =	sshll.u32 s1, $0xD;
	s1 =	sshrl.u32 s1, $0x2  }
0xbc: {  	s3 =	sand.u32 $0x4000, s31;
	s1 =	sadd.s32 s1, s30  }
0xbd: {  	s0 =	sor.u32 s3, s0;
	s1 =	sshll.u32 s1, $0x11  }
0xbe: {  	s0 =	sor.u32 s1, s0  }
0xbf: {  	s0 =	sadd.s32 $0x8F2B, s0  }
0xc0: {  	[sflag:s0] =	ssyncadd.remote.s32 $0x1  }
0xc1: {  	_ =	sfence.sel $0xFFFF  }
0xc2: {  	[dreg:$0x0] =	wrdreg $0xFFFFFFFF;
	(pc) =	sbr.abs _section_cstart, $3  }
0xc3: {  	[dreg:$0x1] =	wrdreg $0xFFFFFFFF  }
0xc4: {  	_ =	task.clear_ibuf [dreg:s9], $0x2FFFF;
	_ =	strace $0x9FFFFFFF  }
0xc5: {  	(tm) =	ssettm $0x7FFFFFFF  }
tec
execute0_lowered:
.L_overlay_start_1:
0x0: {  	(tag) =	ssettag $0x1  }
0x1: {  	v0 =	vlaneseq.u32  }
0x2: {  	s4 =	rddreg [dreg:$0x0];
	v0 =	vmul.u32 $0x400, v0  }
0x3: {  	s1 =	rddreg [dreg:$0x1]  }
0x4: {  	s5 =	rddreg [dreg:$0x2];
	v1 =	vor.u32 $0x8000, v0  }
0x5: {  	s0 =	rddreg [dreg:$0x3];
	v2 =	vor.u32 $0x8080, v0;
	v3 =	vor.u32 $0x8100, v0;
	v4 =	vor.u32 $0x8180, v0  }
0x6: {  	s2 =	simm.s32 $0x0;
	s6 =	srdreg.scid;
	s3 =	stileid.u32;
	v5 =	vor.u32 $0x8200, v0;
	v6 =	vor.u32 $0x8280, v0;
	v7 =	vor.u32 $0x8300, v0  }
0x7: {  	s11 =	simm.s32 $0x10800;
	s12 =	simm.s32 $0x0;
	[smem:$0x7FF] =	sst s2;
	v8 =	vor.u32 $0x8380, v0;
	v9 =	vor.u32 $0xC000, v0;
	v10 =	vor.u32 $0xC080, v0  }
0x8: {  	s6 =	sand.u32 $0x1, s6;
	s8 =	sshll.u32 s3, $0x1;
	s10 =	sshrl.u32 s3, $0x2;
	v11 =	vor.u32 $0xC100, v0;
	v12 =	vor.u32 $0xC180, v0;
	v13 =	vor.u32 $0xC200, v0  }
0x9: {  	_ =	strace $0x80000047;
	s7 =	ssub.s32 $0x2, s6;
	s8 =	sand.u32 $0x6, s8;
	v14 =	vor.u32 $0xC280, v0;
	v15 =	vor.u32 $0xC300, v0;
	v16 =	vor.u32 $0xC380, v0  }
.Ltmp0:
0xa: {  	s30 =	sshll.u32 s10, $0xE;
	s9 =	sshrl.u32 s7, $0x1;
	v17 =	vor.u32 $0x80, v0;
	v18 =	vor.u32 $0x100, v0;
	v19 =	vor.u32 $0x180, v0;
	(pc) =	sbr.rel .LBB2_1-.Ltmp0, $4  }
0xb: {  	s6 =	sor.u32 s6, s8;
	s8 =	sadd.s32 s5, s30;
	v20 =	vor.u32 $0x200, v0;
	v21 =	vor.u32 $0x280, v0;
	v22 =	vor.u32 $0x300, v0;
	s5 =	smul.u32 $0x7A1400, s10  }
0xc: {  	v23 =	vor.u32 $0x380, v0;
	v24 =	vor.u32 $0x4000, v0;
	v25 =	vor.u32 $0x4080, v0;
	s10 =	simm.s32 $0x800;
	s31 =	sshll.u32 s6, $0xB;
	s6 =	sshll.u32 s6, $0x8  }
0xd: {  	v26 =	vor.u32 $0x4100, v0;
	v27 =	vor.u32 $0x4180, v0;
	v28 =	vor.u32 $0x4200, v0;
	s7 =	ssub.s32 s7, s9;
	s9 =	simm.s32 $0x1;
	s4 =	sadd.s32 s4, s6  }
0xe: {  	v29 =	vor.u32 $0x4280, v0;
	v30 =	vor.u32 $0x4300, v0;
	v31 =	vor.u32 $0x4380, v0;
	s6 =	sadd.s32 s31, s8;
	s7 =	smax.u32 s7, $0x1;
	s8 =	simm.s32 $0x2  }
.LBB2_5:
0xf: {  	_ =	swait.ge [sflag:s9], $0x400  }
0x10: {  	[sflag:s9] =	ssyncset.done $0x0  }
0x11: {  	[sflag:s9] =	ssyncadd.s32 $0xFFFFFC00  }
0x12: {  	_ =	swait.ge [sflag:s9], $0x400  }
0x13: {  	[sflag:s9] =	ssyncset.done $0x0  }
0x14: {  	[sflag:s9] =	ssyncadd.s32 $0xFFFFFC00  }
0x15: {  	_ =	swait.ge [sflag:s9], $0x400  }
0x16: {  	[sflag:s9] =	ssyncset.done $0x0  }
0x17: {  	[sflag:s9] =	ssyncadd.s32 $0xFFFFFC00  }
0x18: {  	_ =	swait.ge [sflag:s9], $0x400  }
0x19: {  	[sflag:s9] =	ssyncset.done $0x0  }
0x1a: {  	[sflag:s9] =	ssyncadd.s32 $0xFFFFFC00  }
0x1b: {  	_ =	swait.ge [sflag:s9], $0x400  }
0x1c: {  	[sflag:s9] =	ssyncset.done $0x0  }
0x1d: {  	[sflag:s9] =	ssyncadd.s32 $0xFFFFFC00  }
0x1e: {  	_ =	swait.ge [sflag:s9], $0x400  }
0x1f: {  	[sflag:s9] =	ssyncset.done $0x0  }
0x20: {  	[sflag:s9] =	ssyncadd.s32 $0xFFFFFC00  }
0x21: {  	_ =	swait.ge [sflag:s9], $0x400  }
0x22: {  	[sflag:s9] =	ssyncset.done $0x0  }
0x23: {  	[sflag:s9] =	ssyncadd.s32 $0xFFFFFC00  }
0x24: {  	_ =	swait.ge [sflag:s9], $0x400  }
0x25: {  	[sflag:s9] =	ssyncset.done $0x0  }
0x26: {  	[sflag:s9] =	ssyncadd.s32 $0xFFFFFC00  }
0x27: {  	_ =	swait.ge [sflag:s9], $0x400  }
0x28: {  	[sflag:s9] =	ssyncset.done $0x0  }
0x29: {  	[sflag:s9] =	ssyncadd.s32 $0xFFFFFC00  }
0x2a: {  	_ =	swait.ge [sflag:s9], $0x400  }
0x2b: {  	[sflag:s9] =	ssyncset.done $0x0  }
0x2c: {  	[sflag:s9] =	ssyncadd.s32 $0xFFFFFC00  }
0x2d: {  	_ =	swait.ge [sflag:s9], $0x400  }
0x2e: {  	[sflag:s9] =	ssyncset.done $0x0  }
0x2f: {  	[sflag:s9] =	ssyncadd.s32 $0xFFFFFC00  }
0x30: {  	_ =	swait.ge [sflag:s9], $0x400  }
0x31: {  	[sflag:s9] =	ssyncset.done $0x0  }
0x32: {  	[sflag:s9] =	ssyncadd.s32 $0xFFFFFC00  }
0x33: {  	_ =	swait.ge [sflag:s9], $0x400  }
0x34: {  	[sflag:s9] =	ssyncset.done $0x0  }
0x35: {  	[sflag:s9] =	ssyncadd.s32 $0xFFFFFC00  }
0x36: {  	_ =	swait.ge [sflag:s9], $0x400  }
0x37: {  	[sflag:s9] =	ssyncset.done $0x0  }
0x38: {  	[sflag:s9] =	ssyncadd.s32 $0xFFFFFC00  }
0x39: {  	_ =	swait.ge [sflag:s9], $0x400  }
0x3a: {  	[sflag:s9] =	ssyncset.done $0x0  }
0x3b: {  	[sflag:s9] =	ssyncadd.s32 $0xFFFFFC00  }
0x3c: {  	_ =	swait.ge [sflag:s9], $0x400  }
0x3d: {  	[sflag:s9] =	ssyncset.done $0x0  }
0x3e: {  	[sflag:s9] =	ssyncadd.s32 $0xFFFFFC00  }
0x3f: {  	_ =	swait.ge [sflag:s9], $0x400  }
0x40: {  	[sflag:s9] =	ssyncset.done $0x0  }
0x41: {  	[sflag:s9] =	ssyncadd.s32 $0xFFFFFC00  }
0x42: {  	_ =	swait.ge [sflag:s9], $0x400  }
0x43: {  	[sflag:s9] =	ssyncset.done $0x0  }
0x44: {  	[sflag:s9] =	ssyncadd.s32 $0xFFFFFC00  }
0x45: {  	_ =	swait.ge [sflag:s9], $0x400  }
0x46: {  	[sflag:s9] =	ssyncset.done $0x0  }
0x47: {  	[sflag:s9] =	ssyncadd.s32 $0xFFFFFC00  }
0x48: {  	_ =	swait.ge [sflag:s9], $0x400  }
0x49: {  	[sflag:s9] =	ssyncset.done $0x0  }
0x4a: {  	[sflag:s9] =	ssyncadd.s32 $0xFFFFFC00  }
0x4b: {  	_ =	swait.ge [sflag:s9], $0x400  }
0x4c: {  	[sflag:s9] =	ssyncset.done $0x0  }
0x4d: {  	[sflag:s9] =	ssyncadd.s32 $0xFFFFFC00  }
0x4e: {  	_ =	swait.ge [sflag:s9], $0x400  }
0x4f: {  	[sflag:s9] =	ssyncset.done $0x0  }
0x50: {  	[sflag:s9] =	ssyncadd.s32 $0xFFFFFC00  }
0x51: {  	_ =	swait.ge [sflag:s9], $0x400  }
0x52: {  	[sflag:s9] =	ssyncset.done $0x0  }
0x53: {  	[sflag:s9] =	ssyncadd.s32 $0xFFFFFC00  }
0x54: {  	_ =	swait.ge [sflag:s9], $0x400  }
0x55: {  	[sflag:s9] =	ssyncset.done $0x0  }
0x56: {  	[sflag:s9] =	ssyncadd.s32 $0xFFFFFC00  }
0x57: {  	_ =	swait.ge [sflag:s9], $0x400  }
0x58: {  	[sflag:s9] =	ssyncset.done $0x0  }
0x59: {  	[sflag:s9] =	ssyncadd.s32 $0xFFFFFC00  }
0x5a: {  	_ =	swait.ge [sflag:s9], $0x400  }
0x5b: {  	[sflag:s9] =	ssyncset.done $0x0  }
0x5c: {  	[sflag:s9] =	ssyncadd.s32 $0xFFFFFC00  }
0x5d: {  	_ =	swait.ge [sflag:s9], $0x400  }
0x5e: {  	[sflag:s9] =	ssyncset.done $0x0  }
0x5f: {  	[sflag:s9] =	ssyncadd.s32 $0xFFFFFC00  }
0x60: {  	_ =	swait.ge [sflag:s9], $0x400  }
0x61: {  	[sflag:s9] =	ssyncset.done $0x0  }
0x62: {  	[sflag:s9] =	ssyncadd.s32 $0xFFFFFC00  }
0x63: {  	_ =	swait.ge [sflag:s9], $0x400  }
0x64: {  	[sflag:s9] =	ssyncset.done $0x0  }
0x65: {  	[sflag:s9] =	ssyncadd.s32 $0xFFFFFC00  }
0x66: {  	_ =	swait.ge [sflag:s9], $0x400  }
0x67: {  	[sflag:s9] =	ssyncset.done $0x0  }
0x68: {  	[sflag:s9] =	ssyncadd.s32 $0xFFFFFC00  }
0x69: {  	_ =	swait.ge [sflag:s9], $0x400  }
0x6a: {  	[sflag:s9] =	ssyncset.done $0x0  }
0x6b: {  	[sflag:s9] =	ssyncadd.s32 $0xFFFFFC00  }
0x6c: {  	_ =	swait.ge [sflag:s9], $0x400  }
0x6d: {  	[sflag:s9] =	ssyncset.done $0x0  }
0x6e: {  	[sflag:s9] =	ssyncadd.s32 $0xFFFFFC00  }
0x6f: {  	v32 =	vld [tilespmem:$0x7E0];
	_ =	sdelay $0x4  }
0x70: {  	v32 =	vand.u32 $0x7F, v32  }
0x71: {  	v33 =	vor.u32 v1, v32;
	_ =	sdelay $0x4  }
0x72: {  	v33 =	vld.idx.msk [tilespmem:v33+s10+$0x0], $0xffff  }
0x73: {  	v34 =	vor.u32 v2, v32;
	_ =	sdelay $0x3  }
0x74: {  	[tilespmem:$0x14460] =	vst v33  }
0x75: {  	v33 =	vld.idx.msk [tilespmem:v34+s10+$0x0], $0xffff  }
0x76: {  	v51 =	vor.u32 v3, v32;
	_ =	sdelay $0x3  }
0x77: {  	[tilespmem:$0x144E0] =	vst v33  }
0x78: {  	v33 =	vld.idx.msk [tilespmem:v51+s10+$0x0], $0xffff  }
0x79: {  	v52 =	vor.u32 v4, v32;
	_ =	sdelay $0x3  }
0x7a: {  	[tilespmem:$0x14560] =	vst v33  }
0x7b: {  	v33 =	vld.idx.msk [tilespmem:v52+s10+$0x0], $0xffff  }
0x7c: {  	v53 =	vor.u32 v5, v32;
	_ =	sdelay $0x3  }
0x7d: {  	[tilespmem:$0x145E0] =	vst v33  }
0x7e: {  	v33 =	vld.idx.msk [tilespmem:v53+s10+$0x0], $0xffff  }
0x7f: {  	v54 =	vor.u32 v6, v32;
	_ =	sdelay $0x3  }
0x80: {  	[tilespmem:$0x14660] =	vst v33  }
0x81: {  	v33 =	vld.idx.msk [tilespmem:v54+s10+$0x0], $0xffff  }
0x82: {  	v55 =	vor.u32 v7, v32;
	_ =	sdelay $0x3  }
0x83: {  	[tilespmem:$0x146E0] =	vst v33  }
0x84: {  	v33 =	vld.idx.msk [tilespmem:v55+s10+$0x0], $0xffff  }
0x85: {  	v56 =	vld [tilespmem:$0x7F0];
	v32 =	vor.u32 v8, v32;
	_ =	sdelay $0x3  }
0x86: {  	[tilespmem:$0x14760] =	vst v33  }
0x87: {  	v57 =	vand.u32 $0x7F, v56;
	v32 =	vld.idx.msk [tilespmem:v32+s10+$0x0], $0xffff  }
0x88: {  	v34 =	vor.u32 v9, v57;
	_ =	sdelay $0x3  }
0x89: {  	[tilespmem:$0x147E0] =	vst v32  }
0x8a: {  	v32 =	vld.idx.msk [tilespmem:v34+s10+$0x0], $0xffff  }
0x8b: {  	v58 =	vor.u32 v10, v57;
	_ =	sdelay $0x3  }
0x8c: {  	[tilespmem:$0x14470] =	vst v32  }
0x8d: {  	v32 =	vld.idx.msk [tilespmem:v58+s10+$0x0], $0xffff  }
0x8e: {  	v59 =	vor.u32 v11, v57;
	_ =	sdelay $0x3  }
0x8f: {  	[tilespmem:$0x144F0] =	vst v32  }
0x90: {  	v32 =	vld.idx.msk [tilespmem:v59+s10+$0x0], $0xffff  }
0x91: {  	v60 =	vor.u32 v12, v57;
	_ =	sdelay $0x3  }
0x92: {  	[tilespmem:$0x14570] =	vst v32  }
0x93: {  	v32 =	vld.idx.msk [tilespmem:v60+s10+$0x0], $0xffff  }
0x94: {  	v61 =	vor.u32 v13, v57;
	_ =	sdelay $0x3  }
0x95: {  	[tilespmem:$0x145F0] =	vst v32  }
0x96: {  	v32 =	vld.idx.msk [tilespmem:v61+s10+$0x0], $0xffff  }
0x97: {  	v62 =	vor.u32 v14, v57;
	_ =	sdelay $0x3  }
0x98: {  	[tilespmem:$0x14670] =	vst v32  }
0x99: {  	v32 =	vld.idx.msk [tilespmem:v62+s10+$0x0], $0xffff  }
0x9a: {  	v63 =	vor.u32 v15, v57;
	_ =	sdelay $0x3  }
0x9b: {  	[tilespmem:$0x146F0] =	vst v32  }
0x9c: {  	v32 =	vld.idx.msk [tilespmem:v63+s10+$0x0], $0xffff  }
0x9d: {  	v33 =	vor.u32 v16, v57;
	_ =	sdelay $0x3  }
0x9e: {  	[tilespmem:$0x14770] =	vst v32  }
0x9f: {  	v32 =	vld.idx.msk [tilespmem:v33+s10+$0x0], $0xffff;
	_ =	sdelay $0x2  }
0xa0: {  	s12 =	sadd.s32 $0x1, s12  }
0xa1: {  	p0 =	sne.s32 s12, s7  }
.Ltmp1:
0xa2: {  	[tilespmem:$0x147F0] =	vst v32;
	(pc) =	sbr.rel @!p0 .LBB2_6-.Ltmp1, $4  }
0xa3: {  	[hbm4b:s6+s2] =	stream.linear.scatter [tilespmem:s11], [sflag:$0x2], $0x4000, $0x38;
	[tilespmem:$0x14800] =	vst v63  }
0xa4: {  	_ =	swait.ge [sflag:s8], $0x4000  }
0xa5: {  	[sflag:s8] =	ssyncset.done $0x0  }
0xa6: {  	[sflag:s8] =	ssyncadd.s32 $0xFFFFC000  }
.LBB2_1:
.Ltmp2:
0xa7: {  	(pc) =	sbr.rel .LBB2_2-.Ltmp2, $4  }
0xa8: {  	[tilespmem:s2], [sflag:$0x2] =	stream.linear.gather [hbm4b:s4+s2], $0x800, $0x38;
	[tilespmem:$0x14800] =	vst v63  }
0xa9: {  	s13 =	simm.s32 $0xFFFFFFE0;
	_ =	swait.ge [sflag:s8], $0x800  }
0xaa: {  	s14 =	simm.s32 $0xFFFFFF00;
	s15 =	simm.s32 $0xFFFFFFFF;
	[sflag:s8] =	ssyncset.done $0x0  }
0xab: {  	s16 =	simm.s32 $0x0;
	s17 =	simm.s32 $0x0;
	[sflag:s8] =	ssyncadd.s32 $0xFFFFF800  }
.LBB2_4:
0xac: {  	s14 =	sadd.s32 $0x100, s14  }
0xad: {  	p0 =	sne.s32 s14, $0x3F00  }
.Ltmp3:
0xae: {  	_ = 	snop;
	(pc) =	sbr.rel @!p0 .LBB2_5-.Ltmp3, $3  }
0xaf: {  	_ =	sdelay $0x1  }
0xb0: {  	s13 =	sadd.s32 $0x20, s13  }
0xb1: {  	s17 =	sadd.s32 $0x20, s17;
	s15 =	sadd.s32 $0x1, s15;
	s16 =	sadd.s32 $0x8000, s16  }
.LBB2_2:
0xb2: {  	v32 =	vld [tilespmem:s17+$0x0];
	_ =	sdelay $0x4  }
0xb3: {  	v32 =	vshrl.u32 v32, $0x7  }
0xb4: {  	v32 =	vshll.u32 v32, $0xA  }
0xb5: {  	v32 =	vadd.s32 s5, v32  }
0xb6: {  	v32 =	vshrl.u32 v32, $0x3  }
0xb7: {  	v32 =	vadd.s32 s1, v32  }
0xb8: {  	(v2sf) =	vpush v32, $0x0;
	_ =	sdelay $0x1  }
0xb9: {  	(v2sf) =	vpush v32, $0x1;
	_ =	sdelay $0x1  }
0xba: {  	(v2sf) =	vpush v32, $0x2;
	_ =	sdelay $0x1  }
0xbb: {  	(v2sf) =	vpush v32, $0x3;
	_ =	sdelay $0x1  }
0xbc: {  	(v2sf) =	vpush v32, $0x4;
	_ =	sdelay $0x1  }
0xbd: {  	(v2sf) =	vpush v32, $0x5;
	_ =	sdelay $0x1  }
0xbe: {  	(v2sf) =	vpush v32, $0x6;
	_ =	sdelay $0x1  }
0xbf: {  	s18 =	sand.u32 $0x8000, s16;
	(v2sf) =	vpush v32, $0x7  }
0xc0: {  	s19 =	sor.u32 $0x800, s18;
	s20 =	spop (v2sf)  }
0xc1: {  	(v2sf) =	vpush v32, $0x8;
	[tilespmem:s19], [sflag:$0x1] =	stream.linear.gather [hbm4b:s20+s2], $0x400, $0x38;
	[tilespmem:$0x14800] =	vst v63  }
0xc2: {  	s21 =	sor.u32 $0xC00, s18;
	s22 =	spop (v2sf)  }
0xc3: {  	(v2sf) =	vpush v32, $0x9;
	[tilespmem:s21], [sflag:$0x1] =	stream.linear.gather [hbm4b:s22+s2], $0x400, $0x38;
	[tilespmem:$0x14800] =	vst v63  }
0xc4: {  	s23 =	sor.u32 $0x1000, s18;
	s24 =	spop (v2sf)  }
0xc5: {  	(v2sf) =	vpush v32, $0xA;
	[tilespmem:s23], [sflag:$0x1] =	stream.linear.gather [hbm4b:s24+s2], $0x400, $0x38;
	[tilespmem:$0x14800] =	vst v63  }
0xc6: {  	s25 =	sor.u32 $0x1400, s18;
	s26 =	spop (v2sf)  }
0xc7: {  	(v2sf) =	vpush v32, $0xB;
	[tilespmem:s25], [sflag:$0x1] =	stream.linear.gather [hbm4b:s26+s2], $0x400, $0x38;
	[tilespmem:$0x14800] =	vst v63  }
0xc8: {  	s28 =	sor.u32 $0x1800, s18;
	s29 =	spop (v2sf)  }
0xc9: {  	(v2sf) =	vpush v32, $0xC;
	[tilespmem:s28], [sflag:$0x1] =	stream.linear.gather [hbm4b:s29+s2], $0x400, $0x38;
	[tilespmem:$0x14800] =	vst v63  }
0xca: {  	s30 =	sor.u32 $0x1C00, s18;
	s31 =	spop (v2sf)  }
0xcb: {  	(v2sf) =	vpush v32, $0xD;
	[tilespmem:s30], [sflag:$0x1] =	stream.linear.gather [hbm4b:s31+s2], $0x400, $0x38;
	[tilespmem:$0x14800] =	vst v63  }
0xcc: {  	s21 =	sor.u32 $0x2000, s18;
	s22 =	spop (v2sf)  }
0xcd: {  	(v2sf) =	vpush v32, $0xE;
	[tilespmem:s21], [sflag:$0x1] =	stream.linear.gather [hbm4b:s22+s2], $0x400, $0x38;
	[tilespmem:$0x14800] =	vst v63  }
0xce: {  	s23 =	sor.u32 $0x2400, s18;
	s24 =	spop (v2sf)  }
0xcf: {  	(v2sf) =	vpush v32, $0xF;
	[tilespmem:s23], [sflag:$0x1] =	stream.linear.gather [hbm4b:s24+s2], $0x400, $0x38;
	[tilespmem:$0x14800] =	vst v63  }
0xd0: {  	s25 =	sor.u32 $0x2800, s18;
	s26 =	spop (v2sf)  }
0xd1: {  	[tilespmem:s25], [sflag:$0x1] =	stream.linear.gather [hbm4b:s26+s2], $0x400, $0x38;
	[tilespmem:$0x14800] =	vst v63  }
0xd2: {  	s28 =	sor.u32 $0x2C00, s18;
	s29 =	spop (v2sf)  }
0xd3: {  	[tilespmem:s28], [sflag:$0x1] =	stream.linear.gather [hbm4b:s29+s2], $0x400, $0x38;
	[tilespmem:$0x14800] =	vst v63  }
0xd4: {  	s30 =	sor.u32 $0x3000, s18;
	s31 =	spop (v2sf)  }
0xd5: {  	[tilespmem:s30], [sflag:$0x1] =	stream.linear.gather [hbm4b:s31+s2], $0x400, $0x38;
	[tilespmem:$0x14800] =	vst v63  }
0xd6: {  	s21 =	sor.u32 $0x3400, s18;
	s22 =	spop (v2sf)  }
0xd7: {  	[tilespmem:s21], [sflag:$0x1] =	stream.linear.gather [hbm4b:s22+s2], $0x400, $0x38;
	[tilespmem:$0x14800] =	vst v63  }
0xd8: {  	s23 =	sor.u32 $0x3800, s18;
	s24 =	spop (v2sf)  }
0xd9: {  	[tilespmem:s23], [sflag:$0x1] =	stream.linear.gather [hbm4b:s24+s2], $0x400, $0x38;
	[tilespmem:$0x14800] =	vst v63  }
0xda: {  	s25 =	sor.u32 $0x3C00, s18;
	s26 =	spop (v2sf)  }
0xdb: {  	[tilespmem:s25], [sflag:$0x1] =	stream.linear.gather [hbm4b:s26+s2], $0x400, $0x38;
	[tilespmem:$0x14800] =	vst v63  }
0xdc: {  	s28 =	sor.u32 $0x4000, s18;
	s29 =	spop (v2sf)  }
0xdd: {  	[tilespmem:s28], [sflag:$0x1] =	stream.linear.gather [hbm4b:s29+s2], $0x400, $0x38;
	[tilespmem:$0x14800] =	vst v63  }
0xde: {  	s30 =	sor.u32 $0x4400, s18;
	s31 =	spop (v2sf)  }
0xdf: {  	[tilespmem:s30], [sflag:$0x1] =	stream.linear.gather [hbm4b:s31+s2], $0x400, $0x38;
	[tilespmem:$0x14800] =	vst v63  }
0xe0: {  	v63 =	vld [tilespmem:s17+$0x10];
	_ =	sdelay $0x4  }
0xe1: {  	v32 =	vshrl.u32 v63, $0x7  }
0xe2: {  	v32 =	vshll.u32 v32, $0xA  }
0xe3: {  	v32 =	vadd.s32 s5, v32  }
0xe4: {  	v32 =	vshrl.u32 v32, $0x3  }
0xe5: {  	v32 =	vadd.s32 s1, v32  }
0xe6: {  	(v2sf) =	vpush v32, $0x0;
	_ =	sdelay $0x1  }
0xe7: {  	(v2sf) =	vpush v32, $0x1;
	_ =	sdelay $0x1  }
0xe8: {  	(v2sf) =	vpush v32, $0x2;
	_ =	sdelay $0x1  }
0xe9: {  	(v2sf) =	vpush v32, $0x3;
	_ =	sdelay $0x1  }
0xea: {  	(v2sf) =	vpush v32, $0x4;
	_ =	sdelay $0x1  }
0xeb: {  	(v2sf) =	vpush v32, $0x5;
	_ =	sdelay $0x1  }
0xec: {  	(v2sf) =	vpush v32, $0x6;
	_ =	sdelay $0x1  }
0xed: {  	(v2sf) =	vpush v32, $0x7  }
0xee: {  	s21 =	sor.u32 $0x4800, s18;
	s22 =	spop (v2sf)  }
0xef: {  	(v2sf) =	vpush v32, $0x8;
	[tilespmem:s21], [sflag:$0x1] =	stream.linear.gather [hbm4b:s22+s2], $0x400, $0x38;
	[tilespmem:$0x14800] =	vst v63  }
0xf0: {  	s23 =	sor.u32 $0x4C00, s18;
	s24 =	spop (v2sf)  }
0xf1: {  	(v2sf) =	vpush v32, $0x9;
	[tilespmem:s23], [sflag:$0x1] =	stream.linear.gather [hbm4b:s24+s2], $0x400, $0x38;
	[tilespmem:$0x14800] =	vst v63  }
0xf2: {  	s25 =	sor.u32 $0x5000, s18;
	s26 =	spop (v2sf)  }
0xf3: {  	(v2sf) =	vpush v32, $0xA;
	[tilespmem:s25], [sflag:$0x1] =	stream.linear.gather [hbm4b:s26+s2], $0x400, $0x38;
	[tilespmem:$0x14800] =	vst v63  }
0xf4: {  	s28 =	sor.u32 $0x5400, s18;
	s29 =	spop (v2sf)  }
0xf5: {  	(v2sf) =	vpush v32, $0xB;
	[tilespmem:s28], [sflag:$0x1] =	stream.linear.gather [hbm4b:s29+s2], $0x400, $0x38;
	[tilespmem:$0x14800] =	vst v63  }
0xf6: {  	s30 =	sor.u32 $0x5800, s18;
	s31 =	spop (v2sf)  }
0xf7: {  	(v2sf) =	vpush v32, $0xC;
	[tilespmem:s30], [sflag:$0x1] =	stream.linear.gather [hbm4b:s31+s2], $0x400, $0x38;
	[tilespmem:$0x14800] =	vst v63  }
0xf8: {  	s21 =	sor.u32 $0x5C00, s18;
	s22 =	spop (v2sf)  }
0xf9: {  	(v2sf) =	vpush v32, $0xD;
	[tilespmem:s21], [sflag:$0x1] =	stream.linear.gather [hbm4b:s22+s2], $0x400, $0x38;
	[tilespmem:$0x14800] =	vst v63  }
0xfa: {  	s23 =	sor.u32 $0x6000, s18;
	s24 =	spop (v2sf)  }
0xfb: {  	[tilespmem:s23], [sflag:$0x1] =	stream.linear.gather [hbm4b:s24+s2], $0x400, $0x38;
	[tilespmem:$0x14800] =	vst v63  }
0xfc: {  	s25 =	sor.u32 $0x6400, s18;
	(v2sf) =	vpush v32, $0xE;
	s26 =	spop (v2sf)  }
0xfd: {  	[tilespmem:s25], [sflag:$0x1] =	stream.linear.gather [hbm4b:s26+s2], $0x400, $0x38;
	[tilespmem:$0x14800] =	vst v63  }
0xfe: {  	(v2sf) =	vpush v32, $0xF;
	s29 =	sor.u32 $0x6800, s18;
	s28 =	spop (v2sf)  }
0xff: {  	[tilespmem:s29], [sflag:$0x1] =	stream.linear.gather [hbm4b:s28+s2], $0x400, $0x38;
	[tilespmem:$0x14800] =	vst v63  }
0x100: {  	s31 =	sor.u32 $0x6C00, s18;
	s30 =	spop (v2sf)  }
0x101: {  	[tilespmem:s31], [sflag:$0x1] =	stream.linear.gather [hbm4b:s30+s2], $0x400, $0x38;
	[tilespmem:$0x14800] =	vst v63  }
0x102: {  	s21 =	sor.u32 $0x7000, s18;
	s20 =	spop (v2sf)  }
0x103: {  	[tilespmem:s21], [sflag:$0x1] =	stream.linear.gather [hbm4b:s20+s2], $0x400, $0x38;
	[tilespmem:$0x14800] =	vst v63  }
0x104: {  	s23 =	sor.u32 $0x7400, s18;
	s22 =	spop (v2sf)  }
0x105: {  	[tilespmem:s23], [sflag:$0x1] =	stream.linear.gather [hbm4b:s22+s2], $0x400, $0x38;
	[tilespmem:$0x14800] =	vst v63  }
0x106: {  	s25 =	sor.u32 $0x7800, s18;
	s24 =	spop (v2sf)  }
0x107: {  	[tilespmem:s25], [sflag:$0x1] =	stream.linear.gather [hbm4b:s24+s2], $0x400, $0x38;
	[tilespmem:$0x14800] =	vst v63  }
0x108: {  	p0 =	seq.s32 s14, $0xFFFFFF00;
	s28 =	sor.u32 $0x7C00, s18;
	s26 =	spop (v2sf)  }
0x109: {  	[tilespmem:s28], [sflag:$0x1] =	stream.linear.gather [hbm4b:s26+s2], $0x400, $0x38;
	[tilespmem:$0x14800] =	vst v63  }
.Ltmp4:
0x10a: {  	_ = 	snop;
	(pc) =	sbr.rel @p0 .LBB2_4-.Ltmp4, $4  }
0x10b: {  	s30 =	sadd.s32 $0x8000, s18;
	s29 =	spop (v2sf)  }
0x10c: {  	[tilespmem:s30], [sflag:$0x1] =	stream.linear.gather [hbm4b:s29+s2], $0x400, $0x38;
	[tilespmem:$0x14800] =	vst v63  }
0x10d: {  	s18 =	sadd.s32 $0x8400, s18;
	s31 =	spop (v2sf)  }
0x10e: {  	[tilespmem:s18], [sflag:$0x1] =	stream.linear.gather [hbm4b:s31+s2], $0x400, $0x38;
	[tilespmem:$0x14800] =	vst v63  }
0x10f: {  	_ =	swait.ge [sflag:s9], $0x400  }
0x110: {  	[sflag:s9] =	ssyncset.done $0x0  }
0x111: {  	[sflag:s9] =	ssyncadd.s32 $0xFFFFFC00  }
0x112: {  	_ =	swait.ge [sflag:s9], $0x400  }
0x113: {  	[sflag:s9] =	ssyncset.done $0x0  }
0x114: {  	[sflag:s9] =	ssyncadd.s32 $0xFFFFFC00  }
0x115: {  	_ =	swait.ge [sflag:s9], $0x400  }
0x116: {  	[sflag:s9] =	ssyncset.done $0x0  }
0x117: {  	[sflag:s9] =	ssyncadd.s32 $0xFFFFFC00  }
0x118: {  	_ =	swait.ge [sflag:s9], $0x400  }
0x119: {  	[sflag:s9] =	ssyncset.done $0x0  }
0x11a: {  	[sflag:s9] =	ssyncadd.s32 $0xFFFFFC00  }
0x11b: {  	_ =	swait.ge [sflag:s9], $0x400  }
0x11c: {  	[sflag:s9] =	ssyncset.done $0x0  }
0x11d: {  	[sflag:s9] =	ssyncadd.s32 $0xFFFFFC00  }
0x11e: {  	_ =	swait.ge [sflag:s9], $0x400  }
0x11f: {  	[sflag:s9] =	ssyncset.done $0x0  }
0x120: {  	[sflag:s9] =	ssyncadd.s32 $0xFFFFFC00  }
0x121: {  	_ =	swait.ge [sflag:s9], $0x400  }
0x122: {  	[sflag:s9] =	ssyncset.done $0x0  }
0x123: {  	[sflag:s9] =	ssyncadd.s32 $0xFFFFFC00  }
0x124: {  	_ =	swait.ge [sflag:s9], $0x400  }
0x125: {  	[sflag:s9] =	ssyncset.done $0x0  }
0x126: {  	[sflag:s9] =	ssyncadd.s32 $0xFFFFFC00  }
0x127: {  	_ =	swait.ge [sflag:s9], $0x400  }
0x128: {  	[sflag:s9] =	ssyncset.done $0x0  }
0x129: {  	[sflag:s9] =	ssyncadd.s32 $0xFFFFFC00  }
0x12a: {  	_ =	swait.ge [sflag:s9], $0x400  }
0x12b: {  	[sflag:s9] =	ssyncset.done $0x0  }
0x12c: {  	[sflag:s9] =	ssyncadd.s32 $0xFFFFFC00  }
0x12d: {  	_ =	swait.ge [sflag:s9], $0x400  }
0x12e: {  	[sflag:s9] =	ssyncset.done $0x0  }
0x12f: {  	[sflag:s9] =	ssyncadd.s32 $0xFFFFFC00  }
0x130: {  	_ =	swait.ge [sflag:s9], $0x400  }
0x131: {  	[sflag:s9] =	ssyncset.done $0x0  }
0x132: {  	[sflag:s9] =	ssyncadd.s32 $0xFFFFFC00  }
0x133: {  	_ =	swait.ge [sflag:s9], $0x400  }
0x134: {  	[sflag:s9] =	ssyncset.done $0x0  }
0x135: {  	[sflag:s9] =	ssyncadd.s32 $0xFFFFFC00  }
0x136: {  	_ =	swait.ge [sflag:s9], $0x400  }
0x137: {  	[sflag:s9] =	ssyncset.done $0x0  }
0x138: {  	[sflag:s9] =	ssyncadd.s32 $0xFFFFFC00  }
0x139: {  	_ =	swait.ge [sflag:s9], $0x400  }
0x13a: {  	[sflag:s9] =	ssyncset.done $0x0  }
0x13b: {  	[sflag:s9] =	ssyncadd.s32 $0xFFFFFC00  }
0x13c: {  	_ =	swait.ge [sflag:s9], $0x400  }
0x13d: {  	[sflag:s9] =	ssyncset.done $0x0  }
0x13e: {  	[sflag:s9] =	ssyncadd.s32 $0xFFFFFC00  }
0x13f: {  	_ =	swait.ge [sflag:s9], $0x400  }
0x140: {  	[sflag:s9] =	ssyncset.done $0x0  }
0x141: {  	[sflag:s9] =	ssyncadd.s32 $0xFFFFFC00  }
0x142: {  	_ =	swait.ge [sflag:s9], $0x400  }
0x143: {  	[sflag:s9] =	ssyncset.done $0x0  }
0x144: {  	[sflag:s9] =	ssyncadd.s32 $0xFFFFFC00  }
0x145: {  	_ =	swait.ge [sflag:s9], $0x400  }
0x146: {  	[sflag:s9] =	ssyncset.done $0x0  }
0x147: {  	[sflag:s9] =	ssyncadd.s32 $0xFFFFFC00  }
0x148: {  	_ =	swait.ge [sflag:s9], $0x400  }
0x149: {  	[sflag:s9] =	ssyncset.done $0x0  }
0x14a: {  	[sflag:s9] =	ssyncadd.s32 $0xFFFFFC00  }
0x14b: {  	_ =	swait.ge [sflag:s9], $0x400  }
0x14c: {  	[sflag:s9] =	ssyncset.done $0x0  }
0x14d: {  	[sflag:s9] =	ssyncadd.s32 $0xFFFFFC00  }
0x14e: {  	_ =	swait.ge [sflag:s9], $0x400  }
0x14f: {  	[sflag:s9] =	ssyncset.done $0x0  }
0x150: {  	[sflag:s9] =	ssyncadd.s32 $0xFFFFFC00  }
0x151: {  	_ =	swait.ge [sflag:s9], $0x400  }
0x152: {  	[sflag:s9] =	ssyncset.done $0x0  }
0x153: {  	[sflag:s9] =	ssyncadd.s32 $0xFFFFFC00  }
0x154: {  	_ =	swait.ge [sflag:s9], $0x400  }
0x155: {  	[sflag:s9] =	ssyncset.done $0x0  }
0x156: {  	[sflag:s9] =	ssyncadd.s32 $0xFFFFFC00  }
0x157: {  	_ =	swait.ge [sflag:s9], $0x400  }
0x158: {  	[sflag:s9] =	ssyncset.done $0x0  }
0x159: {  	[sflag:s9] =	ssyncadd.s32 $0xFFFFFC00  }
0x15a: {  	_ =	swait.ge [sflag:s9], $0x400  }
0x15b: {  	[sflag:s9] =	ssyncset.done $0x0  }
0x15c: {  	[sflag:s9] =	ssyncadd.s32 $0xFFFFFC00  }
0x15d: {  	_ =	swait.ge [sflag:s9], $0x400  }
0x15e: {  	[sflag:s9] =	ssyncset.done $0x0  }
0x15f: {  	[sflag:s9] =	ssyncadd.s32 $0xFFFFFC00  }
0x160: {  	_ =	swait.ge [sflag:s9], $0x400  }
0x161: {  	[sflag:s9] =	ssyncset.done $0x0  }
0x162: {  	[sflag:s9] =	ssyncadd.s32 $0xFFFFFC00  }
0x163: {  	_ =	swait.ge [sflag:s9], $0x400  }
0x164: {  	[sflag:s9] =	ssyncset.done $0x0  }
0x165: {  	[sflag:s9] =	ssyncadd.s32 $0xFFFFFC00  }
0x166: {  	_ =	swait.ge [sflag:s9], $0x400  }
0x167: {  	[sflag:s9] =	ssyncset.done $0x0  }
0x168: {  	[sflag:s9] =	ssyncadd.s32 $0xFFFFFC00  }
0x169: {  	_ =	swait.ge [sflag:s9], $0x400  }
0x16a: {  	[sflag:s9] =	ssyncset.done $0x0  }
0x16b: {  	[sflag:s9] =	ssyncadd.s32 $0xFFFFFC00  }
0x16c: {  	_ =	swait.ge [sflag:s9], $0x400  }
0x16d: {  	[sflag:s9] =	ssyncset.done $0x0  }
0x16e: {  	[sflag:s9] =	ssyncadd.s32 $0xFFFFFC00  }
0x16f: {  	v32 =	vld [tilespmem:s17+$0xFFFFFFE0];
	_ =	sdelay $0x3  }
0x170: {  	s18 =	sand.u32 $0x1, s15  }
0x171: {  	s18 =	sshll.u32 s18, $0xF;
	v32 =	vand.u32 $0x7F, v32  }
0x172: {  	v32 =	vor.u32 s18, v32  }
0x173: {  	v33 =	vor.u32 v0, v32;
	_ =	sdelay $0x4  }
0x174: {  	v33 =	vld.idx.msk [tilespmem:v33+s10+$0x0], $0xffff  }
0x175: {  	v34 =	vor.u32 v17, v32  }
0x176: {  	s19 =	sand.u32 $0x7FFFFC00, s14  }
0x177: {  	s20 =	sand.u32 $0x60, s13;
	s19 =	sadd.s32 $0x10800, s19  }
0x178: {  	s21 =	sor.u32 s20, s19  }
0x179: {  	[tilespmem:s21+$0x0] =	vst v33  }
0x17a: {  	v33 =	vld.idx.msk [tilespmem:v34+s10+$0x0], $0xffff  }
0x17b: {  	v52 =	vor.u32 v18, v32;
	_ =	sdelay $0x3  }
0x17c: {  	[tilespmem:s21+$0x80] =	vst v33  }
0x17d: {  	v33 =	vld.idx.msk [tilespmem:v52+s10+$0x0], $0xffff  }
0x17e: {  	v53 =	vor.u32 v19, v32;
	_ =	sdelay $0x3  }
0x17f: {  	[tilespmem:s21+$0x100] =	vst v33  }
0x180: {  	v33 =	vld.idx.msk [tilespmem:v53+s10+$0x0], $0xffff  }
0x181: {  	v54 =	vor.u32 v20, v32;
	_ =	sdelay $0x3  }
0x182: {  	[tilespmem:s21+$0x180] =	vst v33  }
0x183: {  	v33 =	vld.idx.msk [tilespmem:v54+s10+$0x0], $0xffff  }
0x184: {  	v55 =	vor.u32 v21, v32;
	_ =	sdelay $0x3  }
0x185: {  	[tilespmem:s21+$0x200] =	vst v33  }
0x186: {  	v33 =	vld.idx.msk [tilespmem:v55+s10+$0x0], $0xffff  }
0x187: {  	v56 =	vor.u32 v22, v32;
	_ =	sdelay $0x3  }
0x188: {  	[tilespmem:s21+$0x280] =	vst v33  }
0x189: {  	v33 =	vld.idx.msk [tilespmem:v56+s10+$0x0], $0xffff  }
0x18a: {  	s25 =	sor.u32 $0xFFFFFF00, s20;
	v32 =	vor.u32 v23, v32  }
0x18b: {  	s21 =	sadd.s32 s25, s14  }
0x18c: {  	s21 =	sadd.s32 $0x100, s21  }
0x18d: {  	s22 =	sor.u32 $0x300, s21  }
0x18e: {  	[tilespmem:s22+$0x10800] =	vst v33  }
0x18f: {  	v32 =	vld.idx.msk [tilespmem:v32+s10+$0x0], $0xffff;
	_ =	sdelay $0x3  }
0x190: {  	s23 =	sand.u32 $0x7FFFFF80, s13;
	s26 =	sor.u32 $0x10, s20;
	s21 =	sor.u32 $0x380, s21  }
0x191: {  	s28 =	sor.u32 s26, s23;
	[tilespmem:s21+$0x10800] =	vst v32  }
0x192: {  	v32 =	vld [tilespmem:s28+$0x0];
	_ =	sdelay $0x4  }
0x193: {  	v32 =	vand.u32 $0x7F, v32  }
0x194: {  	v32 =	vor.u32 s18, v32  }
0x195: {  	v57 =	vor.u32 v24, v32;
	_ =	sdelay $0x4  }
0x196: {  	v33 =	vld.idx.msk [tilespmem:v57+s10+$0x0], $0xffff  }
0x197: {  	v58 =	vor.u32 v25, v32;
	_ =	sdelay $0x2  }
0x198: {  	s29 =	sor.u32 s26, s19  }
0x199: {  	[tilespmem:s29+$0x0] =	vst v33  }
0x19a: {  	v33 =	vld.idx.msk [tilespmem:v58+s10+$0x0], $0xffff  }
0x19b: {  	v59 =	vor.u32 v26, v32;
	_ =	sdelay $0x3  }
0x19c: {  	[tilespmem:s29+$0x80] =	vst v33  }
0x19d: {  	v33 =	vld.idx.msk [tilespmem:v59+s10+$0x0], $0xffff  }
0x19e: {  	v60 =	vor.u32 v27, v32;
	_ =	sdelay $0x3  }
0x19f: {  	[tilespmem:s29+$0x100] =	vst v33  }
0x1a0: {  	v33 =	vld.idx.msk [tilespmem:v60+s10+$0x0], $0xffff  }
0x1a1: {  	v61 =	vor.u32 v28, v32;
	_ =	sdelay $0x3  }
0x1a2: {  	[tilespmem:s29+$0x180] =	vst v33  }
0x1a3: {  	v33 =	vld.idx.msk [tilespmem:v61+s10+$0x0], $0xffff  }
0x1a4: {  	v62 =	vor.u32 v29, v32;
	_ =	sdelay $0x3  }
0x1a5: {  	[tilespmem:s29+$0x200] =	vst v33  }
0x1a6: {  	v33 =	vld.idx.msk [tilespmem:v62+s10+$0x0], $0xffff  }
0x1a7: {  	v63 =	vor.u32 v30, v32;
	_ =	sdelay $0x3  }
0x1a8: {  	[tilespmem:s29+$0x280] =	vst v33  }
0x1a9: {  	v33 =	vld.idx.msk [tilespmem:v63+s10+$0x0], $0xffff  }
0x1aa: {  	s30 =	sor.u32 $0xFFFFFF10, s20;
	v32 =	vor.u32 v31, v32  }
0x1ab: {  	s18 =	sadd.s32 s30, s14  }
0x1ac: {  	s18 =	sadd.s32 $0x100, s18  }
0x1ad: {  	s31 =	sor.u32 $0x300, s18  }
0x1ae: {  	[tilespmem:s31+$0x10800] =	vst v33  }
0x1af: {  	v32 =	vld.idx.msk [tilespmem:v32+s10+$0x0], $0xffff  }
.Ltmp5:
0x1b0: {  	_ = 	snop;
	(pc) =	sbr.rel .LBB2_4-.Ltmp5, $3  }
0x1b1: {  	_ =	sdelay $0x1  }
0x1b2: {  	s18 =	sor.u32 $0x380, s18  }
0x1b3: {  	[tilespmem:s18+$0x10800] =	vst v32  }
.LBB2_6:
0x1b4: {  	_ =	sfence.sel $0x180000  }
0x1b5: {  	[bflag:$0x0] =	sbarrier.arrive $0xFFFF  }
0x1b6: {  	p0 =	sne.s32 s3, $0x0;
	_ =	strace $0x90000047  }
0x1b7: {  	s0 =	sadd.s32 @!p0 $0x100000, s0;
	[bflag:$0x2] =	sbarrier.arrive $0xFFFF  }
0x1b8: {  	[sflag:s0] =	ssyncadd.tile.s32 @!p0 $0x1;
	_ =	shalt  }
.Lfunc_end2:
_tile_overlayer_lowered:
.L_overlay_start_2:
0x1b9: {  	(tag) =	ssettag $0x2  }
0x1ba: {  	s0 =	rddreg [dreg:$0x0];
	s2 =	stileid.u32  }
0x1bb: {  	s1 =	rddreg [dreg:$0x1];
	p0 =	sne.s32 s2, $0x0  }
0x1bc: {  	s3 =	rddreg [dreg:$0x2];
	[bflag:$0x3] =	sbarrier.arrive $0xFFFF;
	s2 =	simm.s32 @!p0 $0x1C02  }
0x1bd: {  	[timem:s3], [sflag:s2] =	dma.local @!p0 [hbm:s0], s1  }
0x1be: {  	s0 =	simm.s32 @!p0 $0x2  }
0x1bf: {  	_ =	swait.ge @!p0 [sflag:s0], s1  }
0x1c0: {  	s1 =	ssub.s32 @!p0 $0x0, s1;
	[sflag:s0] =	ssyncset.done @!p0 $0x0  }
0x1c1: {  	[sflag:s0] =	ssyncadd.s32 @!p0 s1  }
0x1c2: {  	[bflag:$0x3] =	sbarrier.arrive $0xFFFF  }
0x1c3: {  	_ =	shalt  }

</sc_bundles>
